<compile_context>
chip_gen: v7x
topology: tpu7x:2x2x1
jax: 0.10.2.dev20260603
libtpu: 0.0.44.dev20260713+nightly
codegen_flags: <defaults>
</compile_context>

<pallas_src>
import jax
import jax.numpy as jnp
from jax import lax
from jax.experimental import pallas as pl
from jax.experimental.pallas import tpu as pltpu
from jax.experimental.pallas import tpu_sc as plsc

F, C, H, W = 16, 128, 64, 64
N, M = 2048, 4096
NC, NS = 2, 16
NW = NC * NS
PW = N // NW
OWN = N // NS
LN = 16
E = 2 * M


def _balayer_body(feats_hbm, img_hbm, x_hbm, y_hbm, tracks_hbm,
                  assoc_out, samp_out,
                  srcf_v, tgtf_v, esrc_v, eoff_v, perm_v, islast_v,
                  lold_v, lown_v, ranks_v, aself_v, assoc_v,
                  myflag_v, flagbuf_v, accflag_v,
                  img_v, x_v, y_v, idx_v, w_v, rows_v, out_v,
                  labels_sp, flags_sp, sem, sem2):
    cid = lax.axis_index("c")
    sid = lax.axis_index("s")
    wid = sid * NC + cid
    base = wid * PW
    lane = lax.iota(jnp.int32, LN)
    zeros = jnp.zeros((LN,), jnp.int32)

    stage = [pltpu.async_copy(img_hbm.at[pl.ds(base, PW)], img_v, sem2),
             pltpu.async_copy(x_hbm.at[pl.ds(base, PW)], x_v, sem2),
             pltpu.async_copy(y_hbm.at[pl.ds(base, PW)], y_v, sem2)]
    for cp in stage:
        cp.wait()

    for g in range(PW // LN):
        sl = pl.ds(g * LN, LN)
        xg = x_v[sl]
        yg = y_v[sl]
        im = img_v[sl]
        x0 = jnp.minimum(jnp.maximum(xg.astype(jnp.int32), 0), W - 2)
        y0 = jnp.minimum(jnp.maximum(yg.astype(jnp.int32), 0), H - 2)
        wx = xg - x0.astype(jnp.float32)
        wy = yg - y0.astype(jnp.float32)
        bidx = im * (H * W) + y0 * W + x0
        idx_v[0, sl] = bidx
        idx_v[1, sl] = bidx + 1
        idx_v[2, sl] = bidx + W
        idx_v[3, sl] = bidx + W + 1
        w_v[0, sl] = (1.0 - wy) * (1.0 - wx)
        w_v[1, sl] = (1.0 - wy) * wx
        w_v[2, sl] = wy * (1.0 - wx)
        w_v[3, sl] = wy * wx

    copies = [pltpu.async_copy(feats_hbm.at[idx_v.at[k]], rows_v.at[k], sem)
              for k in range(4)]

    @pl.when(cid == 0)
    def _association():
        nbase = sid * OWN

        ecp = [pltpu.async_copy(tracks_hbm.at[0], srcf_v.at[pl.ds(0, M)],
                                sem2),
               pltpu.async_copy(tracks_hbm.at[1], srcf_v.at[pl.ds(M, M)],
                                sem2),
               pltpu.async_copy(tracks_hbm.at[1], tgtf_v.at[pl.ds(0, M)],
                                sem2),
               pltpu.async_copy(tracks_hbm.at[0], tgtf_v.at[pl.ds(M, M)],
                                sem2)]
        for cp in ecp:
            cp.wait()

        def init_full(i, c):
            lold_v[pl.ds(i * LN, LN)] = i * LN + lane
            return c
        lax.fori_loop(0, N // LN, init_full, 0)

        def init_own(i, c):
            lown_v[pl.ds(i * LN, LN)] = nbase + i * LN + lane
            return c
        lax.fori_loop(0, OWN // LN, init_own, 0)

        def part_body(v, cnt):
            sl2 = pl.ds(v * LN, LN)
            s = srcf_v[sl2]
            t = tgtf_v[sl2]
            own = (t // OWN) == sid
            plsc.store_compressed(esrc_v.at[pl.ds(cnt, LN)], s, mask=own)
            plsc.store_compressed(eoff_v.at[pl.ds(cnt, LN)], t - nbase,
                                  mask=own)
            return cnt + jnp.max(plsc.all_reduce_population_count(own))
        cnt = lax.fori_loop(0, E // LN, part_body, jnp.int32(0))
        esrc_v[pl.ds(cnt, LN)] = zeros + nbase
        eoff_v[pl.ds(cnt, LN)] = zeros
        nv = (cnt + LN - 1) // LN

        def sort_body(v, c):
            sl2 = pl.ds(v * LN, LN)
            tk, pm = plsc.sort_key_val(eoff_v[sl2], lane)
            nxt = jnp.minimum(lane + 1, LN - 1)
            kn = jnp.take_along_axis(tk, nxt, axis=0)
            eoff_v[sl2] = tk
            perm_v[sl2] = pm
            islast_v[sl2] = jnp.where(
                jnp.logical_or(kn != tk, lane == LN - 1), 1, 0)
            return c
        lax.fori_loop(0, nv, sort_body, 0)

        def round_body(r, active):
            p = r & 1

            @pl.when(active)
            def _pass():
                myflag_v[...] = zeros

                def edge_body(v, c):
                    sl2 = pl.ds(v * LN, LN)
                    m = plsc.load_gather(lold_v, [esrc_v[sl2]])
                    tk = eoff_v[sl2]
                    mv = jnp.take_along_axis(m, perm_v[sl2], axis=0)
                    for d in (1, 2, 4, 8):
                        sh = jnp.maximum(lane - d, 0)
                        k2 = jnp.take_along_axis(tk, sh, axis=0)
                        m2 = jnp.take_along_axis(mv, sh, axis=0)
                        same = jnp.logical_and(k2 == tk, lane >= d)
                        mv = jnp.where(same, jnp.minimum(mv, m2), mv)
                    is_last = islast_v[sl2] != 0
                    cur = plsc.load_gather(lown_v, [tk])
                    upd = jnp.minimum(cur, mv)
                    need = jnp.logical_and(upd < cur, is_last)
                    plsc.store_scatter(lown_v, [tk], upd, mask=need)
                    myflag_v[...] = myflag_v[...] | jnp.where(need, 1, 0)
                    return c
                lax.fori_loop(0, nv, edge_body, 0)

                cpa = pltpu.async_copy(
                    lown_v, labels_sp.at[pl.ds(p * N + nbase, OWN)], sem2)
                cpb = pltpu.async_copy(
                    myflag_v, flags_sp.at[pl.ds((p * NS + sid) * LN, LN)],
                    sem2)
                cpa.wait()
                cpb.wait()

                plsc.subcore_barrier()

                cpc = pltpu.async_copy(
                    labels_sp.at[pl.ds(p * N, N)], lold_v, sem2)
                cpd = pltpu.async_copy(
                    flags_sp.at[pl.ds(p * NS * LN, NS * LN)], flagbuf_v,
                    sem2)
                cpc.wait()
                cpd.wait()
                acc = zeros
                for i in range(NS):
                    acc = acc | flagbuf_v[pl.ds(i * LN, LN)]
                accflag_v[...] = acc

            return jnp.logical_and(active, jnp.any(accflag_v[...] != 0))

        lax.fori_loop(0, F, round_body, jnp.bool_(True))

        @pl.when(sid == 0)
        def _finalize():
            def rank_body(i, carry):
                sl2 = pl.ds(i * LN, LN)
                v = lold_v[sl2]
                idxv = i * LN + lane
                selfm = v == idxv
                csum = plsc.cumsum(jnp.where(selfm, 1, 0).astype(jnp.int32))
                rk = carry + csum - 1
                ranks_v[sl2] = rk
                aself_v[sl2] = jnp.where(selfm, rk, 0)
                return carry + jnp.max(csum)
            lax.fori_loop(0, N // LN, rank_body, jnp.int32(0))

            def fin_body(i, c):
                sl2 = pl.ds(i * LN, LN)
                v = lold_v[sl2]
                idxv = i * LN + lane
                selfm = v == idxv
                gathered = plsc.load_gather(aself_v, [v])
                assoc_v[sl2] = jnp.where(selfm, ranks_v[sl2], gathered)
                return c
            lax.fori_loop(0, N // LN, fin_body, 0)

            pltpu.sync_copy(assoc_v, assoc_out)

    for cp in copies:
        cp.wait()

    ksplat = [jnp.full((LN,), k, jnp.int32) for k in range(4)]
    for g in range(PW // LN):
        sl = pl.ds(g * LN, LN)
        nid = g * LN + lane
        w0 = w_v[0, sl]
        w1 = w_v[1, sl]
        w2 = w_v[2, sl]
        w3 = w_v[3, sl]

        def chan_body(c, carry, nid=nid, w0=w0, w1=w1, w2=w2, w3=w3):
            cc = zeros + c
            acc = w0 * plsc.load_gather(rows_v, [ksplat[0], nid, cc])
            acc = acc + w1 * plsc.load_gather(rows_v, [ksplat[1], nid, cc])
            acc = acc + w2 * plsc.load_gather(rows_v, [ksplat[2], nid, cc])
            acc = acc + w3 * plsc.load_gather(rows_v, [ksplat[3], nid, cc])
            plsc.store_scatter(out_v, [nid, cc], acc)
            return carry
        lax.fori_loop(0, C, chan_body, 0)

    pltpu.sync_copy(out_v, samp_out.at[pl.ds(base, PW)])


@jax.jit
def _balayer_sc(feats_t, img, x, y, tracks):
    run = pl.kernel(
        _balayer_body,
        out_type=(jax.ShapeDtypeStruct((N,), jnp.int32),
                  jax.ShapeDtypeStruct((N, C), jnp.float32)),
        mesh=plsc.VectorSubcoreMesh(core_axis_name="c", subcore_axis_name="s"),
        compiler_params=pltpu.CompilerParams(needs_layout_passes=False),
        scratch_types=[
            pltpu.VMEM((E,), jnp.int32),
            pltpu.VMEM((E,), jnp.int32),
            pltpu.VMEM((E + LN,), jnp.int32),
            pltpu.VMEM((E + LN,), jnp.int32),
            pltpu.VMEM((E + LN,), jnp.int32),
            pltpu.VMEM((E + LN,), jnp.int32),
            pltpu.VMEM((N,), jnp.int32),
            pltpu.VMEM((OWN,), jnp.int32),
            pltpu.VMEM((N,), jnp.int32),
            pltpu.VMEM((N,), jnp.int32),
            pltpu.VMEM((N,), jnp.int32),
            pltpu.VMEM((LN,), jnp.int32),
            pltpu.VMEM((NS * LN,), jnp.int32),
            pltpu.VMEM((LN,), jnp.int32),
            pltpu.VMEM((PW,), jnp.int32),
            pltpu.VMEM((PW,), jnp.float32),
            pltpu.VMEM((PW,), jnp.float32),
            pltpu.VMEM((4, PW), jnp.int32),
            pltpu.VMEM((4, PW), jnp.float32),
            pltpu.VMEM((4, PW, C), jnp.float32),
            pltpu.VMEM((PW, C), jnp.float32),
            pltpu.VMEM_SHARED((2 * N,), jnp.int32),
            pltpu.VMEM_SHARED((2 * NS * LN,), jnp.int32),
            pltpu.SemaphoreType.DMA,
            pltpu.SemaphoreType.DMA,
        ],
    )
    return run(feats_t, img, x, y, tracks)


def kernel(proj_mats, feats, feat_img, feat_loc, tracks):
    del proj_mats
    feats_t = jnp.transpose(feats, (0, 2, 3, 1)).reshape(F * H * W, C)
    img = feat_img[:, 0]
    x = feat_loc[:, 0]
    y = feat_loc[:, 1]
    return _balayer_sc(feats_t, img, x, y, tracks)

# --- scband reference (transcript-rebuilt; emitter-appended) ---
"""Pipeline reference for scband-balayer-46119358825150 (READ-ONLY COPY).

The authoritative reference and input builder live on the scoring server;
editing this copy changes nothing except your own understanding.
"""

import jax, jax.numpy as jnp
import numpy as np

F, C, H, W = 16, 128, 64, 64
N, M = 2048, 4096


def setup_inputs(seed: int = 0):
    key = jax.random.key(seed)
    k1, k2, k3, k4, k5 = jax.random.split(key, 5)
    proj_mats = jax.random.normal(k1, (F, 3, 3), dtype=jnp.float32)
    feats = jax.random.normal(k2, (F, C, H, W), dtype=jnp.float32)
    feat_img = jax.random.randint(k3, (N, 1), 0, F, dtype=jnp.int32)
    feat_loc = jax.random.uniform(k4, (N, 2), dtype=jnp.float32) * (H - 1)
    tracks = jax.random.randint(k5, (2, M), 0, N, dtype=jnp.int32)
    tracks = jnp.sort(tracks, axis=0)  # lower feature index first, as required
    return {"proj_mats": proj_mats, "feats": feats, "feat_img": feat_img,
            "feat_loc": feat_loc, "tracks": tracks}


def _association(tracks, n_img, n_feat):
    # find_3d_point_association: build symmetric match adjacency + identity,
    # raise to integer power n_img (transitive match propagation), then
    # associate_3d_point_indices_2_features via leading-feature minimization.
    idx = jnp.arange(n_feat, dtype=jnp.int32)
    rows = jnp.concatenate([tracks[0], tracks[1], idx])
    cols = jnp.concatenate([tracks[1], tracks[0], idx])
    A = jnp.zeros((n_feat, n_feat), dtype=jnp.float32).at[rows, cols].add(1.0)
    Ap = jnp.linalg.matrix_power(A, n_img)  # int_matrix_power equivalent (dense)
    conn = Ap > 0  # full_matches = nonzero pairs (i, j), i < j
    # find_leading_feature_from_full_matches, vmapped over all feature indices:
    # leading[j] = min(j, min_{i < j, conn[i, j]} i)
    cand = jnp.where(conn & (idx[:, None] < idx[None, :]), idx[:, None], idx[None, :])
    leading = jnp.min(cand, axis=0)
    is_self = leading == idx
    ranks = jnp.cumsum(is_self.astype(jnp.int32)) - 1
    assoc_self = jnp.where(is_self, ranks, 0)
    association = jnp.where(is_self, assoc_self, assoc_self[leading])
    return association


def _bilinear_sample(feats, feat_img, feat_loc):
    Hh, Ww = feats.shape[2], feats.shape[3]
    img = feat_img[:, 0]
    x = feat_loc[:, 0]
    y = feat_loc[:, 1]
    x0 = jnp.clip(jnp.floor(x).astype(jnp.int32), 0, Ww - 2)
    y0 = jnp.clip(jnp.floor(y).astype(jnp.int32), 0, Hh - 2)
    wx = (x - x0.astype(x.dtype))[:, None]
    wy = (y - y0.astype(y.dtype))[:, None]
    v00 = feats[img, :, y0, x0]
    v01 = feats[img, :, y0, x0 + 1]
    v10 = feats[img, :, y0 + 1, x0]
    v11 = feats[img, :, y0 + 1, x0 + 1]
    return (v00 * (1 - wy) * (1 - wx) + v01 * (1 - wy) * wx
            + v10 * wy * (1 - wx) + v11 * wy * wx)


def reference(proj_mats, feats, feat_img, feat_loc, tracks):
    n_img = feats.shape[0]
    n_feat = feat_img.shape[0]
    association = _association(tracks, n_img, n_feat)
    sampled = _bilinear_sample(feats, feat_img, feat_loc)
    return association, sampled

if __name__ == "__main__":
    import jax
    _d = setup_inputs()
    print(jax.jit(kernel)(*tuple(_d.values())))

</pallas_src>

<mosaic_0001>
#map = affine_map<(d0, d1) -> (0, 0)>
#map1 = affine_map<(d0, d1) -> (0)>
module attributes {stable_mosaic.version = 14 : i64} {
  func.func @_balayer_body(%arg0: i32, %arg1: i32, %arg2: memref<65536x128xf32, #tpu.memory_space<hbm>>, %arg3: memref<2048xi32, #tpu.memory_space<hbm>>, %arg4: memref<2048xf32, #tpu.memory_space<hbm>>, %arg5: memref<2048xf32, #tpu.memory_space<hbm>>, %arg6: memref<2x4096xi32, #tpu.memory_space<hbm>>, %arg7: memref<2048xi32, #tpu.memory_space<hbm>>, %arg8: memref<2048x128xf32, #tpu.memory_space<hbm>>, %arg9: memref<8192xi32, #tpu.memory_space<vmem>>, %arg10: memref<8192xi32, #tpu.memory_space<vmem>>, %arg11: memref<8208xi32, #tpu.memory_space<vmem>>, %arg12: memref<8208xi32, #tpu.memory_space<vmem>>, %arg13: memref<8208xi32, #tpu.memory_space<vmem>>, %arg14: memref<8208xi32, #tpu.memory_space<vmem>>, %arg15: memref<2048xi32, #tpu.memory_space<vmem>>, %arg16: memref<128xi32, #tpu.memory_space<vmem>>, %arg17: memref<2048xi32, #tpu.memory_space<vmem>>, %arg18: memref<2048xi32, #tpu.memory_space<vmem>>, %arg19: memref<2048xi32, #tpu.memory_space<vmem>>, %arg20: memref<16xi32, #tpu.memory_space<vmem>>, %arg21: memref<256xi32, #tpu.memory_space<vmem>>, %arg22: memref<16xi32, #tpu.memory_space<vmem>>, %arg23: memref<64xi32, #tpu.memory_space<vmem>>, %arg24: memref<64xf32, #tpu.memory_space<vmem>>, %arg25: memref<64xf32, #tpu.memory_space<vmem>>, %arg26: memref<4x64xi32, #tpu.memory_space<vmem>>, %arg27: memref<4x64xf32, #tpu.memory_space<vmem>>, %arg28: memref<4x64x128xf32, #tpu.memory_space<vmem>>, %arg29: memref<64x128xf32, #tpu.memory_space<vmem>>, %arg30: memref<4096xi32, #tpu.memory_space<vmem_shared>>, %arg31: memref<512xi32, #tpu.memory_space<vmem_shared>>, %arg32: memref<!tpu.dma_semaphore, #tpu.memory_space<semaphore_mem>>, %arg33: memref<!tpu.dma_semaphore, #tpu.memory_space<semaphore_mem>>) attributes {dimension_semantics = [#tpu.dimension_semantics<core_parallel>, #tpu.dimension_semantics<subcore_parallel>], iteration_bounds = array<i64: 2, 16>, scalar_prefetch = 0 : i64, scratch_operands = 25 : i64, tpu.core_type = #tpu.core_type<sc_vector_subcore>, window_params = [{transform_indices = #map}, {transform_indices = #map1}, {transform_indices = #map1}, {transform_indices = #map1}, {transform_indices = #map}, {transform_indices = #map1}, {transform_indices = #map}]} {
    %mul3A = arith.constant 2 : i32
    %mul3A_0 = arith.muli %arg1, %mul3A : i32
    %add3A = arith.addi %mul3A_0, %arg0 : i32
    %mul3A_1 = arith.constant 64 : i32
    %mul3A_2 = arith.muli %add3A, %mul3A_1 : i32
    %iota3A = tpu.iota {dimensions = array<i32: 0>} : vector<16xi32>
    %broadcast_in_dim3A = arith.constant 0 : i32
    %broadcast_in_dim3A_3 = vector.broadcast %broadcast_in_dim3A : i32 to vector<16xi32>
    %dma_start3A = tpu.memref_slice %arg3[%mul3A_2] : memref<2048xi32, #tpu.memory_space<hbm>> -> memref<64xi32, #tpu.memory_space<hbm>>
    %dma_start3A_4 = tpu.memref_slice %arg3[%mul3A_2] : memref<2048xi32, #tpu.memory_space<hbm>> -> memref<64xi32, #tpu.memory_space<hbm>>
    tpu.enqueue_dma source(%dma_start3A_4 : memref<64xi32, #tpu.memory_space<hbm>>) target(%arg23 : memref<64xi32, #tpu.memory_space<vmem>>) target_semaphore(%arg33 : memref<!tpu.dma_semaphore, #tpu.memory_space<semaphore_mem>>)
    %dma_start3A_5 = tpu.memref_slice %arg4[%mul3A_2] : memref<2048xf32, #tpu.memory_space<hbm>> -> memref<64xf32, #tpu.memory_space<hbm>>
    %dma_start3A_6 = tpu.memref_slice %arg4[%mul3A_2] : memref<2048xf32, #tpu.memory_space<hbm>> -> memref<64xf32, #tpu.memory_space<hbm>>
    tpu.enqueue_dma source(%dma_start3A_6 : memref<64xf32, #tpu.memory_space<hbm>>) target(%arg24 : memref<64xf32, #tpu.memory_space<vmem>>) target_semaphore(%arg33 : memref<!tpu.dma_semaphore, #tpu.memory_space<semaphore_mem>>)
    %dma_start3A_7 = tpu.memref_slice %arg5[%mul3A_2] : memref<2048xf32, #tpu.memory_space<hbm>> -> memref<64xf32, #tpu.memory_space<hbm>>
    %dma_start3A_8 = tpu.memref_slice %arg5[%mul3A_2] : memref<2048xf32, #tpu.memory_space<hbm>> -> memref<64xf32, #tpu.memory_space<hbm>>
    tpu.enqueue_dma source(%dma_start3A_8 : memref<64xf32, #tpu.memory_space<hbm>>) target(%arg25 : memref<64xf32, #tpu.memory_space<vmem>>) target_semaphore(%arg33 : memref<!tpu.dma_semaphore, #tpu.memory_space<semaphore_mem>>)
    %dma_wait3A = tpu.memref_slice %arg3[%mul3A_2] : memref<2048xi32, #tpu.memory_space<hbm>> -> memref<64xi32, #tpu.memory_space<hbm>>
    %dma_wait3A_9 = tpu.memref_slice %arg3[%mul3A_2] : memref<2048xi32, #tpu.memory_space<hbm>> -> memref<64xi32, #tpu.memory_space<hbm>>
    tpu.wait_dma2 semaphore(%arg33 : memref<!tpu.dma_semaphore, #tpu.memory_space<semaphore_mem>>) src(%dma_wait3A_9 : memref<64xi32, #tpu.memory_space<hbm>>) dst(%arg23 : memref<64xi32, #tpu.memory_space<vmem>>)
    %dma_wait3A_10 = tpu.memref_slice %arg4[%mul3A_2] : memref<2048xf32, #tpu.memory_space<hbm>> -> memref<64xf32, #tpu.memory_space<hbm>>
    %dma_wait3A_11 = tpu.memref_slice %arg4[%mul3A_2] : memref<2048xf32, #tpu.memory_space<hbm>> -> memref<64xf32, #tpu.memory_space<hbm>>
    tpu.wait_dma2 semaphore(%arg33 : memref<!tpu.dma_semaphore, #tpu.memory_space<semaphore_mem>>) src(%dma_wait3A_11 : memref<64xf32, #tpu.memory_space<hbm>>) dst(%arg24 : memref<64xf32, #tpu.memory_space<vmem>>)
    %dma_wait3A_12 = tpu.memref_slice %arg5[%mul3A_2] : memref<2048xf32, #tpu.memory_space<hbm>> -> memref<64xf32, #tpu.memory_space<hbm>>
    %dma_wait3A_13 = tpu.memref_slice %arg5[%mul3A_2] : memref<2048xf32, #tpu.memory_space<hbm>> -> memref<64xf32, #tpu.memory_space<hbm>>
    tpu.wait_dma2 semaphore(%arg33 : memref<!tpu.dma_semaphore, #tpu.memory_space<semaphore_mem>>) src(%dma_wait3A_13 : memref<64xf32, #tpu.memory_space<hbm>>) dst(%arg25 : memref<64xf32, #tpu.memory_space<vmem>>)
    %get3A = arith.constant 0 : index
    %get3A_14 = tpu.vector_load %arg24[%get3A] {strides = array<i32>} : memref<64xf32, #tpu.memory_space<vmem>>, vector<16xf32>,
    %get3A_15 = arith.constant 0 : index
    %get3A_16 = tpu.vector_load %arg25[%get3A_15] {strides = array<i32>} : memref<64xf32, #tpu.memory_space<vmem>>, vector<16xf32>,
    %get3A_17 = arith.constant 0 : index
    %get3A_18 = tpu.vector_load %arg23[%get3A_17] {strides = array<i32>} : memref<64xi32, #tpu.memory_space<vmem>>, vector<16xi32>,
    %convert_element_type3A = arith.fptosi %get3A_14 : vector<16xf32> to vector<16xi32>
    %max3A = arith.constant 0 : i32
    %max3A_19 = vector.broadcast %max3A : i32 to vector<16xi32>
    %max3A_20 = arith.maxsi %convert_element_type3A, %max3A_19 : vector<16xi32>
    %min3A = arith.constant 62 : i32
    %min3A_21 = vector.broadcast %min3A : i32 to vector<16xi32>
    %min3A_22 = arith.minsi %max3A_20, %min3A_21 : vector<16xi32>
    %convert_element_type3A_23 = arith.fptosi %get3A_16 : vector<16xf32> to vector<16xi32>
    %max3A_24 = arith.constant 0 : i32
    %max3A_25 = vector.broadcast %max3A_24 : i32 to vector<16xi32>
    %max3A_26 = arith.maxsi %convert_element_type3A_23, %max3A_25 : vector<16xi32>
    %min3A_27 = arith.constant 62 : i32
    %min3A_28 = vector.broadcast %min3A_27 : i32 to vector<16xi32>
    %min3A_29 = arith.minsi %max3A_26, %min3A_28 : vector<16xi32>
    %convert_element_type3A_30 = arith.sitofp %min3A_22 : vector<16xi32> to vector<16xf32>
    %sub3A = arith.subf %get3A_14, %convert_element_type3A_30 : vector<16xf32>
    %convert_element_type3A_31 = arith.sitofp %min3A_29 : vector<16xi32> to vector<16xf32>
    %sub3A_32 = arith.subf %get3A_16, %convert_element_type3A_31 : vector<16xf32>
    %mul3A_33 = arith.constant 4096 : i32
    %mul3A_34 = vector.broadcast %mul3A_33 : i32 to vector<16xi32>
    %mul3A_35 = arith.muli %get3A_18, %mul3A_34 : vector<16xi32>
    %mul3A_36 = arith.constant 64 : i32
    %mul3A_37 = vector.broadcast %mul3A_36 : i32 to vector<16xi32>
    %mul3A_38 = arith.muli %min3A_29, %mul3A_37 : vector<16xi32>
    %add3A_39 = arith.addi %mul3A_35, %mul3A_38 : vector<16xi32>
    %add3A_40 = arith.addi %add3A_39, %min3A_22 : vector<16xi32>
    %swap3A = arith.constant 0 : i32
    %swap3A_41 = arith.index_cast %swap3A : i32 to index
    %swap3A_42 = arith.constant 0 : index
    %swap3A_43 = tpu.vector_load %arg26[%swap3A_41, %swap3A_42] {strides = array<i32>} : memref<4x64xi32, #tpu.memory_space<vmem>>, vector<16xi32>,
    tpu.vector_store %arg26[%swap3A_41, %swap3A_42], %add3A_40 {strides = array<i32>} : memref<4x64xi32, #tpu.memory_space<vmem>>, vector<16xi32>,
    %add3A_44 = arith.constant 1 : i32
    %add3A_45 = vector.broadcast %add3A_44 : i32 to vector<16xi32>
    %add3A_46 = arith.addi %add3A_40, %add3A_45 : vector<16xi32>
    %swap3A_47 = arith.constant 1 : i32
    %swap3A_48 = arith.index_cast %swap3A_47 : i32 to index
    %swap3A_49 = arith.constant 0 : index
    %swap3A_50 = tpu.vector_load %arg26[%swap3A_48, %swap3A_49] {strides = array<i32>} : memref<4x64xi32, #tpu.memory_space<vmem>>, vector<16xi32>,
    tpu.vector_store %arg26[%swap3A_48, %swap3A_49], %add3A_46 {strides = array<i32>} : memref<4x64xi32, #tpu.memory_space<vmem>>, vector<16xi32>,
    %add3A_51 = arith.constant 64 : i32
    %add3A_52 = vector.broadcast %add3A_51 : i32 to vector<16xi32>
    %add3A_53 = arith.addi %add3A_40, %add3A_52 : vector<16xi32>
    %swap3A_54 = arith.constant 2 : i32
    %swap3A_55 = arith.index_cast %swap3A_54 : i32 to index
    %swap3A_56 = arith.constant 0 : index
    %swap3A_57 = tpu.vector_load %arg26[%swap3A_55, %swap3A_56] {strides = array<i32>} : memref<4x64xi32, #tpu.memory_space<vmem>>, vector<16xi32>,
    tpu.vector_store %arg26[%swap3A_55, %swap3A_56], %add3A_53 {strides = array<i32>} : memref<4x64xi32, #tpu.memory_space<vmem>>, vector<16xi32>,
    %add3A_58 = arith.constant 64 : i32
    %add3A_59 = vector.broadcast %add3A_58 : i32 to vector<16xi32>
    %add3A_60 = arith.addi %add3A_40, %add3A_59 : vector<16xi32>
    %add3A_61 = arith.constant 1 : i32
    %add3A_62 = vector.broadcast %add3A_61 : i32 to vector<16xi32>
    %add3A_63 = arith.addi %add3A_60, %add3A_62 : vector<16xi32>
    %swap3A_64 = arith.constant 3 : i32
    %swap3A_65 = arith.index_cast %swap3A_64 : i32 to index
    %swap3A_66 = arith.constant 0 : index
    %swap3A_67 = tpu.vector_load %arg26[%swap3A_65, %swap3A_66] {strides = array<i32>} : memref<4x64xi32, #tpu.memory_space<vmem>>, vector<16xi32>,
    tpu.vector_store %arg26[%swap3A_65, %swap3A_66], %add3A_63 {strides = array<i32>} : memref<4x64xi32, #tpu.memory_space<vmem>>, vector<16xi32>,
    %sub3A_68 = arith.constant 1.000000e+00 : f32
    %sub3A_69 = vector.broadcast %sub3A_68 : f32 to vector<16xf32>
    %sub3A_70 = arith.subf %sub3A_69, %sub3A_32 : vector<16xf32>
    %sub3A_71 = arith.constant 1.000000e+00 : f32
    %sub3A_72 = vector.broadcast %sub3A_71 : f32 to vector<16xf32>
    %sub3A_73 = arith.subf %sub3A_72, %sub3A : vector<16xf32>
    %mul3A_74 = arith.mulf %sub3A_70, %sub3A_73 : vector<16xf32>
    %swap3A_75 = arith.constant 0 : i32
    %swap3A_76 = arith.index_cast %swap3A_75 : i32 to index
    %swap3A_77 = arith.constant 0 : index
    %swap3A_78 = tpu.vector_load %arg27[%swap3A_76, %swap3A_77] {strides = array<i32>} : memref<4x64xf32, #tpu.memory_space<vmem>>, vector<16xf32>,
    tpu.vector_store %arg27[%swap3A_76, %swap3A_77], %mul3A_74 {strides = array<i32>} : memref<4x64xf32, #tpu.memory_space<vmem>>, vector<16xf32>,
    %sub3A_79 = arith.constant 1.000000e+00 : f32
    %sub3A_80 = vector.broadcast %sub3A_79 : f32 to vector<16xf32>
    %sub3A_81 = arith.subf %sub3A_80, %sub3A_32 : vector<16xf32>
    %mul3A_82 = arith.mulf %sub3A_81, %sub3A : vector<16xf32>
    %swap3A_83 = arith.constant 1 : i32
    %swap3A_84 = arith.index_cast %swap3A_83 : i32 to index
    %swap3A_85 = arith.constant 0 : index
    %swap3A_86 = tpu.vector_load %arg27[%swap3A_84, %swap3A_85] {strides = array<i32>} : memref<4x64xf32, #tpu.memory_space<vmem>>, vector<16xf32>,
    tpu.vector_store %arg27[%swap3A_84, %swap3A_85], %mul3A_82 {strides = array<i32>} : memref<4x64xf32, #tpu.memory_space<vmem>>, vector<16xf32>,
    %sub3A_87 = arith.constant 1.000000e+00 : f32
    %sub3A_88 = vector.broadcast %sub3A_87 : f32 to vector<16xf32>
    %sub3A_89 = arith.subf %sub3A_88, %sub3A : vector<16xf32>
    %mul3A_90 = arith.mulf %sub3A_32, %sub3A_89 : vector<16xf32>
    %swap3A_91 = arith.constant 2 : i32
    %swap3A_92 = arith.index_cast %swap3A_91 : i32 to index
    %swap3A_93 = arith.constant 0 : index
    %swap3A_94 = tpu.vector_load %arg27[%swap3A_92, %swap3A_93] {strides = array<i32>} : memref<4x64xf32, #tpu.memory_space<vmem>>, vector<16xf32>,
    tpu.vector_store %arg27[%swap3A_92, %swap3A_93], %mul3A_90 {strides = array<i32>} : memref<4x64xf32, #tpu.memory_space<vmem>>, vector<16xf32>,
    %mul3A_95 = arith.mulf %sub3A_32, %sub3A : vector<16xf32>
    %swap3A_96 = arith.constant 3 : i32
    %swap3A_97 = arith.index_cast %swap3A_96 : i32 to index
    %swap3A_98 = arith.constant 0 : index
    %swap3A_99 = tpu.vector_load %arg27[%swap3A_97, %swap3A_98] {strides = array<i32>} : memref<4x64xf32, #tpu.memory_space<vmem>>, vector<16xf32>,
    tpu.vector_store %arg27[%swap3A_97, %swap3A_98], %mul3A_95 {strides = array<i32>} : memref<4x64xf32, #tpu.memory_space<vmem>>, vector<16xf32>,
    %get3A_100 = arith.constant 16 : index
    %get3A_101 = tpu.vector_load %arg24[%get3A_100] {strides = array<i32>} : memref<64xf32, #tpu.memory_space<vmem>>, vector<16xf32>,
    %get3A_102 = arith.constant 16 : index
    %get3A_103 = tpu.vector_load %arg25[%get3A_102] {strides = array<i32>} : memref<64xf32, #tpu.memory_space<vmem>>, vector<16xf32>,
    %get3A_104 = arith.constant 16 : index
    %get3A_105 = tpu.vector_load %arg23[%get3A_104] {strides = array<i32>} : memref<64xi32, #tpu.memory_space<vmem>>, vector<16xi32>,
    %convert_element_type3A_106 = arith.fptosi %get3A_101 : vector<16xf32> to vector<16xi32>
    %max3A_107 = arith.constant 0 : i32
    %max3A_108 = vector.broadcast %max3A_107 : i32 to vector<16xi32>
    %max3A_109 = arith.maxsi %convert_element_type3A_106, %max3A_108 : vector<16xi32>
    %min3A_110 = arith.constant 62 : i32
    %min3A_111 = vector.broadcast %min3A_110 : i32 to vector<16xi32>
    %min3A_112 = arith.minsi %max3A_109, %min3A_111 : vector<16xi32>
    %convert_element_type3A_113 = arith.fptosi %get3A_103 : vector<16xf32> to vector<16xi32>
    %max3A_114 = arith.constant 0 : i32
    %max3A_115 = vector.broadcast %max3A_114 : i32 to vector<16xi32>
    %max3A_116 = arith.maxsi %convert_element_type3A_113, %max3A_115 : vector<16xi32>
    %min3A_117 = arith.constant 62 : i32
    %min3A_118 = vector.broadcast %min3A_117 : i32 to vector<16xi32>
    %min3A_119 = arith.minsi %max3A_116, %min3A_118 : vector<16xi32>
    %convert_element_type3A_120 = arith.sitofp %min3A_112 : vector<16xi32> to vector<16xf32>
    %sub3A_121 = arith.subf %get3A_101, %convert_element_type3A_120 : vector<16xf32>
    %convert_element_type3A_122 = arith.sitofp %min3A_119 : vector<16xi32> to vector<16xf32>
    %sub3A_123 = arith.subf %get3A_103, %convert_element_type3A_122 : vector<16xf32>
    %mul3A_124 = arith.constant 4096 : i32
    %mul3A_125 = vector.broadcast %mul3A_124 : i32 to vector<16xi32>
    %mul3A_126 = arith.muli %get3A_105, %mul3A_125 : vector<16xi32>
    %mul3A_127 = arith.constant 64 : i32
    %mul3A_128 = vector.broadcast %mul3A_127 : i32 to vector<16xi32>
    %mul3A_129 = arith.muli %min3A_119, %mul3A_128 : vector<16xi32>
    %add3A_130 = arith.addi %mul3A_126, %mul3A_129 : vector<16xi32>
    %add3A_131 = arith.addi %add3A_130, %min3A_112 : vector<16xi32>
    %swap3A_132 = arith.constant 0 : i32
    %swap3A_133 = arith.index_cast %swap3A_132 : i32 to index
    %swap3A_134 = arith.constant 16 : index
    %swap3A_135 = tpu.vector_load %arg26[%swap3A_133, %swap3A_134] {strides = array<i32>} : memref<4x64xi32, #tpu.memory_space<vmem>>, vector<16xi32>,
    tpu.vector_store %arg26[%swap3A_133, %swap3A_134], %add3A_131 {strides = array<i32>} : memref<4x64xi32, #tpu.memory_space<vmem>>, vector<16xi32>,
    %add3A_136 = arith.constant 1 : i32
    %add3A_137 = vector.broadcast %add3A_136 : i32 to vector<16xi32>
    %add3A_138 = arith.addi %add3A_131, %add3A_137 : vector<16xi32>
    %swap3A_139 = arith.constant 1 : i32
    %swap3A_140 = arith.index_cast %swap3A_139 : i32 to index
    %swap3A_141 = arith.constant 16 : index
    %swap3A_142 = tpu.vector_load %arg26[%swap3A_140, %swap3A_141] {strides = array<i32>} : memref<4x64xi32, #tpu.memory_space<vmem>>, vector<16xi32>,
    tpu.vector_store %arg26[%swap3A_140, %swap3A_141], %add3A_138 {strides = array<i32>} : memref<4x64xi32, #tpu.memory_space<vmem>>, vector<16xi32>,
    %add3A_143 = arith.constant 64 : i32
    %add3A_144 = vector.broadcast %add3A_143 : i32 to vector<16xi32>
    %add3A_145 = arith.addi %add3A_131, %add3A_144 : vector<16xi32>
    %swap3A_146 = arith.constant 2 : i32
    %swap3A_147 = arith.index_cast %swap3A_146 : i32 to index
    %swap3A_148 = arith.constant 16 : index
    %swap3A_149 = tpu.vector_load %arg26[%swap3A_147, %swap3A_148] {strides = array<i32>} : memref<4x64xi32, #tpu.memory_space<vmem>>, vector<16xi32>,
    tpu.vector_store %arg26[%swap3A_147, %swap3A_148], %add3A_145 {strides = array<i32>} : memref<4x64xi32, #tpu.memory_space<vmem>>, vector<16xi32>,
    %add3A_150 = arith.constant 64 : i32
    %add3A_151 = vector.broadcast %add3A_150 : i32 to vector<16xi32>
    %add3A_152 = arith.addi %add3A_131, %add3A_151 : vector<16xi32>
    %add3A_153 = arith.constant 1 : i32
    %add3A_154 = vector.broadcast %add3A_153 : i32 to vector<16xi32>
    %add3A_155 = arith.addi %add3A_152, %add3A_154 : vector<16xi32>
    %swap3A_156 = arith.constant 3 : i32
    %swap3A_157 = arith.index_cast %swap3A_156 : i32 to index
    %swap3A_158 = arith.constant 16 : index
    %swap3A_159 = tpu.vector_load %arg26[%swap3A_157, %swap3A_158] {strides = array<i32>} : memref<4x64xi32, #tpu.memory_space<vmem>>, vector<16xi32>,
    tpu.vector_store %arg26[%swap3A_157, %swap3A_158], %add3A_155 {strides = array<i32>} : memref<4x64xi32, #tpu.memory_space<vmem>>, vector<16xi32>,
    %sub3A_160 = arith.constant 1.000000e+00 : f32
    %sub3A_161 = vector.broadcast %sub3A_160 : f32 to vector<16xf32>
    %sub3A_162 = arith.subf %sub3A_161, %sub3A_123 : vector<16xf32>
    %sub3A_163 = arith.constant 1.000000e+00 : f32
    %sub3A_164 = vector.broadcast %sub3A_163 : f32 to vector<16xf32>
    %sub3A_165 = arith.subf %sub3A_164, %sub3A_121 : vector<16xf32>
    %mul3A_166 = arith.mulf %sub3A_162, %sub3A_165 : vector<16xf32>
    %swap3A_167 = arith.constant 0 : i32
    %swap3A_168 = arith.index_cast %swap3A_167 : i32 to index
    %swap3A_169 = arith.constant 16 : index
    %swap3A_170 = tpu.vector_load %arg27[%swap3A_168, %swap3A_169] {strides = array<i32>} : memref<4x64xf32, #tpu.memory_space<vmem>>, vector<16xf32>,
    tpu.vector_store %arg27[%swap3A_168, %swap3A_169], %mul3A_166 {strides = array<i32>} : memref<4x64xf32, #tpu.memory_space<vmem>>, vector<16xf32>,
    %sub3A_171 = arith.constant 1.000000e+00 : f32
    %sub3A_172 = vector.broadcast %sub3A_171 : f32 to vector<16xf32>
    %sub3A_173 = arith.subf %sub3A_172, %sub3A_123 : vector<16xf32>
    %mul3A_174 = arith.mulf %sub3A_173, %sub3A_121 : vector<16xf32>
    %swap3A_175 = arith.constant 1 : i32
    %swap3A_176 = arith.index_cast %swap3A_175 : i32 to index
    %swap3A_177 = arith.constant 16 : index
    %swap3A_178 = tpu.vector_load %arg27[%swap3A_176, %swap3A_177] {strides = array<i32>} : memref<4x64xf32, #tpu.memory_space<vmem>>, vector<16xf32>,
    tpu.vector_store %arg27[%swap3A_176, %swap3A_177], %mul3A_174 {strides = array<i32>} : memref<4x64xf32, #tpu.memory_space<vmem>>, vector<16xf32>,
    %sub3A_179 = arith.constant 1.000000e+00 : f32
    %sub3A_180 = vector.broadcast %sub3A_179 : f32 to vector<16xf32>
    %sub3A_181 = arith.subf %sub3A_180, %sub3A_121 : vector<16xf32>
    %mul3A_182 = arith.mulf %sub3A_123, %sub3A_181 : vector<16xf32>
    %swap3A_183 = arith.constant 2 : i32
    %swap3A_184 = arith.index_cast %swap3A_183 : i32 to index
    %swap3A_185 = arith.constant 16 : index
    %swap3A_186 = tpu.vector_load %arg27[%swap3A_184, %swap3A_185] {strides = array<i32>} : memref<4x64xf32, #tpu.memory_space<vmem>>, vector<16xf32>,
    tpu.vector_store %arg27[%swap3A_184, %swap3A_185], %mul3A_182 {strides = array<i32>} : memref<4x64xf32, #tpu.memory_space<vmem>>, vector<16xf32>,
    %mul3A_187 = arith.mulf %sub3A_123, %sub3A_121 : vector<16xf32>
    %swap3A_188 = arith.constant 3 : i32
    %swap3A_189 = arith.index_cast %swap3A_188 : i32 to index
    %swap3A_190 = arith.constant 16 : index
    %swap3A_191 = tpu.vector_load %arg27[%swap3A_189, %swap3A_190] {strides = array<i32>} : memref<4x64xf32, #tpu.memory_space<vmem>>, vector<16xf32>,
    tpu.vector_store %arg27[%swap3A_189, %swap3A_190], %mul3A_187 {strides = array<i32>} : memref<4x64xf32, #tpu.memory_space<vmem>>, vector<16xf32>,
    %get3A_192 = arith.constant 32 : index
    %get3A_193 = tpu.vector_load %arg24[%get3A_192] {strides = array<i32>} : memref<64xf32, #tpu.memory_space<vmem>>, vector<16xf32>,
    %get3A_194 = arith.constant 32 : index
    %get3A_195 = tpu.vector_load %arg25[%get3A_194] {strides = array<i32>} : memref<64xf32, #tpu.memory_space<vmem>>, vector<16xf32>,
    %get3A_196 = arith.constant 32 : index
    %get3A_197 = tpu.vector_load %arg23[%get3A_196] {strides = array<i32>} : memref<64xi32, #tpu.memory_space<vmem>>, vector<16xi32>,
    %convert_element_type3A_198 = arith.fptosi %get3A_193 : vector<16xf32> to vector<16xi32>
    %max3A_199 = arith.constant 0 : i32
    %max3A_200 = vector.broadcast %max3A_199 : i32 to vector<16xi32>
    %max3A_201 = arith.maxsi %convert_element_type3A_198, %max3A_200 : vector<16xi32>
    %min3A_202 = arith.constant 62 : i32
    %min3A_203 = vector.broadcast %min3A_202 : i32 to vector<16xi32>
    %min3A_204 = arith.minsi %max3A_201, %min3A_203 : vector<16xi32>
    %convert_element_type3A_205 = arith.fptosi %get3A_195 : vector<16xf32> to vector<16xi32>
    %max3A_206 = arith.constant 0 : i32
    %max3A_207 = vector.broadcast %max3A_206 : i32 to vector<16xi32>
    %max3A_208 = arith.maxsi %convert_element_type3A_205, %max3A_207 : vector<16xi32>
    %min3A_209 = arith.constant 62 : i32
    %min3A_210 = vector.broadcast %min3A_209 : i32 to vector<16xi32>
    %min3A_211 = arith.minsi %max3A_208, %min3A_210 : vector<16xi32>
    %convert_element_type3A_212 = arith.sitofp %min3A_204 : vector<16xi32> to vector<16xf32>
    %sub3A_213 = arith.subf %get3A_193, %convert_element_type3A_212 : vector<16xf32>
    %convert_element_type3A_214 = arith.sitofp %min3A_211 : vector<16xi32> to vector<16xf32>
    %sub3A_215 = arith.subf %get3A_195, %convert_element_type3A_214 : vector<16xf32>
    %mul3A_216 = arith.constant 4096 : i32
    %mul3A_217 = vector.broadcast %mul3A_216 : i32 to vector<16xi32>
    %mul3A_218 = arith.muli %get3A_197, %mul3A_217 : vector<16xi32>
    %mul3A_219 = arith.constant 64 : i32
    %mul3A_220 = vector.broadcast %mul3A_219 : i32 to vector<16xi32>
    %mul3A_221 = arith.muli %min3A_211, %mul3A_220 : vector<16xi32>
    %add3A_222 = arith.addi %mul3A_218, %mul3A_221 : vector<16xi32>
    %add3A_223 = arith.addi %add3A_222, %min3A_204 : vector<16xi32>
    %swap3A_224 = arith.constant 0 : i32
    %swap3A_225 = arith.index_cast %swap3A_224 : i32 to index
    %swap3A_226 = arith.constant 32 : index
    %swap3A_227 = tpu.vector_load %arg26[%swap3A_225, %swap3A_226] {strides = array<i32>} : memref<4x64xi32, #tpu.memory_space<vmem>>, vector<16xi32>,
    tpu.vector_store %arg26[%swap3A_225, %swap3A_226], %add3A_223 {strides = array<i32>} : memref<4x64xi32, #tpu.memory_space<vmem>>, vector<16xi32>,
    %add3A_228 = arith.constant 1 : i32
    %add3A_229 = vector.broadcast %add3A_228 : i32 to vector<16xi32>
    %add3A_230 = arith.addi %add3A_223, %add3A_229 : vector<16xi32>
    %swap3A_231 = arith.constant 1 : i32
    %swap3A_232 = arith.index_cast %swap3A_231 : i32 to index
    %swap3A_233 = arith.constant 32 : index
    %swap3A_234 = tpu.vector_load %arg26[%swap3A_232, %swap3A_233] {strides = array<i32>} : memref<4x64xi32, #tpu.memory_space<vmem>>, vector<16xi32>,
    tpu.vector_store %arg26[%swap3A_232, %swap3A_233], %add3A_230 {strides = array<i32>} : memref<4x64xi32, #tpu.memory_space<vmem>>, vector<16xi32>,
    %add3A_235 = arith.constant 64 : i32
    %add3A_236 = vector.broadcast %add3A_235 : i32 to vector<16xi32>
    %add3A_237 = arith.addi %add3A_223, %add3A_236 : vector<16xi32>
    %swap3A_238 = arith.constant 2 : i32
    %swap3A_239 = arith.index_cast %swap3A_238 : i32 to index
    %swap3A_240 = arith.constant 32 : index
    %swap3A_241 = tpu.vector_load %arg26[%swap3A_239, %swap3A_240] {strides = array<i32>} : memref<4x64xi32, #tpu.memory_space<vmem>>, vector<16xi32>,
    tpu.vector_store %arg26[%swap3A_239, %swap3A_240], %add3A_237 {strides = array<i32>} : memref<4x64xi32, #tpu.memory_space<vmem>>, vector<16xi32>,
    %add3A_242 = arith.constant 64 : i32
    %add3A_243 = vector.broadcast %add3A_242 : i32 to vector<16xi32>
    %add3A_244 = arith.addi %add3A_223, %add3A_243 : vector<16xi32>
    %add3A_245 = arith.constant 1 : i32
    %add3A_246 = vector.broadcast %add3A_245 : i32 to vector<16xi32>
    %add3A_247 = arith.addi %add3A_244, %add3A_246 : vector<16xi32>
    %swap3A_248 = arith.constant 3 : i32
    %swap3A_249 = arith.index_cast %swap3A_248 : i32 to index
    %swap3A_250 = arith.constant 32 : index
    %swap3A_251 = tpu.vector_load %arg26[%swap3A_249, %swap3A_250] {strides = array<i32>} : memref<4x64xi32, #tpu.memory_space<vmem>>, vector<16xi32>,
    tpu.vector_store %arg26[%swap3A_249, %swap3A_250], %add3A_247 {strides = array<i32>} : memref<4x64xi32, #tpu.memory_space<vmem>>, vector<16xi32>,
    %sub3A_252 = arith.constant 1.000000e+00 : f32
    %sub3A_253 = vector.broadcast %sub3A_252 : f32 to vector<16xf32>
    %sub3A_254 = arith.subf %sub3A_253, %sub3A_215 : vector<16xf32>
    %sub3A_255 = arith.constant 1.000000e+00 : f32
    %sub3A_256 = vector.broadcast %sub3A_255 : f32 to vector<16xf32>
    %sub3A_257 = arith.subf %sub3A_256, %sub3A_213 : vector<16xf32>
    %mul3A_258 = arith.mulf %sub3A_254, %sub3A_257 : vector<16xf32>
    %swap3A_259 = arith.constant 0 : i32
    %swap3A_260 = arith.index_cast %swap3A_259 : i32 to index
    %swap3A_261 = arith.constant 32 : index
    %swap3A_262 = tpu.vector_load %arg27[%swap3A_260, %swap3A_261] {strides = array<i32>} : memref<4x64xf32, #tpu.memory_space<vmem>>, vector<16xf32>,
    tpu.vector_store %arg27[%swap3A_260, %swap3A_261], %mul3A_258 {strides = array<i32>} : memref<4x64xf32, #tpu.memory_space<vmem>>, vector<16xf32>,
    %sub3A_263 = arith.constant 1.000000e+00 : f32
    %sub3A_264 = vector.broadcast %sub3A_263 : f32 to vector<16xf32>
    %sub3A_265 = arith.subf %sub3A_264, %sub3A_215 : vector<16xf32>
    %mul3A_266 = arith.mulf %sub3A_265, %sub3A_213 : vector<16xf32>
    %swap3A_267 = arith.constant 1 : i32
    %swap3A_268 = arith.index_cast %swap3A_267 : i32 to index
    %swap3A_269 = arith.constant 32 : index
    %swap3A_270 = tpu.vector_load %arg27[%swap3A_268, %swap3A_269] {strides = array<i32>} : memref<4x64xf32, #tpu.memory_space<vmem>>, vector<16xf32>,
    tpu.vector_store %arg27[%swap3A_268, %swap3A_269], %mul3A_266 {strides = array<i32>} : memref<4x64xf32, #tpu.memory_space<vmem>>, vector<16xf32>,
    %sub3A_271 = arith.constant 1.000000e+00 : f32
    %sub3A_272 = vector.broadcast %sub3A_271 : f32 to vector<16xf32>
    %sub3A_273 = arith.subf %sub3A_272, %sub3A_213 : vector<16xf32>
    %mul3A_274 = arith.mulf %sub3A_215, %sub3A_273 : vector<16xf32>
    %swap3A_275 = arith.constant 2 : i32
    %swap3A_276 = arith.index_cast %swap3A_275 : i32 to index
    %swap3A_277 = arith.constant 32 : index
    %swap3A_278 = tpu.vector_load %arg27[%swap3A_276, %swap3A_277] {strides = array<i32>} : memref<4x64xf32, #tpu.memory_space<vmem>>, vector<16xf32>,
    tpu.vector_store %arg27[%swap3A_276, %swap3A_277], %mul3A_274 {strides = array<i32>} : memref<4x64xf32, #tpu.memory_space<vmem>>, vector<16xf32>,
    %mul3A_279 = arith.mulf %sub3A_215, %sub3A_213 : vector<16xf32>
    %swap3A_280 = arith.constant 3 : i32
    %swap3A_281 = arith.index_cast %swap3A_280 : i32 to index
    %swap3A_282 = arith.constant 32 : index
    %swap3A_283 = tpu.vector_load %arg27[%swap3A_281, %swap3A_282] {strides = array<i32>} : memref<4x64xf32, #tpu.memory_space<vmem>>, vector<16xf32>,
    tpu.vector_store %arg27[%swap3A_281, %swap3A_282], %mul3A_279 {strides = array<i32>} : memref<4x64xf32, #tpu.memory_space<vmem>>, vector<16xf32>,
    %get3A_284 = arith.constant 48 : index
    %get3A_285 = tpu.vector_load %arg24[%get3A_284] {strides = array<i32>} : memref<64xf32, #tpu.memory_space<vmem>>, vector<16xf32>,
    %get3A_286 = arith.constant 48 : index
    %get3A_287 = tpu.vector_load %arg25[%get3A_286] {strides = array<i32>} : memref<64xf32, #tpu.memory_space<vmem>>, vector<16xf32>,
    %get3A_288 = arith.constant 48 : index
    %get3A_289 = tpu.vector_load %arg23[%get3A_288] {strides = array<i32>} : memref<64xi32, #tpu.memory_space<vmem>>, vector<16xi32>,
    %convert_element_type3A_290 = arith.fptosi %get3A_285 : vector<16xf32> to vector<16xi32>
    %max3A_291 = arith.constant 0 : i32
    %max3A_292 = vector.broadcast %max3A_291 : i32 to vector<16xi32>
    %max3A_293 = arith.maxsi %convert_element_type3A_290, %max3A_292 : vector<16xi32>
    %min3A_294 = arith.constant 62 : i32
    %min3A_295 = vector.broadcast %min3A_294 : i32 to vector<16xi32>
    %min3A_296 = arith.minsi %max3A_293, %min3A_295 : vector<16xi32>
    %convert_element_type3A_297 = arith.fptosi %get3A_287 : vector<16xf32> to vector<16xi32>
    %max3A_298 = arith.constant 0 : i32
    %max3A_299 = vector.broadcast %max3A_298 : i32 to vector<16xi32>
    %max3A_300 = arith.maxsi %convert_element_type3A_297, %max3A_299 : vector<16xi32>
    %min3A_301 = arith.constant 62 : i32
    %min3A_302 = vector.broadcast %min3A_301 : i32 to vector<16xi32>
    %min3A_303 = arith.minsi %max3A_300, %min3A_302 : vector<16xi32>
    %convert_element_type3A_304 = arith.sitofp %min3A_296 : vector<16xi32> to vector<16xf32>
    %sub3A_305 = arith.subf %get3A_285, %convert_element_type3A_304 : vector<16xf32>
    %convert_element_type3A_306 = arith.sitofp %min3A_303 : vector<16xi32> to vector<16xf32>
    %sub3A_307 = arith.subf %get3A_287, %convert_element_type3A_306 : vector<16xf32>
    %mul3A_308 = arith.constant 4096 : i32
    %mul3A_309 = vector.broadcast %mul3A_308 : i32 to vector<16xi32>
    %mul3A_310 = arith.muli %get3A_289, %mul3A_309 : vector<16xi32>
    %mul3A_311 = arith.constant 64 : i32
    %mul3A_312 = vector.broadcast %mul3A_311 : i32 to vector<16xi32>
    %mul3A_313 = arith.muli %min3A_303, %mul3A_312 : vector<16xi32>
    %add3A_314 = arith.addi %mul3A_310, %mul3A_313 : vector<16xi32>
    %add3A_315 = arith.addi %add3A_314, %min3A_296 : vector<16xi32>
    %swap3A_316 = arith.constant 0 : i32
    %swap3A_317 = arith.index_cast %swap3A_316 : i32 to index
    %swap3A_318 = arith.constant 48 : index
    %swap3A_319 = tpu.vector_load %arg26[%swap3A_317, %swap3A_318] {strides = array<i32>} : memref<4x64xi32, #tpu.memory_space<vmem>>, vector<16xi32>,
    tpu.vector_store %arg26[%swap3A_317, %swap3A_318], %add3A_315 {strides = array<i32>} : memref<4x64xi32, #tpu.memory_space<vmem>>, vector<16xi32>,
    %add3A_320 = arith.constant 1 : i32
    %add3A_321 = vector.broadcast %add3A_320 : i32 to vector<16xi32>
    %add3A_322 = arith.addi %add3A_315, %add3A_321 : vector<16xi32>
    %swap3A_323 = arith.constant 1 : i32
    %swap3A_324 = arith.index_cast %swap3A_323 : i32 to index
    %swap3A_325 = arith.constant 48 : index
    %swap3A_326 = tpu.vector_load %arg26[%swap3A_324, %swap3A_325] {strides = array<i32>} : memref<4x64xi32, #tpu.memory_space<vmem>>, vector<16xi32>,
    tpu.vector_store %arg26[%swap3A_324, %swap3A_325], %add3A_322 {strides = array<i32>} : memref<4x64xi32, #tpu.memory_space<vmem>>, vector<16xi32>,
    %add3A_327 = arith.constant 64 : i32
    %add3A_328 = vector.broadcast %add3A_327 : i32 to vector<16xi32>
    %add3A_329 = arith.addi %add3A_315, %add3A_328 : vector<16xi32>
    %swap3A_330 = arith.constant 2 : i32
    %swap3A_331 = arith.index_cast %swap3A_330 : i32 to index
    %swap3A_332 = arith.constant 48 : index
    %swap3A_333 = tpu.vector_load %arg26[%swap3A_331, %swap3A_332] {strides = array<i32>} : memref<4x64xi32, #tpu.memory_space<vmem>>, vector<16xi32>,
    tpu.vector_store %arg26[%swap3A_331, %swap3A_332], %add3A_329 {strides = array<i32>} : memref<4x64xi32, #tpu.memory_space<vmem>>, vector<16xi32>,
    %add3A_334 = arith.constant 64 : i32
    %add3A_335 = vector.broadcast %add3A_334 : i32 to vector<16xi32>
    %add3A_336 = arith.addi %add3A_315, %add3A_335 : vector<16xi32>
    %add3A_337 = arith.constant 1 : i32
    %add3A_338 = vector.broadcast %add3A_337 : i32 to vector<16xi32>
    %add3A_339 = arith.addi %add3A_336, %add3A_338 : vector<16xi32>
    %swap3A_340 = arith.constant 3 : i32
    %swap3A_341 = arith.index_cast %swap3A_340 : i32 to index
    %swap3A_342 = arith.constant 48 : index
    %swap3A_343 = tpu.vector_load %arg26[%swap3A_341, %swap3A_342] {strides = array<i32>} : memref<4x64xi32, #tpu.memory_space<vmem>>, vector<16xi32>,
    tpu.vector_store %arg26[%swap3A_341, %swap3A_342], %add3A_339 {strides = array<i32>} : memref<4x64xi32, #tpu.memory_space<vmem>>, vector<16xi32>,
    %sub3A_344 = arith.constant 1.000000e+00 : f32
    %sub3A_345 = vector.broadcast %sub3A_344 : f32 to vector<16xf32>
    %sub3A_346 = arith.subf %sub3A_345, %sub3A_307 : vector<16xf32>
    %sub3A_347 = arith.constant 1.000000e+00 : f32
    %sub3A_348 = vector.broadcast %sub3A_347 : f32 to vector<16xf32>
    %sub3A_349 = arith.subf %sub3A_348, %sub3A_305 : vector<16xf32>
    %mul3A_350 = arith.mulf %sub3A_346, %sub3A_349 : vector<16xf32>
    %swap3A_351 = arith.constant 0 : i32
    %swap3A_352 = arith.index_cast %swap3A_351 : i32 to index
    %swap3A_353 = arith.constant 48 : index
    %swap3A_354 = tpu.vector_load %arg27[%swap3A_352, %swap3A_353] {strides = array<i32>} : memref<4x64xf32, #tpu.memory_space<vmem>>, vector<16xf32>,
    tpu.vector_store %arg27[%swap3A_352, %swap3A_353], %mul3A_350 {strides = array<i32>} : memref<4x64xf32, #tpu.memory_space<vmem>>, vector<16xf32>,
    %sub3A_355 = arith.constant 1.000000e+00 : f32
    %sub3A_356 = vector.broadcast %sub3A_355 : f32 to vector<16xf32>
    %sub3A_357 = arith.subf %sub3A_356, %sub3A_307 : vector<16xf32>
    %mul3A_358 = arith.mulf %sub3A_357, %sub3A_305 : vector<16xf32>
    %swap3A_359 = arith.constant 1 : i32
    %swap3A_360 = arith.index_cast %swap3A_359 : i32 to index
    %swap3A_361 = arith.constant 48 : index
    %swap3A_362 = tpu.vector_load %arg27[%swap3A_360, %swap3A_361] {strides = array<i32>} : memref<4x64xf32, #tpu.memory_space<vmem>>, vector<16xf32>,
    tpu.vector_store %arg27[%swap3A_360, %swap3A_361], %mul3A_358 {strides = array<i32>} : memref<4x64xf32, #tpu.memory_space<vmem>>, vector<16xf32>,
    %sub3A_363 = arith.constant 1.000000e+00 : f32
    %sub3A_364 = vector.broadcast %sub3A_363 : f32 to vector<16xf32>
    %sub3A_365 = arith.subf %sub3A_364, %sub3A_305 : vector<16xf32>
    %mul3A_366 = arith.mulf %sub3A_307, %sub3A_365 : vector<16xf32>
    %swap3A_367 = arith.constant 2 : i32
    %swap3A_368 = arith.index_cast %swap3A_367 : i32 to index
    %swap3A_369 = arith.constant 48 : index
    %swap3A_370 = tpu.vector_load %arg27[%swap3A_368, %swap3A_369] {strides = array<i32>} : memref<4x64xf32, #tpu.memory_space<vmem>>, vector<16xf32>,
    tpu.vector_store %arg27[%swap3A_368, %swap3A_369], %mul3A_366 {strides = array<i32>} : memref<4x64xf32, #tpu.memory_space<vmem>>, vector<16xf32>,
    %mul3A_371 = arith.mulf %sub3A_307, %sub3A_305 : vector<16xf32>
    %swap3A_372 = arith.constant 3 : i32
    %swap3A_373 = arith.index_cast %swap3A_372 : i32 to index
    %swap3A_374 = arith.constant 48 : index
    %swap3A_375 = tpu.vector_load %arg27[%swap3A_373, %swap3A_374] {strides = array<i32>} : memref<4x64xf32, #tpu.memory_space<vmem>>, vector<16xf32>,
    tpu.vector_store %arg27[%swap3A_373, %swap3A_374], %mul3A_371 {strides = array<i32>} : memref<4x64xf32, #tpu.memory_space<vmem>>, vector<16xf32>,
    %dma_start3A_376 = arith.constant 0 : i32
    %dma_start3A_377 = arith.constant 0 : i32
    %dma_start3A_378 = arith.constant 0 : i32
    %dma_start3A_379 = arith.constant 0 : i32
    %dma_start3A_380 = tpu.memref_slice %arg28[%dma_start3A_377, %dma_start3A_378, %dma_start3A_379] : memref<4x64x128xf32, #tpu.memory_space<vmem>> -> memref<1x64x128xf32, #tpu.memory_space<vmem>>
    %dma_start3A_381 = tpu.memref_squeeze %dma_start3A_380 : memref<1x64x128xf32, #tpu.memory_space<vmem>> -> memref<64x128xf32, #tpu.memory_space<vmem>>
    %dma_start3A_382 = arith.constant 0 : i32
    %dma_start3A_383 = tpu.memref_slice %arg26[%dma_start3A_376, %dma_start3A_382] : memref<4x64xi32, #tpu.memory_space<vmem>> -> memref<1x64xi32, #tpu.memory_space<vmem>>
    %dma_start3A_384 = tpu.memref_squeeze %dma_start3A_383 : memref<1x64xi32, #tpu.memory_space<vmem>> -> memref<64xi32, #tpu.memory_space<vmem>>
    %dma_start3A_385 = arith.constant 0 : i32
    %dma_start3A_386 = arith.constant 0 : i32
    %dma_start3A_387 = tpu.memref_slice %arg2[%dma_start3A_385, %dma_start3A_386] : memref<65536x128xf32, #tpu.memory_space<hbm>> -> memref<65536x128xf32, #tpu.memory_space<hbm>>
    tpu.enqueue_indirect_dma source(%dma_start3A_387 : memref<65536x128xf32, #tpu.memory_space<hbm>>) target(%dma_start3A_381 : memref<64x128xf32, #tpu.memory_space<vmem>>) offsets(%dma_start3A_384 : memref<64xi32, #tpu.memory_space<vmem>>) semaphore(%arg32 : memref<!tpu.dma_semaphore, #tpu.memory_space<semaphore_mem>>)
    %dma_start3A_388 = arith.constant 1 : i32
    %dma_start3A_389 = arith.constant 1 : i32
    %dma_start3A_390 = arith.constant 0 : i32
    %dma_start3A_391 = arith.constant 0 : i32
    %dma_start3A_392 = tpu.memref_slice %arg28[%dma_start3A_389, %dma_start3A_390, %dma_start3A_391] : memref<4x64x128xf32, #tpu.memory_space<vmem>> -> memref<1x64x128xf32, #tpu.memory_space<vmem>>
    %dma_start3A_393 = tpu.memref_squeeze %dma_start3A_392 : memref<1x64x128xf32, #tpu.memory_space<vmem>> -> memref<64x128xf32, #tpu.memory_space<vmem>>
    %dma_start3A_394 = arith.constant 0 : i32
    %dma_start3A_395 = tpu.memref_slice %arg26[%dma_start3A_388, %dma_start3A_394] : memref<4x64xi32, #tpu.memory_space<vmem>> -> memref<1x64xi32, #tpu.memory_space<vmem>>
    %dma_start3A_396 = tpu.memref_squeeze %dma_start3A_395 : memref<1x64xi32, #tpu.memory_space<vmem>> -> memref<64xi32, #tpu.memory_space<vmem>>
    %dma_start3A_397 = arith.constant 0 : i32
    %dma_start3A_398 = arith.constant 0 : i32
    %dma_start3A_399 = tpu.memref_slice %arg2[%dma_start3A_397, %dma_start3A_398] : memref<65536x128xf32, #tpu.memory_space<hbm>> -> memref<65536x128xf32, #tpu.memory_space<hbm>>
    tpu.enqueue_indirect_dma source(%dma_start3A_399 : memref<65536x128xf32, #tpu.memory_space<hbm>>) target(%dma_start3A_393 : memref<64x128xf32, #tpu.memory_space<vmem>>) offsets(%dma_start3A_396 : memref<64xi32, #tpu.memory_space<vmem>>) semaphore(%arg32 : memref<!tpu.dma_semaphore, #tpu.memory_space<semaphore_mem>>)
    %dma_start3A_400 = arith.constant 2 : i32
    %dma_start3A_401 = arith.constant 2 : i32
    %dma_start3A_402 = arith.constant 0 : i32
    %dma_start3A_403 = arith.constant 0 : i32
    %dma_start3A_404 = tpu.memref_slice %arg28[%dma_start3A_401, %dma_start3A_402, %dma_start3A_403] : memref<4x64x128xf32, #tpu.memory_space<vmem>> -> memref<1x64x128xf32, #tpu.memory_space<vmem>>
    %dma_start3A_405 = tpu.memref_squeeze %dma_start3A_404 : memref<1x64x128xf32, #tpu.memory_space<vmem>> -> memref<64x128xf32, #tpu.memory_space<vmem>>
    %dma_start3A_406 = arith.constant 0 : i32
    %dma_start3A_407 = tpu.memref_slice %arg26[%dma_start3A_400, %dma_start3A_406] : memref<4x64xi32, #tpu.memory_space<vmem>> -> memref<1x64xi32, #tpu.memory_space<vmem>>
    %dma_start3A_408 = tpu.memref_squeeze %dma_start3A_407 : memref<1x64xi32, #tpu.memory_space<vmem>> -> memref<64xi32, #tpu.memory_space<vmem>>
    %dma_start3A_409 = arith.constant 0 : i32
    %dma_start3A_410 = arith.constant 0 : i32
    %dma_start3A_411 = tpu.memref_slice %arg2[%dma_start3A_409, %dma_start3A_410] : memref<65536x128xf32, #tpu.memory_space<hbm>> -> memref<65536x128xf32, #tpu.memory_space<hbm>>
    tpu.enqueue_indirect_dma source(%dma_start3A_411 : memref<65536x128xf32, #tpu.memory_space<hbm>>) target(%dma_start3A_405 : memref<64x128xf32, #tpu.memory_space<vmem>>) offsets(%dma_start3A_408 : memref<64xi32, #tpu.memory_space<vmem>>) semaphore(%arg32 : memref<!tpu.dma_semaphore, #tpu.memory_space<semaphore_mem>>)
    %dma_start3A_412 = arith.constant 3 : i32
    %dma_start3A_413 = arith.constant 3 : i32
    %dma_start3A_414 = arith.constant 0 : i32
    %dma_start3A_415 = arith.constant 0 : i32
    %dma_start3A_416 = tpu.memref_slice %arg28[%dma_start3A_413, %dma_start3A_414, %dma_start3A_415] : memref<4x64x128xf32, #tpu.memory_space<vmem>> -> memref<1x64x128xf32, #tpu.memory_space<vmem>>
    %dma_start3A_417 = tpu.memref_squeeze %dma_start3A_416 : memref<1x64x128xf32, #tpu.memory_space<vmem>> -> memref<64x128xf32, #tpu.memory_space<vmem>>
    %dma_start3A_418 = arith.constant 0 : i32
    %dma_start3A_419 = tpu.memref_slice %arg26[%dma_start3A_412, %dma_start3A_418] : memref<4x64xi32, #tpu.memory_space<vmem>> -> memref<1x64xi32, #tpu.memory_space<vmem>>
    %dma_start3A_420 = tpu.memref_squeeze %dma_start3A_419 : memref<1x64xi32, #tpu.memory_space<vmem>> -> memref<64xi32, #tpu.memory_space<vmem>>
    %dma_start3A_421 = arith.constant 0 : i32
    %dma_start3A_422 = arith.constant 0 : i32
    %dma_start3A_423 = tpu.memref_slice %arg2[%dma_start3A_421, %dma_start3A_422] : memref<65536x128xf32, #tpu.memory_space<hbm>> -> memref<65536x128xf32, #tpu.memory_space<hbm>>
    tpu.enqueue_indirect_dma source(%dma_start3A_423 : memref<65536x128xf32, #tpu.memory_space<hbm>>) target(%dma_start3A_417 : memref<64x128xf32, #tpu.memory_space<vmem>>) offsets(%dma_start3A_420 : memref<64xi32, #tpu.memory_space<vmem>>) semaphore(%arg32 : memref<!tpu.dma_semaphore, #tpu.memory_space<semaphore_mem>>)
    %eq3A = arith.constant 0 : i32
    %eq3A_424 = arith.cmpi eq, %arg0, %eq3A : i32
    %convert_element_type3A_425 = arith.extui %eq3A_424 : i1 to i32
    %cond3A = arith.constant 0 : i32
    %cond3A_426 = arith.cmpi ne, %convert_element_type3A_425, %cond3A : i32
    scf.if %cond3A_426 {
      %mul3A_582 = arith.constant 128 : i32
      %mul3A_583 = arith.muli %arg1, %mul3A_582 : i32
      %dma_start3A_584 = arith.constant 0 : i32
      %dma_start3A_585 = arith.constant 0 : i32
      %dma_start3A_586 = tpu.memref_slice %arg9[%dma_start3A_585] : memref<8192xi32, #tpu.memory_space<vmem>> -> memref<4096xi32, #tpu.memory_space<vmem>>
      %dma_start3A_587 = arith.constant 0 : i32
      %dma_start3A_588 = tpu.memref_slice %arg6[%dma_start3A_584, %dma_start3A_587] : memref<2x4096xi32, #tpu.memory_space<hbm>> -> memref<1x4096xi32, #tpu.memory_space<hbm>>
      %dma_start3A_589 = tpu.memref_squeeze %dma_start3A_588 : memref<1x4096xi32, #tpu.memory_space<hbm>> -> memref<4096xi32, #tpu.memory_space<hbm>>
      %dma_start3A_590 = arith.constant 0 : i32
      %dma_start3A_591 = tpu.memref_slice %arg9[%dma_start3A_590] : memref<8192xi32, #tpu.memory_space<vmem>> -> memref<4096xi32, #tpu.memory_space<vmem>>
      %dma_start3A_592 = arith.constant 0 : i32
      %dma_start3A_593 = tpu.memref_slice %arg6[%dma_start3A_584, %dma_start3A_592] : memref<2x4096xi32, #tpu.memory_space<hbm>> -> memref<1x4096xi32, #tpu.memory_space<hbm>>
      %dma_start3A_594 = tpu.memref_squeeze %dma_start3A_593 : memref<1x4096xi32, #tpu.memory_space<hbm>> -> memref<4096xi32, #tpu.memory_space<hbm>>
      tpu.enqueue_dma source(%dma_start3A_594 : memref<4096xi32, #tpu.memory_space<hbm>>) target(%dma_start3A_591 : memref<4096xi32, #tpu.memory_space<vmem>>) target_semaphore(%arg33 : memref<!tpu.dma_semaphore, #tpu.memory_space<semaphore_mem>>)
      %dma_start3A_595 = arith.constant 1 : i32
      %dma_start3A_596 = arith.constant 4096 : i32
      %dma_start3A_597 = tpu.memref_slice %arg9[%dma_start3A_596] : memref<8192xi32, #tpu.memory_space<vmem>> -> memref<4096xi32, #tpu.memory_space<vmem>>
      %dma_start3A_598 = arith.constant 0 : i32
      %dma_start3A_599 = tpu.memref_slice %arg6[%dma_start3A_595, %dma_start3A_598] : memref<2x4096xi32, #tpu.memory_space<hbm>> -> memref<1x4096xi32, #tpu.memory_space<hbm>>
      %dma_start3A_600 = tpu.memref_squeeze %dma_start3A_599 : memref<1x4096xi32, #tpu.memory_space<hbm>> -> memref<4096xi32, #tpu.memory_space<hbm>>
      %dma_start3A_601 = arith.constant 4096 : i32
      %dma_start3A_602 = tpu.memref_slice %arg9[%dma_start3A_601] : memref<8192xi32, #tpu.memory_space<vmem>> -> memref<4096xi32, #tpu.memory_space<vmem>>
      %dma_start3A_603 = arith.constant 0 : i32
      %dma_start3A_604 = tpu.memref_slice %arg6[%dma_start3A_595, %dma_start3A_603] : memref<2x4096xi32, #tpu.memory_space<hbm>> -> memref<1x4096xi32, #tpu.memory_space<hbm>>
      %dma_start3A_605 = tpu.memref_squeeze %dma_start3A_604 : memref<1x4096xi32, #tpu.memory_space<hbm>> -> memref<4096xi32, #tpu.memory_space<hbm>>
      tpu.enqueue_dma source(%dma_start3A_605 : memref<4096xi32, #tpu.memory_space<hbm>>) target(%dma_start3A_602 : memref<4096xi32, #tpu.memory_space<vmem>>) target_semaphore(%arg33 : memref<!tpu.dma_semaphore, #tpu.memory_space<semaphore_mem>>)
      %dma_start3A_606 = arith.constant 1 : i32
      %dma_start3A_607 = arith.constant 0 : i32
      %dma_start3A_608 = tpu.memref_slice %arg10[%dma_start3A_607] : memref<8192xi32, #tpu.memory_space<vmem>> -> memref<4096xi32, #tpu.memory_space<vmem>>
      %dma_start3A_609 = arith.constant 0 : i32
      %dma_start3A_610 = tpu.memref_slice %arg6[%dma_start3A_606, %dma_start3A_609] : memref<2x4096xi32, #tpu.memory_space<hbm>> -> memref<1x4096xi32, #tpu.memory_space<hbm>>
      %dma_start3A_611 = tpu.memref_squeeze %dma_start3A_610 : memref<1x4096xi32, #tpu.memory_space<hbm>> -> memref<4096xi32, #tpu.memory_space<hbm>>
      %dma_start3A_612 = arith.constant 0 : i32
      %dma_start3A_613 = tpu.memref_slice %arg10[%dma_start3A_612] : memref<8192xi32, #tpu.memory_space<vmem>> -> memref<4096xi32, #tpu.memory_space<vmem>>
      %dma_start3A_614 = arith.constant 0 : i32
      %dma_start3A_615 = tpu.memref_slice %arg6[%dma_start3A_606, %dma_start3A_614] : memref<2x4096xi32, #tpu.memory_space<hbm>> -> memref<1x4096xi32, #tpu.memory_space<hbm>>
      %dma_start3A_616 = tpu.memref_squeeze %dma_start3A_615 : memref<1x4096xi32, #tpu.memory_space<hbm>> -> memref<4096xi32, #tpu.memory_space<hbm>>
      tpu.enqueue_dma source(%dma_start3A_616 : memref<4096xi32, #tpu.memory_space<hbm>>) target(%dma_start3A_613 : memref<4096xi32, #tpu.memory_space<vmem>>) target_semaphore(%arg33 : memref<!tpu.dma_semaphore, #tpu.memory_space<semaphore_mem>>)
      %dma_start3A_617 = arith.constant 0 : i32
      %dma_start3A_618 = arith.constant 4096 : i32
      %dma_start3A_619 = tpu.memref_slice %arg10[%dma_start3A_618] : memref<8192xi32, #tpu.memory_space<vmem>> -> memref<4096xi32, #tpu.memory_space<vmem>>
      %dma_start3A_620 = arith.constant 0 : i32
      %dma_start3A_621 = tpu.memref_slice %arg6[%dma_start3A_617, %dma_start3A_620] : memref<2x4096xi32, #tpu.memory_space<hbm>> -> memref<1x4096xi32, #tpu.memory_space<hbm>>
      %dma_start3A_622 = tpu.memref_squeeze %dma_start3A_621 : memref<1x4096xi32, #tpu.memory_space<hbm>> -> memref<4096xi32, #tpu.memory_space<hbm>>
      %dma_start3A_623 = arith.constant 4096 : i32
      %dma_start3A_624 = tpu.memref_slice %arg10[%dma_start3A_623] : memref<8192xi32, #tpu.memory_space<vmem>> -> memref<4096xi32, #tpu.memory_space<vmem>>
      %dma_start3A_625 = arith.constant 0 : i32
      %dma_start3A_626 = tpu.memref_slice %arg6[%dma_start3A_617, %dma_start3A_625] : memref<2x4096xi32, #tpu.memory_space<hbm>> -> memref<1x4096xi32, #tpu.memory_space<hbm>>
      %dma_start3A_627 = tpu.memref_squeeze %dma_start3A_626 : memref<1x4096xi32, #tpu.memory_space<hbm>> -> memref<4096xi32, #tpu.memory_space<hbm>>
      tpu.enqueue_dma source(%dma_start3A_627 : memref<4096xi32, #tpu.memory_space<hbm>>) target(%dma_start3A_624 : memref<4096xi32, #tpu.memory_space<vmem>>) target_semaphore(%arg33 : memref<!tpu.dma_semaphore, #tpu.memory_space<semaphore_mem>>)
      %dma_wait3A_628 = arith.constant 0 : i32
      %dma_wait3A_629 = arith.constant 0 : i32
      %dma_wait3A_630 = tpu.memref_slice %arg9[%dma_wait3A_629] : memref<8192xi32, #tpu.memory_space<vmem>> -> memref<4096xi32, #tpu.memory_space<vmem>>
      %dma_wait3A_631 = arith.constant 0 : i32
      %dma_wait3A_632 = tpu.memref_slice %arg6[%dma_wait3A_628, %dma_wait3A_631] : memref<2x4096xi32, #tpu.memory_space<hbm>> -> memref<1x4096xi32, #tpu.memory_space<hbm>>
      %dma_wait3A_633 = tpu.memref_squeeze %dma_wait3A_632 : memref<1x4096xi32, #tpu.memory_space<hbm>> -> memref<4096xi32, #tpu.memory_space<hbm>>
      %dma_wait3A_634 = arith.constant 0 : i32
      %dma_wait3A_635 = tpu.memref_slice %arg9[%dma_wait3A_634] : memref<8192xi32, #tpu.memory_space<vmem>> -> memref<4096xi32, #tpu.memory_space<vmem>>
      %dma_wait3A_636 = arith.constant 0 : i32
      %dma_wait3A_637 = tpu.memref_slice %arg6[%dma_wait3A_628, %dma_wait3A_636] : memref<2x4096xi32, #tpu.memory_space<hbm>> -> memref<1x4096xi32, #tpu.memory_space<hbm>>
      %dma_wait3A_638 = tpu.memref_squeeze %dma_wait3A_637 : memref<1x4096xi32, #tpu.memory_space<hbm>> -> memref<4096xi32, #tpu.memory_space<hbm>>
      tpu.wait_dma2 semaphore(%arg33 : memref<!tpu.dma_semaphore, #tpu.memory_space<semaphore_mem>>) src(%dma_wait3A_638 : memref<4096xi32, #tpu.memory_space<hbm>>) dst(%dma_wait3A_635 : memref<4096xi32, #tpu.memory_space<vmem>>)
      %dma_wait3A_639 = arith.constant 1 : i32
      %dma_wait3A_640 = arith.constant 4096 : i32
      %dma_wait3A_641 = tpu.memref_slice %arg9[%dma_wait3A_640] : memref<8192xi32, #tpu.memory_space<vmem>> -> memref<4096xi32, #tpu.memory_space<vmem>>
      %dma_wait3A_642 = arith.constant 0 : i32
      %dma_wait3A_643 = tpu.memref_slice %arg6[%dma_wait3A_639, %dma_wait3A_642] : memref<2x4096xi32, #tpu.memory_space<hbm>> -> memref<1x4096xi32, #tpu.memory_space<hbm>>
      %dma_wait3A_644 = tpu.memref_squeeze %dma_wait3A_643 : memref<1x4096xi32, #tpu.memory_space<hbm>> -> memref<4096xi32, #tpu.memory_space<hbm>>
      %dma_wait3A_645 = arith.constant 4096 : i32
      %dma_wait3A_646 = tpu.memref_slice %arg9[%dma_wait3A_645] : memref<8192xi32, #tpu.memory_space<vmem>> -> memref<4096xi32, #tpu.memory_space<vmem>>
      %dma_wait3A_647 = arith.constant 0 : i32
      %dma_wait3A_648 = tpu.memref_slice %arg6[%dma_wait3A_639, %dma_wait3A_647] : memref<2x4096xi32, #tpu.memory_space<hbm>> -> memref<1x4096xi32, #tpu.memory_space<hbm>>
      %dma_wait3A_649 = tpu.memref_squeeze %dma_wait3A_648 : memref<1x4096xi32, #tpu.memory_space<hbm>> -> memref<4096xi32, #tpu.memory_space<hbm>>
      tpu.wait_dma2 semaphore(%arg33 : memref<!tpu.dma_semaphore, #tpu.memory_space<semaphore_mem>>) src(%dma_wait3A_649 : memref<4096xi32, #tpu.memory_space<hbm>>) dst(%dma_wait3A_646 : memref<4096xi32, #tpu.memory_space<vmem>>)
      %dma_wait3A_650 = arith.constant 1 : i32
      %dma_wait3A_651 = arith.constant 0 : i32
      %dma_wait3A_652 = tpu.memref_slice %arg10[%dma_wait3A_651] : memref<8192xi32, #tpu.memory_space<vmem>> -> memref<4096xi32, #tpu.memory_space<vmem>>
      %dma_wait3A_653 = arith.constant 0 : i32
      %dma_wait3A_654 = tpu.memref_slice %arg6[%dma_wait3A_650, %dma_wait3A_653] : memref<2x4096xi32, #tpu.memory_space<hbm>> -> memref<1x4096xi32, #tpu.memory_space<hbm>>
      %dma_wait3A_655 = tpu.memref_squeeze %dma_wait3A_654 : memref<1x4096xi32, #tpu.memory_space<hbm>> -> memref<4096xi32, #tpu.memory_space<hbm>>
      %dma_wait3A_656 = arith.constant 0 : i32
      %dma_wait3A_657 = tpu.memref_slice %arg10[%dma_wait3A_656] : memref<8192xi32, #tpu.memory_space<vmem>> -> memref<4096xi32, #tpu.memory_space<vmem>>
      %dma_wait3A_658 = arith.constant 0 : i32
      %dma_wait3A_659 = tpu.memref_slice %arg6[%dma_wait3A_650, %dma_wait3A_658] : memref<2x4096xi32, #tpu.memory_space<hbm>> -> memref<1x4096xi32, #tpu.memory_space<hbm>>
      %dma_wait3A_660 = tpu.memref_squeeze %dma_wait3A_659 : memref<1x4096xi32, #tpu.memory_space<hbm>> -> memref<4096xi32, #tpu.memory_space<hbm>>
      tpu.wait_dma2 semaphore(%arg33 : memref<!tpu.dma_semaphore, #tpu.memory_space<semaphore_mem>>) src(%dma_wait3A_660 : memref<4096xi32, #tpu.memory_space<hbm>>) dst(%dma_wait3A_657 : memref<4096xi32, #tpu.memory_space<vmem>>)
      %dma_wait3A_661 = arith.constant 0 : i32
      %dma_wait3A_662 = arith.constant 4096 : i32
      %dma_wait3A_663 = tpu.memref_slice %arg10[%dma_wait3A_662] : memref<8192xi32, #tpu.memory_space<vmem>> -> memref<4096xi32, #tpu.memory_space<vmem>>
      %dma_wait3A_664 = arith.constant 0 : i32
      %dma_wait3A_665 = tpu.memref_slice %arg6[%dma_wait3A_661, %dma_wait3A_664] : memref<2x4096xi32, #tpu.memory_space<hbm>> -> memref<1x4096xi32, #tpu.memory_space<hbm>>
      %dma_wait3A_666 = tpu.memref_squeeze %dma_wait3A_665 : memref<1x4096xi32, #tpu.memory_space<hbm>> -> memref<4096xi32, #tpu.memory_space<hbm>>
      %dma_wait3A_667 = arith.constant 4096 : i32
      %dma_wait3A_668 = tpu.memref_slice %arg10[%dma_wait3A_667] : memref<8192xi32, #tpu.memory_space<vmem>> -> memref<4096xi32, #tpu.memory_space<vmem>>
      %dma_wait3A_669 = arith.constant 0 : i32
      %dma_wait3A_670 = tpu.memref_slice %arg6[%dma_wait3A_661, %dma_wait3A_669] : memref<2x4096xi32, #tpu.memory_space<hbm>> -> memref<1x4096xi32, #tpu.memory_space<hbm>>
      %dma_wait3A_671 = tpu.memref_squeeze %dma_wait3A_670 : memref<1x4096xi32, #tpu.memory_space<hbm>> -> memref<4096xi32, #tpu.memory_space<hbm>>
      tpu.wait_dma2 semaphore(%arg33 : memref<!tpu.dma_semaphore, #tpu.memory_space<semaphore_mem>>) src(%dma_wait3A_671 : memref<4096xi32, #tpu.memory_space<hbm>>) dst(%dma_wait3A_668 : memref<4096xi32, #tpu.memory_space<vmem>>)
      %scan3A_672 = arith.constant 0 : i32
      %scan3A_673 = arith.constant 0 : i32
      %scan3A_674 = arith.constant 128 : i32
      %scan3A_675 = arith.addi %scan3A_673, %scan3A_674 : i32
      %scan3A_676 = arith.constant 1 : i32
      scf.for %scan3A_739 = %scan3A_673 to %scan3A_675 step %scan3A_676  : i32 {
        %mul3A_740 = arith.constant 16 : i32
        %mul3A_741 = arith.muli %scan3A_739, %mul3A_740 : i32
        %add3A_742 = vector.broadcast %mul3A_741 : i32 to vector<16xi32>
        %add3A_743 = arith.addi %add3A_742, %iota3A : vector<16xi32>
        %mul3A_744 = arith.constant 16 : i32
        %mul3A_745 = arith.muli %scan3A_739, %mul3A_744 : i32
        %swap3A_746 = arith.index_cast %mul3A_745 : i32 to index
        %swap3A_747 = tpu.vector_load %arg15[%swap3A_746] {strides = array<i32>} : memref<2048xi32, #tpu.memory_space<vmem>>, vector<16xi32>,
        tpu.vector_store %arg15[%swap3A_746], %add3A_743 {strides = array<i32>} : memref<2048xi32, #tpu.memory_space<vmem>>, vector<16xi32>,
      }
      %scan3A_677 = arith.constant 128 : i32
      %scan3A_678 = arith.constant 0 : i32
      %scan3A_679 = arith.constant 0 : i32
      %scan3A_680 = arith.constant 8 : i32
      %scan3A_681 = arith.addi %scan3A_679, %scan3A_680 : i32
      %scan3A_682 = arith.constant 1 : i32
      scf.for %scan3A_739 = %scan3A_679 to %scan3A_681 step %scan3A_682  : i32 {
        %mul3A_740 = arith.constant 16 : i32
        %mul3A_741 = arith.muli %scan3A_739, %mul3A_740 : i32
        %add3A_742 = arith.addi %mul3A_583, %mul3A_741 : i32
        %add3A_743 = vector.broadcast %add3A_742 : i32 to vector<16xi32>
        %add3A_744 = arith.addi %add3A_743, %iota3A : vector<16xi32>
        %mul3A_745 = arith.constant 16 : i32
        %mul3A_746 = arith.muli %scan3A_739, %mul3A_745 : i32
        %swap3A_747 = arith.index_cast %mul3A_746 : i32 to index
        %swap3A_748 = tpu.vector_load %arg16[%swap3A_747] {strides = array<i32>} : memref<128xi32, #tpu.memory_space<vmem>>, vector<16xi32>,
        tpu.vector_store %arg16[%swap3A_747], %add3A_744 {strides = array<i32>} : memref<128xi32, #tpu.memory_space<vmem>>, vector<16xi32>,
      }
      %scan3A_683 = arith.constant 8 : i32
      %scan3A_684 = arith.constant 0 : i32
      %scan3A_685 = arith.constant 0 : i32
      %scan3A_686 = arith.constant 512 : i32
      %scan3A_687 = arith.addi %scan3A_685, %scan3A_686 : i32
      %scan3A_688 = arith.constant 1 : i32
      %scan3A_689 = scf.for %scan3A_739 = %scan3A_685 to %scan3A_687 step %scan3A_688 iter_args(%scan3A_740 = %scan3A_684) -> (i32)  : i32 {
        %mul3A_741 = arith.constant 16 : i32
        %mul3A_742 = arith.muli %scan3A_739, %mul3A_741 : i32
        %get3A_743 = arith.index_cast %mul3A_742 : i32 to index
        %get3A_744 = tpu.vector_load %arg9[%get3A_743] {strides = array<i32>} : memref<8192xi32, #tpu.memory_space<vmem>>, vector<16xi32>,
        %get3A_745 = arith.index_cast %mul3A_742 : i32 to index
        %get3A_746 = tpu.vector_load %arg10[%get3A_745] {strides = array<i32>} : memref<8192xi32, #tpu.memory_space<vmem>>, vector<16xi32>,
        %jit3A_747 = arith.constant 128 : i32
        %div3A_748 = vector.broadcast %jit3A_747 : i32 to vector<16xi32>
        %div3A_749 = arith.divsi %get3A_746, %div3A_748 : vector<16xi32>
        %sign3A_750 = arith.constant 0 : i32
        %sign3A_751 = vector.broadcast %sign3A_750 : i32 to vector<16xi32>
        %sign3A_752 = arith.cmpi sgt, %get3A_746, %sign3A_751 : vector<16xi32>
        %sign3A_753 = arith.extui %sign3A_752 : vector<16xi1> to vector<16xi32>
        %sign3A_754 = arith.constant 0 : i32
        %sign3A_755 = vector.broadcast %sign3A_754 : i32 to vector<16xi32>
        %sign3A_756 = arith.cmpi slt, %get3A_746, %sign3A_755 : vector<16xi32>
        %sign3A_757 = arith.extui %sign3A_756 : vector<16xi1> to vector<16xi32>
        %sign3A_758 = arith.subi %sign3A_753, %sign3A_757 : vector<16xi32>
        %sign3A_759 = arith.constant 0 : i32
        %sign3A_760 = arith.cmpi sgt, %jit3A_747, %sign3A_759 : i32
        %sign3A_761 = arith.extui %sign3A_760 : i1 to i32
        %sign3A_762 = arith.constant 0 : i32
        %sign3A_763 = arith.cmpi slt, %jit3A_747, %sign3A_762 : i32
        %sign3A_764 = arith.extui %sign3A_763 : i1 to i32
        %sign3A_765 = arith.subi %sign3A_761, %sign3A_764 : i32
        %ne3A_766 = vector.broadcast %sign3A_765 : i32 to vector<16xi32>
        %ne3A_767 = arith.cmpi ne, %sign3A_758, %ne3A_766 : vector<16xi32>
        %rem3A_768 = vector.broadcast %jit3A_747 : i32 to vector<16xi32>
        %rem3A_769 = arith.remsi %get3A_746, %rem3A_768 : vector<16xi32>
        %ne3A_770 = arith.constant 0 : i32
        %ne3A_771 = vector.broadcast %ne3A_770 : i32 to vector<16xi32>
        %ne3A_772 = arith.cmpi ne, %rem3A_769, %ne3A_771 : vector<16xi32>
        %and3A_773 = arith.andi %ne3A_767, %ne3A_772 : vector<16xi1>
        %sub3A_774 = arith.constant 1 : i32
        %sub3A_775 = vector.broadcast %sub3A_774 : i32 to vector<16xi32>
        %sub3A_776 = arith.subi %div3A_749, %sub3A_775 : vector<16xi32>
        %select_n3A_777 = arith.select %and3A_773, %sub3A_776, %div3A_749 : vector<16xi1>, vector<16xi32>
        %eq3A_778 = vector.broadcast %arg1 : i32 to vector<16xi32>
        %eq3A_779 = arith.cmpi eq, %select_n3A_777, %eq3A_778 : vector<16xi32>
        %swap3A_780 = arith.index_cast %scan3A_740 : i32 to index
        %swap3A_781 = tpu.vector_load %arg11[%swap3A_780] masked %eq3A_779 {strides = array<i32>} : memref<8208xi32, #tpu.memory_space<vmem>>, vector<16xi32>, vector<16xi1>
        tpu.vector_store %arg11[%swap3A_780], %get3A_744 masked %eq3A_779 {strides = array<i32>} : memref<8208xi32, #tpu.memory_space<vmem>>, vector<16xi32>, vector<16xi1>
        %sub3A_782 = vector.broadcast %mul3A_583 : i32 to vector<16xi32>
        %sub3A_783 = arith.subi %get3A_746, %sub3A_782 : vector<16xi32>
        %swap3A_784 = arith.index_cast %scan3A_740 : i32 to index
        %swap3A_785 = tpu.vector_load %arg12[%swap3A_784] masked %eq3A_779 {strides = array<i32>} : memref<8208xi32, #tpu.memory_space<vmem>>, vector<16xi32>, vector<16xi1>
        tpu.vector_store %arg12[%swap3A_784], %sub3A_783 masked %eq3A_779 {strides = array<i32>} : memref<8208xi32, #tpu.memory_space<vmem>>, vector<16xi32>, vector<16xi1>
        %all_reduce_population_count3A = tpu.all_reduce %eq3A_779 {dim = 0 : i64, kind = #tpu.reduction_kind<sum>} : vector<16xi1> -> vector<16xi32>
        %reduce_max3A = arith.constant true
        %reduce_max3A_786 = vector.broadcast %reduce_max3A : i1 to vector<16xi1>
        %reduce_max3A_787 = arith.constant -2147483648 : i32
        %reduce_max3A_788 = vector.broadcast %reduce_max3A_787 : i32 to vector<16xi32>
        %reduce_max3A_789 = arith.xori %all_reduce_population_count3A, %reduce_max3A_788 : vector<16xi32>
        %reduce_max3A_790 = tpu.scan <max>, %reduce_max3A_789 masked %reduce_max3A_786 : vector<16xi32>, vector<16xi1> -> vector<16xi32>
        %reduce_max3A_791 = arith.xori %reduce_max3A_790, %reduce_max3A_788 : vector<16xi32>
        %reduce_max3A_792 = vector.extract %reduce_max3A_791[15] : i32 from vector<16xi32>
        %add3A_793 = arith.addi %scan3A_740, %reduce_max3A_792 : i32
        scf.yield %add3A_793 : i32
      }
      %scan3A_690 = arith.constant 512 : i32
      %add3A_691 = vector.broadcast %mul3A_583 : i32 to vector<16xi32>
      %add3A_692 = arith.addi %broadcast_in_dim3A_3, %add3A_691 : vector<16xi32>
      %swap3A_693 = arith.index_cast %scan3A_689 : i32 to index
      %swap3A_694 = tpu.vector_load %arg11[%swap3A_693] {strides = array<i32>} : memref<8208xi32, #tpu.memory_space<vmem>>, vector<16xi32>,
      tpu.vector_store %arg11[%swap3A_693], %add3A_692 {strides = array<i32>} : memref<8208xi32, #tpu.memory_space<vmem>>, vector<16xi32>,
      %swap3A_695 = arith.index_cast %scan3A_689 : i32 to index
      %swap3A_696 = tpu.vector_load %arg12[%swap3A_695] {strides = array<i32>} : memref<8208xi32, #tpu.memory_space<vmem>>, vector<16xi32>,
      tpu.vector_store %arg12[%swap3A_695], %broadcast_in_dim3A_3 {strides = array<i32>} : memref<8208xi32, #tpu.memory_space<vmem>>, vector<16xi32>,
      %add3A_697 = arith.constant 16 : i32
      %add3A_698 = arith.addi %scan3A_689, %add3A_697 : i32
      %sub3A_699 = arith.constant 1 : i32
      %sub3A_700 = arith.subi %add3A_698, %sub3A_699 : i32
      %jit3A = arith.constant 16 : i32
      %div3A = arith.divsi %sub3A_700, %jit3A : i32
      %sign3A = arith.constant 0 : i32
      %sign3A_701 = arith.cmpi sgt, %sub3A_700, %sign3A : i32
      %sign3A_702 = arith.extui %sign3A_701 : i1 to i32
      %sign3A_703 = arith.constant 0 : i32
      %sign3A_704 = arith.cmpi slt, %sub3A_700, %sign3A_703 : i32
      %sign3A_705 = arith.extui %sign3A_704 : i1 to i32
      %sign3A_706 = arith.subi %sign3A_702, %sign3A_705 : i32
      %sign3A_707 = arith.constant 0 : i32
      %sign3A_708 = arith.cmpi sgt, %jit3A, %sign3A_707 : i32
      %sign3A_709 = arith.extui %sign3A_708 : i1 to i32
      %sign3A_710 = arith.constant 0 : i32
      %sign3A_711 = arith.cmpi slt, %jit3A, %sign3A_710 : i32
      %sign3A_712 = arith.extui %sign3A_711 : i1 to i32
      %sign3A_713 = arith.subi %sign3A_709, %sign3A_712 : i32
      %ne3A = arith.cmpi ne, %sign3A_706, %sign3A_713 : i32
      %rem3A = arith.remsi %sub3A_700, %jit3A : i32
      %ne3A_714 = arith.constant 0 : i32
      %ne3A_715 = arith.cmpi ne, %rem3A, %ne3A_714 : i32
      %and3A = arith.andi %ne3A, %ne3A_715 : i1
      %sub3A_716 = arith.constant 1 : i32
      %sub3A_717 = arith.subi %div3A, %sub3A_716 : i32
      %select_n3A = arith.select %and3A, %sub3A_717, %div3A : i32
      %while3A = arith.constant 0 : i32
      %while3A_718 = arith.constant 0 : i32
      %while3A_719 = arith.subi %select_n3A, %while3A_718 : i32
      %while3A_720 = arith.addi %while3A_718, %while3A_719 : i32
      %while3A_721 = arith.constant 1 : i32
      %while3A_722 = arith.divsi %while3A_719, %while3A_721 : i32
      %while3A_723 = arith.muli %while3A_722, %while3A_721 : i32
      %while3A_724 = arith.addi %while3A_718, %while3A_723 : i32
      %while3A_725 = arith.constant 1 : i32
      scf.for %while3A_739 = %while3A_718 to %while3A_724 step %while3A_725  : i32 {
        %mul3A_740 = arith.constant 16 : i32
        %mul3A_741 = arith.muli %while3A_739, %mul3A_740 : i32
        %get3A_742 = arith.index_cast %mul3A_741 : i32 to index
        %get3A_743 = tpu.vector_load %arg12[%get3A_742] {strides = array<i32>} : memref<8208xi32, #tpu.memory_space<vmem>>, vector<16xi32>,
        %masked_sort3A = arith.constant dense<true> : vector<16xi1>
        %masked_sort3A_744 = arith.constant -2147483648 : i32
        %masked_sort3A_745 = vector.broadcast %masked_sort3A_744 : i32 to vector<16xi32>
        %masked_sort3A_746 = arith.xori %get3A_743, %masked_sort3A_745 : vector<16xi32>
        %masked_sort3A_747, %masked_sort3A_748, %masked_sort3A_749 = tpu.sort %masked_sort3A_746, %iota3A masked %masked_sort3A : (vector<16xi32>, vector<16xi32>, vector<16xi1>) -> (vector<16xi1>, vector<16xi32>, vector<16xi32>)
        %masked_sort3A_750 = arith.xori %masked_sort3A_748, %masked_sort3A_745 : vector<16xi32>
        %add3A_751 = arith.constant 1 : i32
        %add3A_752 = vector.broadcast %add3A_751 : i32 to vector<16xi32>
        %add3A_753 = arith.addi %iota3A, %add3A_752 : vector<16xi32>
        %min3A_754 = arith.constant 15 : i32
        %min3A_755 = vector.broadcast %min3A_754 : i32 to vector<16xi32>
        %min3A_756 = arith.minsi %add3A_753, %min3A_755 : vector<16xi32>
        %lt3A = arith.constant 0 : i32
        %lt3A_757 = vector.broadcast %lt3A : i32 to vector<16xi32>
        %lt3A_758 = arith.cmpi slt, %min3A_756, %lt3A_757 : vector<16xi32>
        %add3A_759 = arith.constant 16 : i32
        %add3A_760 = vector.broadcast %add3A_759 : i32 to vector<16xi32>
        %add3A_761 = arith.addi %min3A_756, %add3A_760 : vector<16xi32>
        %select_n3A_762 = arith.select %lt3A_758, %add3A_761, %min3A_756 : vector<16xi1>, vector<16xi32>
        %reshape3A = vector.shape_cast %select_n3A_762 : vector<16xi32> to vector<16x1xi32>
        %gather3A = vector.shape_cast %reshape3A : vector<16x1xi32> to vector<16xi32>
        %gather3A_763 = tpu.dynamic_gather %masked_sort3A_750[%gather3A] in [0] : vector<16xi32>, vector<16xi32> -> vector<16xi32>
        %swap3A_764 = arith.index_cast %mul3A_741 : i32 to index
        %swap3A_765 = tpu.vector_load %arg12[%swap3A_764] {strides = array<i32>} : memref<8208xi32, #tpu.memory_space<vmem>>, vector<16xi32>,
        tpu.vector_store %arg12[%swap3A_764], %masked_sort3A_750 {strides = array<i32>} : memref<8208xi32, #tpu.memory_space<vmem>>, vector<16xi32>,
        %swap3A_766 = arith.index_cast %mul3A_741 : i32 to index
        %swap3A_767 = tpu.vector_load %arg13[%swap3A_766] {strides = array<i32>} : memref<8208xi32, #tpu.memory_space<vmem>>, vector<16xi32>,
        tpu.vector_store %arg13[%swap3A_766], %masked_sort3A_749 {strides = array<i32>} : memref<8208xi32, #tpu.memory_space<vmem>>, vector<16xi32>,
        %ne3A_768 = arith.cmpi ne, %gather3A_763, %masked_sort3A_750 : vector<16xi32>
        %eq3A_769 = arith.constant 15 : i32
        %eq3A_770 = vector.broadcast %eq3A_769 : i32 to vector<16xi32>
        %eq3A_771 = arith.cmpi eq, %iota3A, %eq3A_770 : vector<16xi32>
        %or3A = arith.ori %ne3A_768, %eq3A_771 : vector<16xi1>
        %jit3A_772 = arith.constant 1 : i32
        %jit3A_773 = arith.constant 0 : i32
        %broadcast_in_dim3A_774 = vector.broadcast %jit3A_772 : i32 to vector<16xi32>
        %broadcast_in_dim3A_775 = vector.broadcast %jit3A_773 : i32 to vector<16xi32>
        %select_n3A_776 = arith.select %or3A, %broadcast_in_dim3A_774, %broadcast_in_dim3A_775 : vector<16xi1>, vector<16xi32>
        %swap3A_777 = arith.index_cast %mul3A_741 : i32 to index
        %swap3A_778 = tpu.vector_load %arg14[%swap3A_777] {strides = array<i32>} : memref<8208xi32, #tpu.memory_space<vmem>>, vector<16xi32>,
        tpu.vector_store %arg14[%swap3A_777], %select_n3A_776 {strides = array<i32>} : memref<8208xi32, #tpu.memory_space<vmem>>, vector<16xi32>,
      }
      %while3A_726 = arith.constant 1 : i32
      scf.for %while3A_739 = %while3A_724 to %while3A_720 step %while3A_726  : i32 {
        %mul3A_740 = arith.constant 16 : i32
        %mul3A_741 = arith.muli %while3A_739, %mul3A_740 : i32
        %get3A_742 = arith.index_cast %mul3A_741 : i32 to index
        %get3A_743 = tpu.vector_load %arg12[%get3A_742] {strides = array<i32>} : memref<8208xi32, #tpu.memory_space<vmem>>, vector<16xi32>,
        %masked_sort3A = arith.constant dense<true> : vector<16xi1>
        %masked_sort3A_744 = arith.constant -2147483648 : i32
        %masked_sort3A_745 = vector.broadcast %masked_sort3A_744 : i32 to vector<16xi32>
        %masked_sort3A_746 = arith.xori %get3A_743, %masked_sort3A_745 : vector<16xi32>
        %masked_sort3A_747, %masked_sort3A_748, %masked_sort3A_749 = tpu.sort %masked_sort3A_746, %iota3A masked %masked_sort3A : (vector<16xi32>, vector<16xi32>, vector<16xi1>) -> (vector<16xi1>, vector<16xi32>, vector<16xi32>)
        %masked_sort3A_750 = arith.xori %masked_sort3A_748, %masked_sort3A_745 : vector<16xi32>
        %add3A_751 = arith.constant 1 : i32
        %add3A_752 = vector.broadcast %add3A_751 : i32 to vector<16xi32>
        %add3A_753 = arith.addi %iota3A, %add3A_752 : vector<16xi32>
        %min3A_754 = arith.constant 15 : i32
        %min3A_755 = vector.broadcast %min3A_754 : i32 to vector<16xi32>
        %min3A_756 = arith.minsi %add3A_753, %min3A_755 : vector<16xi32>
        %lt3A = arith.constant 0 : i32
        %lt3A_757 = vector.broadcast %lt3A : i32 to vector<16xi32>
        %lt3A_758 = arith.cmpi slt, %min3A_756, %lt3A_757 : vector<16xi32>
        %add3A_759 = arith.constant 16 : i32
        %add3A_760 = vector.broadcast %add3A_759 : i32 to vector<16xi32>
        %add3A_761 = arith.addi %min3A_756, %add3A_760 : vector<16xi32>
        %select_n3A_762 = arith.select %lt3A_758, %add3A_761, %min3A_756 : vector<16xi1>, vector<16xi32>
        %reshape3A = vector.shape_cast %select_n3A_762 : vector<16xi32> to vector<16x1xi32>
        %gather3A = vector.shape_cast %reshape3A : vector<16x1xi32> to vector<16xi32>
        %gather3A_763 = tpu.dynamic_gather %masked_sort3A_750[%gather3A] in [0] : vector<16xi32>, vector<16xi32> -> vector<16xi32>
        %swap3A_764 = arith.index_cast %mul3A_741 : i32 to index
        %swap3A_765 = tpu.vector_load %arg12[%swap3A_764] {strides = array<i32>} : memref<8208xi32, #tpu.memory_space<vmem>>, vector<16xi32>,
        tpu.vector_store %arg12[%swap3A_764], %masked_sort3A_750 {strides = array<i32>} : memref<8208xi32, #tpu.memory_space<vmem>>, vector<16xi32>,
        %swap3A_766 = arith.index_cast %mul3A_741 : i32 to index
        %swap3A_767 = tpu.vector_load %arg13[%swap3A_766] {strides = array<i32>} : memref<8208xi32, #tpu.memory_space<vmem>>, vector<16xi32>,
        tpu.vector_store %arg13[%swap3A_766], %masked_sort3A_749 {strides = array<i32>} : memref<8208xi32, #tpu.memory_space<vmem>>, vector<16xi32>,
        %ne3A_768 = arith.cmpi ne, %gather3A_763, %masked_sort3A_750 : vector<16xi32>
        %eq3A_769 = arith.constant 15 : i32
        %eq3A_770 = vector.broadcast %eq3A_769 : i32 to vector<16xi32>
        %eq3A_771 = arith.cmpi eq, %iota3A, %eq3A_770 : vector<16xi32>
        %or3A = arith.ori %ne3A_768, %eq3A_771 : vector<16xi1>
        %jit3A_772 = arith.constant 1 : i32
        %jit3A_773 = arith.constant 0 : i32
        %broadcast_in_dim3A_774 = vector.broadcast %jit3A_772 : i32 to vector<16xi32>
        %broadcast_in_dim3A_775 = vector.broadcast %jit3A_773 : i32 to vector<16xi32>
        %select_n3A_776 = arith.select %or3A, %broadcast_in_dim3A_774, %broadcast_in_dim3A_775 : vector<16xi1>, vector<16xi32>
        %swap3A_777 = arith.index_cast %mul3A_741 : i32 to index
        %swap3A_778 = tpu.vector_load %arg14[%swap3A_777] {strides = array<i32>} : memref<8208xi32, #tpu.memory_space<vmem>>, vector<16xi32>,
        tpu.vector_store %arg14[%swap3A_777], %select_n3A_776 {strides = array<i32>} : memref<8208xi32, #tpu.memory_space<vmem>>, vector<16xi32>,
      }
      %scan3A_727 = arith.constant true
      %scan3A_728 = arith.constant 0 : i32
      %scan3A_729 = arith.constant 16 : i32
      %scan3A_730 = arith.addi %scan3A_728, %scan3A_729 : i32
      %scan3A_731 = arith.constant 1 : i32
      %scan3A_732 = scf.for %scan3A_739 = %scan3A_728 to %scan3A_730 step %scan3A_731 iter_args(%scan3A_740 = %scan3A_727) -> (i1)  : i32 {
        %and3A_741 = arith.constant 1 : i32
        %and3A_742 = arith.andi %scan3A_739, %and3A_741 : i32
        %convert_element_type3A_743 = arith.extui %scan3A_740 : i1 to i32
        %cond3A_744 = arith.constant 0 : i32
        %cond3A_745 = arith.cmpi ne, %convert_element_type3A_743, %cond3A_744 : i32
        scf.if %cond3A_745 {
          %swap3A_762 = arith.constant 0 : index
          %swap3A_763 = tpu.vector_load %arg20[%swap3A_762] {strides = array<i32>} : memref<16xi32, #tpu.memory_space<vmem>>, vector<16xi32>,
          tpu.vector_store %arg20[%swap3A_762], %broadcast_in_dim3A_3 {strides = array<i32>} : memref<16xi32, #tpu.memory_space<vmem>>, vector<16xi32>,
          %while3A_764 = arith.constant 0 : i32
          %while3A_765 = arith.constant 0 : i32
          %while3A_766 = arith.subi %select_n3A, %while3A_765 : i32
          %while3A_767 = arith.addi %while3A_765, %while3A_766 : i32
          %while3A_768 = arith.constant 1 : i32
          %while3A_769 = arith.divsi %while3A_766, %while3A_768 : i32
          %while3A_770 = arith.muli %while3A_769, %while3A_768 : i32
          %while3A_771 = arith.addi %while3A_765, %while3A_770 : i32
          %while3A_772 = arith.constant 1 : i32
          scf.for %while3A_853 = %while3A_765 to %while3A_771 step %while3A_772  : i32 {
            %mul3A_854 = arith.constant 16 : i32
            %mul3A_855 = arith.muli %while3A_853, %mul3A_854 : i32
            %get3A_856 = arith.index_cast %mul3A_855 : i32 to index
            %get3A_857 = tpu.vector_load %arg11[%get3A_856] {strides = array<i32>} : memref<8208xi32, #tpu.memory_space<vmem>>, vector<16xi32>,
            %gather3A = tpu.vector_load_idx %arg15[%get3A_857] : memref<2048xi32, #tpu.memory_space<vmem>>[vector<16xi32>], vector<16xi32>,
            %get3A_858 = arith.index_cast %mul3A_855 : i32 to index
            %get3A_859 = tpu.vector_load %arg12[%get3A_858] {strides = array<i32>} : memref<8208xi32, #tpu.memory_space<vmem>>, vector<16xi32>,
            %get3A_860 = arith.index_cast %mul3A_855 : i32 to index
            %get3A_861 = tpu.vector_load %arg13[%get3A_860] {strides = array<i32>} : memref<8208xi32, #tpu.memory_space<vmem>>, vector<16xi32>,
            %lt3A = arith.constant 0 : i32
            %lt3A_862 = vector.broadcast %lt3A : i32 to vector<16xi32>
            %lt3A_863 = arith.cmpi slt, %get3A_861, %lt3A_862 : vector<16xi32>
            %add3A_864 = arith.constant 16 : i32
            %add3A_865 = vector.broadcast %add3A_864 : i32 to vector<16xi32>
            %add3A_866 = arith.addi %get3A_861, %add3A_865 : vector<16xi32>
            %select_n3A_867 = arith.select %lt3A_863, %add3A_866, %get3A_861 : vector<16xi1>, vector<16xi32>
            %reshape3A = vector.shape_cast %select_n3A_867 : vector<16xi32> to vector<16x1xi32>
            %gather3A_868 = vector.shape_cast %reshape3A : vector<16x1xi32> to vector<16xi32>
            %gather3A_869 = tpu.dynamic_gather %gather3A[%gather3A_868] in [0] : vector<16xi32>, vector<16xi32> -> vector<16xi32>
            %sub3A_870 = arith.constant 1 : i32
            %sub3A_871 = vector.broadcast %sub3A_870 : i32 to vector<16xi32>
            %sub3A_872 = arith.subi %iota3A, %sub3A_871 : vector<16xi32>
            %max3A_873 = arith.constant 0 : i32
            %max3A_874 = vector.broadcast %max3A_873 : i32 to vector<16xi32>
            %max3A_875 = arith.maxsi %sub3A_872, %max3A_874 : vector<16xi32>
            %lt3A_876 = arith.constant 0 : i32
            %lt3A_877 = vector.broadcast %lt3A_876 : i32 to vector<16xi32>
            %lt3A_878 = arith.cmpi slt, %max3A_875, %lt3A_877 : vector<16xi32>
            %add3A_879 = arith.constant 16 : i32
            %add3A_880 = vector.broadcast %add3A_879 : i32 to vector<16xi32>
            %add3A_881 = arith.addi %max3A_875, %add3A_880 : vector<16xi32>
            %select_n3A_882 = arith.select %lt3A_878, %add3A_881, %max3A_875 : vector<16xi1>, vector<16xi32>
            %reshape3A_883 = vector.shape_cast %select_n3A_882 : vector<16xi32> to vector<16x1xi32>
            %gather3A_884 = vector.shape_cast %reshape3A_883 : vector<16x1xi32> to vector<16xi32>
            %gather3A_885 = tpu.dynamic_gather %get3A_859[%gather3A_884] in [0] : vector<16xi32>, vector<16xi32> -> vector<16xi32>
            %lt3A_886 = arith.constant 0 : i32
            %lt3A_887 = vector.broadcast %lt3A_886 : i32 to vector<16xi32>
            %lt3A_888 = arith.cmpi slt, %max3A_875, %lt3A_887 : vector<16xi32>
            %add3A_889 = arith.constant 16 : i32
            %add3A_890 = vector.broadcast %add3A_889 : i32 to vector<16xi32>
            %add3A_891 = arith.addi %max3A_875, %add3A_890 : vector<16xi32>
            %select_n3A_892 = arith.select %lt3A_888, %add3A_891, %max3A_875 : vector<16xi1>, vector<16xi32>
            %reshape3A_893 = vector.shape_cast %select_n3A_892 : vector<16xi32> to vector<16x1xi32>
            %gather3A_894 = vector.shape_cast %reshape3A_893 : vector<16x1xi32> to vector<16xi32>
            %gather3A_895 = tpu.dynamic_gather %gather3A_869[%gather3A_894] in [0] : vector<16xi32>, vector<16xi32> -> vector<16xi32>
            %eq3A_896 = arith.cmpi eq, %gather3A_885, %get3A_859 : vector<16xi32>
            %ge3A = arith.constant 1 : i32
            %ge3A_897 = vector.broadcast %ge3A : i32 to vector<16xi32>
            %ge3A_898 = arith.cmpi sge, %iota3A, %ge3A_897 : vector<16xi32>
            %and3A_899 = arith.andi %eq3A_896, %ge3A_898 : vector<16xi1>
            %min3A_900 = arith.minsi %gather3A_869, %gather3A_895 : vector<16xi32>
            %select_n3A_901 = arith.select %and3A_899, %min3A_900, %gather3A_869 : vector<16xi1>, vector<16xi32>
            %sub3A_902 = arith.constant 2 : i32
            %sub3A_903 = vector.broadcast %sub3A_902 : i32 to vector<16xi32>
            %sub3A_904 = arith.subi %iota3A, %sub3A_903 : vector<16xi32>
            %max3A_905 = arith.constant 0 : i32
            %max3A_906 = vector.broadcast %max3A_905 : i32 to vector<16xi32>
            %max3A_907 = arith.maxsi %sub3A_904, %max3A_906 : vector<16xi32>
            %lt3A_908 = arith.constant 0 : i32
            %lt3A_909 = vector.broadcast %lt3A_908 : i32 to vector<16xi32>
            %lt3A_910 = arith.cmpi slt, %max3A_907, %lt3A_909 : vector<16xi32>
            %add3A_911 = arith.constant 16 : i32
            %add3A_912 = vector.broadcast %add3A_911 : i32 to vector<16xi32>
            %add3A_913 = arith.addi %max3A_907, %add3A_912 : vector<16xi32>
            %select_n3A_914 = arith.select %lt3A_910, %add3A_913, %max3A_907 : vector<16xi1>, vector<16xi32>
            %reshape3A_915 = vector.shape_cast %select_n3A_914 : vector<16xi32> to vector<16x1xi32>
            %gather3A_916 = vector.shape_cast %reshape3A_915 : vector<16x1xi32> to vector<16xi32>
            %gather3A_917 = tpu.dynamic_gather %get3A_859[%gather3A_916] in [0] : vector<16xi32>, vector<16xi32> -> vector<16xi32>
            %lt3A_918 = arith.constant 0 : i32
            %lt3A_919 = vector.broadcast %lt3A_918 : i32 to vector<16xi32>
            %lt3A_920 = arith.cmpi slt, %max3A_907, %lt3A_919 : vector<16xi32>
            %add3A_921 = arith.constant 16 : i32
            %add3A_922 = vector.broadcast %add3A_921 : i32 to vector<16xi32>
            %add3A_923 = arith.addi %max3A_907, %add3A_922 : vector<16xi32>
            %select_n3A_924 = arith.select %lt3A_920, %add3A_923, %max3A_907 : vector<16xi1>, vector<16xi32>
            %reshape3A_925 = vector.shape_cast %select_n3A_924 : vector<16xi32> to vector<16x1xi32>
            %gather3A_926 = vector.shape_cast %reshape3A_925 : vector<16x1xi32> to vector<16xi32>
            %gather3A_927 = tpu.dynamic_gather %select_n3A_901[%gather3A_926] in [0] : vector<16xi32>, vector<16xi32> -> vector<16xi32>
            %eq3A_928 = arith.cmpi eq, %gather3A_917, %get3A_859 : vector<16xi32>
            %ge3A_929 = arith.constant 2 : i32
            %ge3A_930 = vector.broadcast %ge3A_929 : i32 to vector<16xi32>
            %ge3A_931 = arith.cmpi sge, %iota3A, %ge3A_930 : vector<16xi32>
            %and3A_932 = arith.andi %eq3A_928, %ge3A_931 : vector<16xi1>
            %min3A_933 = arith.minsi %select_n3A_901, %gather3A_927 : vector<16xi32>
            %select_n3A_934 = arith.select %and3A_932, %min3A_933, %select_n3A_901 : vector<16xi1>, vector<16xi32>
            %sub3A_935 = arith.constant 4 : i32
            %sub3A_936 = vector.broadcast %sub3A_935 : i32 to vector<16xi32>
            %sub3A_937 = arith.subi %iota3A, %sub3A_936 : vector<16xi32>
            %max3A_938 = arith.constant 0 : i32
            %max3A_939 = vector.broadcast %max3A_938 : i32 to vector<16xi32>
            %max3A_940 = arith.maxsi %sub3A_937, %max3A_939 : vector<16xi32>
            %lt3A_941 = arith.constant 0 : i32
            %lt3A_942 = vector.broadcast %lt3A_941 : i32 to vector<16xi32>
            %lt3A_943 = arith.cmpi slt, %max3A_940, %lt3A_942 : vector<16xi32>
            %add3A_944 = arith.constant 16 : i32
            %add3A_945 = vector.broadcast %add3A_944 : i32 to vector<16xi32>
            %add3A_946 = arith.addi %max3A_940, %add3A_945 : vector<16xi32>
            %select_n3A_947 = arith.select %lt3A_943, %add3A_946, %max3A_940 : vector<16xi1>, vector<16xi32>
            %reshape3A_948 = vector.shape_cast %select_n3A_947 : vector<16xi32> to vector<16x1xi32>
            %gather3A_949 = vector.shape_cast %reshape3A_948 : vector<16x1xi32> to vector<16xi32>
            %gather3A_950 = tpu.dynamic_gather %get3A_859[%gather3A_949] in [0] : vector<16xi32>, vector<16xi32> -> vector<16xi32>
            %lt3A_951 = arith.constant 0 : i32
            %lt3A_952 = vector.broadcast %lt3A_951 : i32 to vector<16xi32>
            %lt3A_953 = arith.cmpi slt, %max3A_940, %lt3A_952 : vector<16xi32>
            %add3A_954 = arith.constant 16 : i32
            %add3A_955 = vector.broadcast %add3A_954 : i32 to vector<16xi32>
            %add3A_956 = arith.addi %max3A_940, %add3A_955 : vector<16xi32>
            %select_n3A_957 = arith.select %lt3A_953, %add3A_956, %max3A_940 : vector<16xi1>, vector<16xi32>
            %reshape3A_958 = vector.shape_cast %select_n3A_957 : vector<16xi32> to vector<16x1xi32>
            %gather3A_959 = vector.shape_cast %reshape3A_958 : vector<16x1xi32> to vector<16xi32>
            %gather3A_960 = tpu.dynamic_gather %select_n3A_934[%gather3A_959] in [0] : vector<16xi32>, vector<16xi32> -> vector<16xi32>
            %eq3A_961 = arith.cmpi eq, %gather3A_950, %get3A_859 : vector<16xi32>
            %ge3A_962 = arith.constant 4 : i32
            %ge3A_963 = vector.broadcast %ge3A_962 : i32 to vector<16xi32>
            %ge3A_964 = arith.cmpi sge, %iota3A, %ge3A_963 : vector<16xi32>
            %and3A_965 = arith.andi %eq3A_961, %ge3A_964 : vector<16xi1>
            %min3A_966 = arith.minsi %select_n3A_934, %gather3A_960 : vector<16xi32>
            %select_n3A_967 = arith.select %and3A_965, %min3A_966, %select_n3A_934 : vector<16xi1>, vector<16xi32>
            %sub3A_968 = arith.constant 8 : i32
            %sub3A_969 = vector.broadcast %sub3A_968 : i32 to vector<16xi32>
            %sub3A_970 = arith.subi %iota3A, %sub3A_969 : vector<16xi32>
            %max3A_971 = arith.constant 0 : i32
            %max3A_972 = vector.broadcast %max3A_971 : i32 to vector<16xi32>
            %max3A_973 = arith.maxsi %sub3A_970, %max3A_972 : vector<16xi32>
            %lt3A_974 = arith.constant 0 : i32
            %lt3A_975 = vector.broadcast %lt3A_974 : i32 to vector<16xi32>
            %lt3A_976 = arith.cmpi slt, %max3A_973, %lt3A_975 : vector<16xi32>
            %add3A_977 = arith.constant 16 : i32
            %add3A_978 = vector.broadcast %add3A_977 : i32 to vector<16xi32>
            %add3A_979 = arith.addi %max3A_973, %add3A_978 : vector<16xi32>
            %select_n3A_980 = arith.select %lt3A_976, %add3A_979, %max3A_973 : vector<16xi1>, vector<16xi32>
            %reshape3A_981 = vector.shape_cast %select_n3A_980 : vector<16xi32> to vector<16x1xi32>
            %gather3A_982 = vector.shape_cast %reshape3A_981 : vector<16x1xi32> to vector<16xi32>
            %gather3A_983 = tpu.dynamic_gather %get3A_859[%gather3A_982] in [0] : vector<16xi32>, vector<16xi32> -> vector<16xi32>
            %lt3A_984 = arith.constant 0 : i32
            %lt3A_985 = vector.broadcast %lt3A_984 : i32 to vector<16xi32>
            %lt3A_986 = arith.cmpi slt, %max3A_973, %lt3A_985 : vector<16xi32>
            %add3A_987 = arith.constant 16 : i32
            %add3A_988 = vector.broadcast %add3A_987 : i32 to vector<16xi32>
            %add3A_989 = arith.addi %max3A_973, %add3A_988 : vector<16xi32>
            %select_n3A_990 = arith.select %lt3A_986, %add3A_989, %max3A_973 : vector<16xi1>, vector<16xi32>
            %reshape3A_991 = vector.shape_cast %select_n3A_990 : vector<16xi32> to vector<16x1xi32>
            %gather3A_992 = vector.shape_cast %reshape3A_991 : vector<16x1xi32> to vector<16xi32>
            %gather3A_993 = tpu.dynamic_gather %select_n3A_967[%gather3A_992] in [0] : vector<16xi32>, vector<16xi32> -> vector<16xi32>
            %eq3A_994 = arith.cmpi eq, %gather3A_983, %get3A_859 : vector<16xi32>
            %ge3A_995 = arith.constant 8 : i32
            %ge3A_996 = vector.broadcast %ge3A_995 : i32 to vector<16xi32>
            %ge3A_997 = arith.cmpi sge, %iota3A, %ge3A_996 : vector<16xi32>
            %and3A_998 = arith.andi %eq3A_994, %ge3A_997 : vector<16xi1>
            %min3A_999 = arith.minsi %select_n3A_967, %gather3A_993 : vector<16xi32>
            %select_n3A_1000 = arith.select %and3A_998, %min3A_999, %select_n3A_967 : vector<16xi1>, vector<16xi32>
            %get3A_1001 = arith.index_cast %mul3A_855 : i32 to index
            %get3A_1002 = tpu.vector_load %arg14[%get3A_1001] {strides = array<i32>} : memref<8208xi32, #tpu.memory_space<vmem>>, vector<16xi32>,
            %ne3A_1003 = arith.constant 0 : i32
            %ne3A_1004 = vector.broadcast %ne3A_1003 : i32 to vector<16xi32>
            %ne3A_1005 = arith.cmpi ne, %get3A_1002, %ne3A_1004 : vector<16xi32>
            %gather3A_1006 = tpu.vector_load_idx %arg16[%get3A_859] : memref<128xi32, #tpu.memory_space<vmem>>[vector<16xi32>], vector<16xi32>,
            %min3A_1007 = arith.minsi %gather3A_1006, %select_n3A_1000 : vector<16xi32>
            %lt3A_1008 = arith.cmpi slt, %min3A_1007, %gather3A_1006 : vector<16xi32>
            %and3A_1009 = arith.andi %lt3A_1008, %ne3A_1005 : vector<16xi1>
            tpu.vector_store_idx %arg16[%get3A_859], %min3A_1007 masked %and3A_1009 : memref<128xi32, #tpu.memory_space<vmem>>[vector<16xi32>], vector<16xi32>, vector<16xi1>
            %get3A_1010 = arith.constant 0 : index
            %get3A_1011 = tpu.vector_load %arg20[%get3A_1010] {strides = array<i32>} : memref<16xi32, #tpu.memory_space<vmem>>, vector<16xi32>,
            %jit3A_1012 = arith.constant 1 : i32
            %jit3A_1013 = arith.constant 0 : i32
            %broadcast_in_dim3A_1014 = vector.broadcast %jit3A_1012 : i32 to vector<16xi32>
            %broadcast_in_dim3A_1015 = vector.broadcast %jit3A_1013 : i32 to vector<16xi32>
            %select_n3A_1016 = arith.select %and3A_1009, %broadcast_in_dim3A_1014, %broadcast_in_dim3A_1015 : vector<16xi1>, vector<16xi32>
            %or3A_1017 = arith.ori %get3A_1011, %select_n3A_1016 : vector<16xi32>
            %swap3A_1018 = arith.constant 0 : index
            %swap3A_1019 = tpu.vector_load %arg20[%swap3A_1018] {strides = array<i32>} : memref<16xi32, #tpu.memory_space<vmem>>, vector<16xi32>,
            tpu.vector_store %arg20[%swap3A_1018], %or3A_1017 {strides = array<i32>} : memref<16xi32, #tpu.memory_space<vmem>>, vector<16xi32>,
          }
          %while3A_773 = arith.constant 1 : i32
          scf.for %while3A_853 = %while3A_771 to %while3A_767 step %while3A_773  : i32 {
            %mul3A_854 = arith.constant 16 : i32
            %mul3A_855 = arith.muli %while3A_853, %mul3A_854 : i32
            %get3A_856 = arith.index_cast %mul3A_855 : i32 to index
            %get3A_857 = tpu.vector_load %arg11[%get3A_856] {strides = array<i32>} : memref<8208xi32, #tpu.memory_space<vmem>>, vector<16xi32>,
            %gather3A = tpu.vector_load_idx %arg15[%get3A_857] : memref<2048xi32, #tpu.memory_space<vmem>>[vector<16xi32>], vector<16xi32>,
            %get3A_858 = arith.index_cast %mul3A_855 : i32 to index
            %get3A_859 = tpu.vector_load %arg12[%get3A_858] {strides = array<i32>} : memref<8208xi32, #tpu.memory_space<vmem>>, vector<16xi32>,
            %get3A_860 = arith.index_cast %mul3A_855 : i32 to index
            %get3A_861 = tpu.vector_load %arg13[%get3A_860] {strides = array<i32>} : memref<8208xi32, #tpu.memory_space<vmem>>, vector<16xi32>,
            %lt3A = arith.constant 0 : i32
            %lt3A_862 = vector.broadcast %lt3A : i32 to vector<16xi32>
            %lt3A_863 = arith.cmpi slt, %get3A_861, %lt3A_862 : vector<16xi32>
            %add3A_864 = arith.constant 16 : i32
            %add3A_865 = vector.broadcast %add3A_864 : i32 to vector<16xi32>
            %add3A_866 = arith.addi %get3A_861, %add3A_865 : vector<16xi32>
            %select_n3A_867 = arith.select %lt3A_863, %add3A_866, %get3A_861 : vector<16xi1>, vector<16xi32>
            %reshape3A = vector.shape_cast %select_n3A_867 : vector<16xi32> to vector<16x1xi32>
            %gather3A_868 = vector.shape_cast %reshape3A : vector<16x1xi32> to vector<16xi32>
            %gather3A_869 = tpu.dynamic_gather %gather3A[%gather3A_868] in [0] : vector<16xi32>, vector<16xi32> -> vector<16xi32>
            %sub3A_870 = arith.constant 1 : i32
            %sub3A_871 = vector.broadcast %sub3A_870 : i32 to vector<16xi32>
            %sub3A_872 = arith.subi %iota3A, %sub3A_871 : vector<16xi32>
            %max3A_873 = arith.constant 0 : i32
            %max3A_874 = vector.broadcast %max3A_873 : i32 to vector<16xi32>
            %max3A_875 = arith.maxsi %sub3A_872, %max3A_874 : vector<16xi32>
            %lt3A_876 = arith.constant 0 : i32
            %lt3A_877 = vector.broadcast %lt3A_876 : i32 to vector<16xi32>
            %lt3A_878 = arith.cmpi slt, %max3A_875, %lt3A_877 : vector<16xi32>
            %add3A_879 = arith.constant 16 : i32
            %add3A_880 = vector.broadcast %add3A_879 : i32 to vector<16xi32>
            %add3A_881 = arith.addi %max3A_875, %add3A_880 : vector<16xi32>
            %select_n3A_882 = arith.select %lt3A_878, %add3A_881, %max3A_875 : vector<16xi1>, vector<16xi32>
            %reshape3A_883 = vector.shape_cast %select_n3A_882 : vector<16xi32> to vector<16x1xi32>
            %gather3A_884 = vector.shape_cast %reshape3A_883 : vector<16x1xi32> to vector<16xi32>
            %gather3A_885 = tpu.dynamic_gather %get3A_859[%gather3A_884] in [0] : vector<16xi32>, vector<16xi32> -> vector<16xi32>
            %lt3A_886 = arith.constant 0 : i32
            %lt3A_887 = vector.broadcast %lt3A_886 : i32 to vector<16xi32>
            %lt3A_888 = arith.cmpi slt, %max3A_875, %lt3A_887 : vector<16xi32>
            %add3A_889 = arith.constant 16 : i32
            %add3A_890 = vector.broadcast %add3A_889 : i32 to vector<16xi32>
            %add3A_891 = arith.addi %max3A_875, %add3A_890 : vector<16xi32>
            %select_n3A_892 = arith.select %lt3A_888, %add3A_891, %max3A_875 : vector<16xi1>, vector<16xi32>
            %reshape3A_893 = vector.shape_cast %select_n3A_892 : vector<16xi32> to vector<16x1xi32>
            %gather3A_894 = vector.shape_cast %reshape3A_893 : vector<16x1xi32> to vector<16xi32>
            %gather3A_895 = tpu.dynamic_gather %gather3A_869[%gather3A_894] in [0] : vector<16xi32>, vector<16xi32> -> vector<16xi32>
            %eq3A_896 = arith.cmpi eq, %gather3A_885, %get3A_859 : vector<16xi32>
            %ge3A = arith.constant 1 : i32
            %ge3A_897 = vector.broadcast %ge3A : i32 to vector<16xi32>
            %ge3A_898 = arith.cmpi sge, %iota3A, %ge3A_897 : vector<16xi32>
            %and3A_899 = arith.andi %eq3A_896, %ge3A_898 : vector<16xi1>
            %min3A_900 = arith.minsi %gather3A_869, %gather3A_895 : vector<16xi32>
            %select_n3A_901 = arith.select %and3A_899, %min3A_900, %gather3A_869 : vector<16xi1>, vector<16xi32>
            %sub3A_902 = arith.constant 2 : i32
            %sub3A_903 = vector.broadcast %sub3A_902 : i32 to vector<16xi32>
            %sub3A_904 = arith.subi %iota3A, %sub3A_903 : vector<16xi32>
            %max3A_905 = arith.constant 0 : i32
            %max3A_906 = vector.broadcast %max3A_905 : i32 to vector<16xi32>
            %max3A_907 = arith.maxsi %sub3A_904, %max3A_906 : vector<16xi32>
            %lt3A_908 = arith.constant 0 : i32
            %lt3A_909 = vector.broadcast %lt3A_908 : i32 to vector<16xi32>
            %lt3A_910 = arith.cmpi slt, %max3A_907, %lt3A_909 : vector<16xi32>
            %add3A_911 = arith.constant 16 : i32
            %add3A_912 = vector.broadcast %add3A_911 : i32 to vector<16xi32>
            %add3A_913 = arith.addi %max3A_907, %add3A_912 : vector<16xi32>
            %select_n3A_914 = arith.select %lt3A_910, %add3A_913, %max3A_907 : vector<16xi1>, vector<16xi32>
            %reshape3A_915 = vector.shape_cast %select_n3A_914 : vector<16xi32> to vector<16x1xi32>
            %gather3A_916 = vector.shape_cast %reshape3A_915 : vector<16x1xi32> to vector<16xi32>
            %gather3A_917 = tpu.dynamic_gather %get3A_859[%gather3A_916] in [0] : vector<16xi32>, vector<16xi32> -> vector<16xi32>
            %lt3A_918 = arith.constant 0 : i32
            %lt3A_919 = vector.broadcast %lt3A_918 : i32 to vector<16xi32>
            %lt3A_920 = arith.cmpi slt, %max3A_907, %lt3A_919 : vector<16xi32>
            %add3A_921 = arith.constant 16 : i32
            %add3A_922 = vector.broadcast %add3A_921 : i32 to vector<16xi32>
            %add3A_923 = arith.addi %max3A_907, %add3A_922 : vector<16xi32>
            %select_n3A_924 = arith.select %lt3A_920, %add3A_923, %max3A_907 : vector<16xi1>, vector<16xi32>
            %reshape3A_925 = vector.shape_cast %select_n3A_924 : vector<16xi32> to vector<16x1xi32>
            %gather3A_926 = vector.shape_cast %reshape3A_925 : vector<16x1xi32> to vector<16xi32>
            %gather3A_927 = tpu.dynamic_gather %select_n3A_901[%gather3A_926] in [0] : vector<16xi32>, vector<16xi32> -> vector<16xi32>
            %eq3A_928 = arith.cmpi eq, %gather3A_917, %get3A_859 : vector<16xi32>
            %ge3A_929 = arith.constant 2 : i32
            %ge3A_930 = vector.broadcast %ge3A_929 : i32 to vector<16xi32>
            %ge3A_931 = arith.cmpi sge, %iota3A, %ge3A_930 : vector<16xi32>
            %and3A_932 = arith.andi %eq3A_928, %ge3A_931 : vector<16xi1>
            %min3A_933 = arith.minsi %select_n3A_901, %gather3A_927 : vector<16xi32>
            %select_n3A_934 = arith.select %and3A_932, %min3A_933, %select_n3A_901 : vector<16xi1>, vector<16xi32>
            %sub3A_935 = arith.constant 4 : i32
            %sub3A_936 = vector.broadcast %sub3A_935 : i32 to vector<16xi32>
            %sub3A_937 = arith.subi %iota3A, %sub3A_936 : vector<16xi32>
            %max3A_938 = arith.constant 0 : i32
            %max3A_939 = vector.broadcast %max3A_938 : i32 to vector<16xi32>
            %max3A_940 = arith.maxsi %sub3A_937, %max3A_939 : vector<16xi32>
            %lt3A_941 = arith.constant 0 : i32
            %lt3A_942 = vector.broadcast %lt3A_941 : i32 to vector<16xi32>
            %lt3A_943 = arith.cmpi slt, %max3A_940, %lt3A_942 : vector<16xi32>
            %add3A_944 = arith.constant 16 : i32
            %add3A_945 = vector.broadcast %add3A_944 : i32 to vector<16xi32>
            %add3A_946 = arith.addi %max3A_940, %add3A_945 : vector<16xi32>
            %select_n3A_947 = arith.select %lt3A_943, %add3A_946, %max3A_940 : vector<16xi1>, vector<16xi32>
            %reshape3A_948 = vector.shape_cast %select_n3A_947 : vector<16xi32> to vector<16x1xi32>
            %gather3A_949 = vector.shape_cast %reshape3A_948 : vector<16x1xi32> to vector<16xi32>
            %gather3A_950 = tpu.dynamic_gather %get3A_859[%gather3A_949] in [0] : vector<16xi32>, vector<16xi32> -> vector<16xi32>
            %lt3A_951 = arith.constant 0 : i32
            %lt3A_952 = vector.broadcast %lt3A_951 : i32 to vector<16xi32>
            %lt3A_953 = arith.cmpi slt, %max3A_940, %lt3A_952 : vector<16xi32>
            %add3A_954 = arith.constant 16 : i32
            %add3A_955 = vector.broadcast %add3A_954 : i32 to vector<16xi32>
            %add3A_956 = arith.addi %max3A_940, %add3A_955 : vector<16xi32>
            %select_n3A_957 = arith.select %lt3A_953, %add3A_956, %max3A_940 : vector<16xi1>, vector<16xi32>
            %reshape3A_958 = vector.shape_cast %select_n3A_957 : vector<16xi32> to vector<16x1xi32>
            %gather3A_959 = vector.shape_cast %reshape3A_958 : vector<16x1xi32> to vector<16xi32>
            %gather3A_960 = tpu.dynamic_gather %select_n3A_934[%gather3A_959] in [0] : vector<16xi32>, vector<16xi32> -> vector<16xi32>
            %eq3A_961 = arith.cmpi eq, %gather3A_950, %get3A_859 : vector<16xi32>
            %ge3A_962 = arith.constant 4 : i32
            %ge3A_963 = vector.broadcast %ge3A_962 : i32 to vector<16xi32>
            %ge3A_964 = arith.cmpi sge, %iota3A, %ge3A_963 : vector<16xi32>
            %and3A_965 = arith.andi %eq3A_961, %ge3A_964 : vector<16xi1>
            %min3A_966 = arith.minsi %select_n3A_934, %gather3A_960 : vector<16xi32>
            %select_n3A_967 = arith.select %and3A_965, %min3A_966, %select_n3A_934 : vector<16xi1>, vector<16xi32>
            %sub3A_968 = arith.constant 8 : i32
            %sub3A_969 = vector.broadcast %sub3A_968 : i32 to vector<16xi32>
            %sub3A_970 = arith.subi %iota3A, %sub3A_969 : vector<16xi32>
            %max3A_971 = arith.constant 0 : i32
            %max3A_972 = vector.broadcast %max3A_971 : i32 to vector<16xi32>
            %max3A_973 = arith.maxsi %sub3A_970, %max3A_972 : vector<16xi32>
            %lt3A_974 = arith.constant 0 : i32
            %lt3A_975 = vector.broadcast %lt3A_974 : i32 to vector<16xi32>
            %lt3A_976 = arith.cmpi slt, %max3A_973, %lt3A_975 : vector<16xi32>
            %add3A_977 = arith.constant 16 : i32
            %add3A_978 = vector.broadcast %add3A_977 : i32 to vector<16xi32>
            %add3A_979 = arith.addi %max3A_973, %add3A_978 : vector<16xi32>
            %select_n3A_980 = arith.select %lt3A_976, %add3A_979, %max3A_973 : vector<16xi1>, vector<16xi32>
            %reshape3A_981 = vector.shape_cast %select_n3A_980 : vector<16xi32> to vector<16x1xi32>
            %gather3A_982 = vector.shape_cast %reshape3A_981 : vector<16x1xi32> to vector<16xi32>
            %gather3A_983 = tpu.dynamic_gather %get3A_859[%gather3A_982] in [0] : vector<16xi32>, vector<16xi32> -> vector<16xi32>
            %lt3A_984 = arith.constant 0 : i32
            %lt3A_985 = vector.broadcast %lt3A_984 : i32 to vector<16xi32>
            %lt3A_986 = arith.cmpi slt, %max3A_973, %lt3A_985 : vector<16xi32>
            %add3A_987 = arith.constant 16 : i32
            %add3A_988 = vector.broadcast %add3A_987 : i32 to vector<16xi32>
            %add3A_989 = arith.addi %max3A_973, %add3A_988 : vector<16xi32>
            %select_n3A_990 = arith.select %lt3A_986, %add3A_989, %max3A_973 : vector<16xi1>, vector<16xi32>
            %reshape3A_991 = vector.shape_cast %select_n3A_990 : vector<16xi32> to vector<16x1xi32>
            %gather3A_992 = vector.shape_cast %reshape3A_991 : vector<16x1xi32> to vector<16xi32>
            %gather3A_993 = tpu.dynamic_gather %select_n3A_967[%gather3A_992] in [0] : vector<16xi32>, vector<16xi32> -> vector<16xi32>
            %eq3A_994 = arith.cmpi eq, %gather3A_983, %get3A_859 : vector<16xi32>
            %ge3A_995 = arith.constant 8 : i32
            %ge3A_996 = vector.broadcast %ge3A_995 : i32 to vector<16xi32>
            %ge3A_997 = arith.cmpi sge, %iota3A, %ge3A_996 : vector<16xi32>
            %and3A_998 = arith.andi %eq3A_994, %ge3A_997 : vector<16xi1>
            %min3A_999 = arith.minsi %select_n3A_967, %gather3A_993 : vector<16xi32>
            %select_n3A_1000 = arith.select %and3A_998, %min3A_999, %select_n3A_967 : vector<16xi1>, vector<16xi32>
            %get3A_1001 = arith.index_cast %mul3A_855 : i32 to index
            %get3A_1002 = tpu.vector_load %arg14[%get3A_1001] {strides = array<i32>} : memref<8208xi32, #tpu.memory_space<vmem>>, vector<16xi32>,
            %ne3A_1003 = arith.constant 0 : i32
            %ne3A_1004 = vector.broadcast %ne3A_1003 : i32 to vector<16xi32>
            %ne3A_1005 = arith.cmpi ne, %get3A_1002, %ne3A_1004 : vector<16xi32>
            %gather3A_1006 = tpu.vector_load_idx %arg16[%get3A_859] : memref<128xi32, #tpu.memory_space<vmem>>[vector<16xi32>], vector<16xi32>,
            %min3A_1007 = arith.minsi %gather3A_1006, %select_n3A_1000 : vector<16xi32>
            %lt3A_1008 = arith.cmpi slt, %min3A_1007, %gather3A_1006 : vector<16xi32>
            %and3A_1009 = arith.andi %lt3A_1008, %ne3A_1005 : vector<16xi1>
            tpu.vector_store_idx %arg16[%get3A_859], %min3A_1007 masked %and3A_1009 : memref<128xi32, #tpu.memory_space<vmem>>[vector<16xi32>], vector<16xi32>, vector<16xi1>
            %get3A_1010 = arith.constant 0 : index
            %get3A_1011 = tpu.vector_load %arg20[%get3A_1010] {strides = array<i32>} : memref<16xi32, #tpu.memory_space<vmem>>, vector<16xi32>,
            %jit3A_1012 = arith.constant 1 : i32
            %jit3A_1013 = arith.constant 0 : i32
            %broadcast_in_dim3A_1014 = vector.broadcast %jit3A_1012 : i32 to vector<16xi32>
            %broadcast_in_dim3A_1015 = vector.broadcast %jit3A_1013 : i32 to vector<16xi32>
            %select_n3A_1016 = arith.select %and3A_1009, %broadcast_in_dim3A_1014, %broadcast_in_dim3A_1015 : vector<16xi1>, vector<16xi32>
            %or3A_1017 = arith.ori %get3A_1011, %select_n3A_1016 : vector<16xi32>
            %swap3A_1018 = arith.constant 0 : index
            %swap3A_1019 = tpu.vector_load %arg20[%swap3A_1018] {strides = array<i32>} : memref<16xi32, #tpu.memory_space<vmem>>, vector<16xi32>,
            tpu.vector_store %arg20[%swap3A_1018], %or3A_1017 {strides = array<i32>} : memref<16xi32, #tpu.memory_space<vmem>>, vector<16xi32>,
          }
          %mul3A_774 = arith.constant 2048 : i32
          %mul3A_775 = arith.muli %and3A_742, %mul3A_774 : i32
          %add3A_776 = arith.addi %mul3A_775, %mul3A_583 : i32
          %dma_start3A_777 = tpu.memref_slice %arg30[%add3A_776] : memref<4096xi32, #tpu.memory_space<vmem_shared>> -> memref<128xi32, #tpu.memory_space<vmem_shared>>
          %dma_start3A_778 = tpu.memref_slice %arg30[%add3A_776] : memref<4096xi32, #tpu.memory_space<vmem_shared>> -> memref<128xi32, #tpu.memory_space<vmem_shared>>
          tpu.enqueue_dma source(%arg16 : memref<128xi32, #tpu.memory_space<vmem>>) target(%dma_start3A_778 : memref<128xi32, #tpu.memory_space<vmem_shared>>) target_semaphore(%arg33 : memref<!tpu.dma_semaphore, #tpu.memory_space<semaphore_mem>>)
          %mul3A_779 = arith.constant 16 : i32
          %mul3A_780 = arith.muli %and3A_742, %mul3A_779 : i32
          %add3A_781 = arith.addi %mul3A_780, %arg1 : i32
          %mul3A_782 = arith.constant 16 : i32
          %mul3A_783 = arith.muli %add3A_781, %mul3A_782 : i32
          %dma_start3A_784 = tpu.memref_slice %arg31[%mul3A_783] : memref<512xi32, #tpu.memory_space<vmem_shared>> -> memref<16xi32, #tpu.memory_space<vmem_shared>>
          %dma_start3A_785 = tpu.memref_slice %arg31[%mul3A_783] : memref<512xi32, #tpu.memory_space<vmem_shared>> -> memref<16xi32, #tpu.memory_space<vmem_shared>>
          tpu.enqueue_dma source(%arg20 : memref<16xi32, #tpu.memory_space<vmem>>) target(%dma_start3A_785 : memref<16xi32, #tpu.memory_space<vmem_shared>>) target_semaphore(%arg33 : memref<!tpu.dma_semaphore, #tpu.memory_space<semaphore_mem>>)
          %dma_wait3A_786 = tpu.memref_slice %arg30[%add3A_776] : memref<4096xi32, #tpu.memory_space<vmem_shared>> -> memref<128xi32, #tpu.memory_space<vmem_shared>>
          %dma_wait3A_787 = tpu.memref_slice %arg30[%add3A_776] : memref<4096xi32, #tpu.memory_space<vmem_shared>> -> memref<128xi32, #tpu.memory_space<vmem_shared>>
          tpu.wait_dma2 semaphore(%arg33 : memref<!tpu.dma_semaphore, #tpu.memory_space<semaphore_mem>>) src(%arg16 : memref<128xi32, #tpu.memory_space<vmem>>) dst(%dma_wait3A_787 : memref<128xi32, #tpu.memory_space<vmem_shared>>)
          %dma_wait3A_788 = tpu.memref_slice %arg31[%mul3A_783] : memref<512xi32, #tpu.memory_space<vmem_shared>> -> memref<16xi32, #tpu.memory_space<vmem_shared>>
          %dma_wait3A_789 = tpu.memref_slice %arg31[%mul3A_783] : memref<512xi32, #tpu.memory_space<vmem_shared>> -> memref<16xi32, #tpu.memory_space<vmem_shared>>
          tpu.wait_dma2 semaphore(%arg33 : memref<!tpu.dma_semaphore, #tpu.memory_space<semaphore_mem>>) src(%arg20 : memref<16xi32, #tpu.memory_space<vmem>>) dst(%dma_wait3A_789 : memref<16xi32, #tpu.memory_space<vmem_shared>>)
          %barrier3A = arith.constant 0 : index
          tpu.barrier barrier_id(%barrier3A)
          %mul3A_790 = arith.constant 2048 : i32
          %mul3A_791 = arith.muli %and3A_742, %mul3A_790 : i32
          %dma_start3A_792 = tpu.memref_slice %arg30[%mul3A_791] : memref<4096xi32, #tpu.memory_space<vmem_shared>> -> memref<2048xi32, #tpu.memory_space<vmem_shared>>
          %dma_start3A_793 = tpu.memref_slice %arg30[%mul3A_791] : memref<4096xi32, #tpu.memory_space<vmem_shared>> -> memref<2048xi32, #tpu.memory_space<vmem_shared>>
          tpu.enqueue_dma source(%dma_start3A_793 : memref<2048xi32, #tpu.memory_space<vmem_shared>>) target(%arg15 : memref<2048xi32, #tpu.memory_space<vmem>>) target_semaphore(%arg33 : memref<!tpu.dma_semaphore, #tpu.memory_space<semaphore_mem>>)
          %mul3A_794 = arith.constant 16 : i32
          %mul3A_795 = arith.muli %and3A_742, %mul3A_794 : i32
          %mul3A_796 = arith.constant 16 : i32
          %mul3A_797 = arith.muli %mul3A_795, %mul3A_796 : i32
          %dma_start3A_798 = tpu.memref_slice %arg31[%mul3A_797] : memref<512xi32, #tpu.memory_space<vmem_shared>> -> memref<256xi32, #tpu.memory_space<vmem_shared>>
          %dma_start3A_799 = tpu.memref_slice %arg31[%mul3A_797] : memref<512xi32, #tpu.memory_space<vmem_shared>> -> memref<256xi32, #tpu.memory_space<vmem_shared>>
          tpu.enqueue_dma source(%dma_start3A_799 : memref<256xi32, #tpu.memory_space<vmem_shared>>) target(%arg21 : memref<256xi32, #tpu.memory_space<vmem>>) target_semaphore(%arg33 : memref<!tpu.dma_semaphore, #tpu.memory_space<semaphore_mem>>)
          %dma_wait3A_800 = tpu.memref_slice %arg30[%mul3A_791] : memref<4096xi32, #tpu.memory_space<vmem_shared>> -> memref<2048xi32, #tpu.memory_space<vmem_shared>>
          %dma_wait3A_801 = tpu.memref_slice %arg30[%mul3A_791] : memref<4096xi32, #tpu.memory_space<vmem_shared>> -> memref<2048xi32, #tpu.memory_space<vmem_shared>>
          tpu.wait_dma2 semaphore(%arg33 : memref<!tpu.dma_semaphore, #tpu.memory_space<semaphore_mem>>) src(%dma_wait3A_801 : memref<2048xi32, #tpu.memory_space<vmem_shared>>) dst(%arg15 : memref<2048xi32, #tpu.memory_space<vmem>>)
          %dma_wait3A_802 = tpu.memref_slice %arg31[%mul3A_797] : memref<512xi32, #tpu.memory_space<vmem_shared>> -> memref<256xi32, #tpu.memory_space<vmem_shared>>
          %dma_wait3A_803 = tpu.memref_slice %arg31[%mul3A_797] : memref<512xi32, #tpu.memory_space<vmem_shared>> -> memref<256xi32, #tpu.memory_space<vmem_shared>>
          tpu.wait_dma2 semaphore(%arg33 : memref<!tpu.dma_semaphore, #tpu.memory_space<semaphore_mem>>) src(%dma_wait3A_803 : memref<256xi32, #tpu.memory_space<vmem_shared>>) dst(%arg21 : memref<256xi32, #tpu.memory_space<vmem>>)
          %get3A_804 = arith.constant 0 : index
          %get3A_805 = tpu.vector_load %arg21[%get3A_804] {strides = array<i32>} : memref<256xi32, #tpu.memory_space<vmem>>, vector<16xi32>,
          %or3A = arith.ori %broadcast_in_dim3A_3, %get3A_805 : vector<16xi32>
          %get3A_806 = arith.constant 16 : index
          %get3A_807 = tpu.vector_load %arg21[%get3A_806] {strides = array<i32>} : memref<256xi32, #tpu.memory_space<vmem>>, vector<16xi32>,
          %or3A_808 = arith.ori %or3A, %get3A_807 : vector<16xi32>
          %get3A_809 = arith.constant 32 : index
          %get3A_810 = tpu.vector_load %arg21[%get3A_809] {strides = array<i32>} : memref<256xi32, #tpu.memory_space<vmem>>, vector<16xi32>,
          %or3A_811 = arith.ori %or3A_808, %get3A_810 : vector<16xi32>
          %get3A_812 = arith.constant 48 : index
          %get3A_813 = tpu.vector_load %arg21[%get3A_812] {strides = array<i32>} : memref<256xi32, #tpu.memory_space<vmem>>, vector<16xi32>,
          %or3A_814 = arith.ori %or3A_811, %get3A_813 : vector<16xi32>
          %get3A_815 = arith.constant 64 : index
          %get3A_816 = tpu.vector_load %arg21[%get3A_815] {strides = array<i32>} : memref<256xi32, #tpu.memory_space<vmem>>, vector<16xi32>,
          %or3A_817 = arith.ori %or3A_814, %get3A_816 : vector<16xi32>
          %get3A_818 = arith.constant 80 : index
          %get3A_819 = tpu.vector_load %arg21[%get3A_818] {strides = array<i32>} : memref<256xi32, #tpu.memory_space<vmem>>, vector<16xi32>,
          %or3A_820 = arith.ori %or3A_817, %get3A_819 : vector<16xi32>
          %get3A_821 = arith.constant 96 : index
          %get3A_822 = tpu.vector_load %arg21[%get3A_821] {strides = array<i32>} : memref<256xi32, #tpu.memory_space<vmem>>, vector<16xi32>,
          %or3A_823 = arith.ori %or3A_820, %get3A_822 : vector<16xi32>
          %get3A_824 = arith.constant 112 : index
          %get3A_825 = tpu.vector_load %arg21[%get3A_824] {strides = array<i32>} : memref<256xi32, #tpu.memory_space<vmem>>, vector<16xi32>,
          %or3A_826 = arith.ori %or3A_823, %get3A_825 : vector<16xi32>
          %get3A_827 = arith.constant 128 : index
          %get3A_828 = tpu.vector_load %arg21[%get3A_827] {strides = array<i32>} : memref<256xi32, #tpu.memory_space<vmem>>, vector<16xi32>,
          %or3A_829 = arith.ori %or3A_826, %get3A_828 : vector<16xi32>
          %get3A_830 = arith.constant 144 : index
          %get3A_831 = tpu.vector_load %arg21[%get3A_830] {strides = array<i32>} : memref<256xi32, #tpu.memory_space<vmem>>, vector<16xi32>,
          %or3A_832 = arith.ori %or3A_829, %get3A_831 : vector<16xi32>
          %get3A_833 = arith.constant 160 : index
          %get3A_834 = tpu.vector_load %arg21[%get3A_833] {strides = array<i32>} : memref<256xi32, #tpu.memory_space<vmem>>, vector<16xi32>,
          %or3A_835 = arith.ori %or3A_832, %get3A_834 : vector<16xi32>
          %get3A_836 = arith.constant 176 : index
          %get3A_837 = tpu.vector_load %arg21[%get3A_836] {strides = array<i32>} : memref<256xi32, #tpu.memory_space<vmem>>, vector<16xi32>,
          %or3A_838 = arith.ori %or3A_835, %get3A_837 : vector<16xi32>
          %get3A_839 = arith.constant 192 : index
          %get3A_840 = tpu.vector_load %arg21[%get3A_839] {strides = array<i32>} : memref<256xi32, #tpu.memory_space<vmem>>, vector<16xi32>,
          %or3A_841 = arith.ori %or3A_838, %get3A_840 : vector<16xi32>
          %get3A_842 = arith.constant 208 : index
          %get3A_843 = tpu.vector_load %arg21[%get3A_842] {strides = array<i32>} : memref<256xi32, #tpu.memory_space<vmem>>, vector<16xi32>,
          %or3A_844 = arith.ori %or3A_841, %get3A_843 : vector<16xi32>
          %get3A_845 = arith.constant 224 : index
          %get3A_846 = tpu.vector_load %arg21[%get3A_845] {strides = array<i32>} : memref<256xi32, #tpu.memory_space<vmem>>, vector<16xi32>,
          %or3A_847 = arith.ori %or3A_844, %get3A_846 : vector<16xi32>
          %get3A_848 = arith.constant 240 : index
          %get3A_849 = tpu.vector_load %arg21[%get3A_848] {strides = array<i32>} : memref<256xi32, #tpu.memory_space<vmem>>, vector<16xi32>,
          %or3A_850 = arith.ori %or3A_847, %get3A_849 : vector<16xi32>
          %swap3A_851 = arith.constant 0 : index
          %swap3A_852 = tpu.vector_load %arg22[%swap3A_851] {strides = array<i32>} : memref<16xi32, #tpu.memory_space<vmem>>, vector<16xi32>,
          tpu.vector_store %arg22[%swap3A_851], %or3A_850 {strides = array<i32>} : memref<16xi32, #tpu.memory_space<vmem>>, vector<16xi32>,
        } else {
        }
        %get3A_746 = arith.constant 0 : index
        %get3A_747 = tpu.vector_load %arg22[%get3A_746] {strides = array<i32>} : memref<16xi32, #tpu.memory_space<vmem>>, vector<16xi32>,
        %ne3A_748 = arith.constant 0 : i32
        %ne3A_749 = vector.broadcast %ne3A_748 : i32 to vector<16xi32>
        %ne3A_750 = arith.cmpi ne, %get3A_747, %ne3A_749 : vector<16xi32>
        %reduce_or3A = arith.constant 1.000000e+00 : f32
        %reduce_or3A_751 = arith.constant 0.000000e+00 : f32
        %reduce_or3A_752 = vector.broadcast %reduce_or3A : f32 to vector<16xf32>
        %reduce_or3A_753 = vector.broadcast %reduce_or3A_751 : f32 to vector<16xf32>
        %reduce_or3A_754 = arith.select %ne3A_750, %reduce_or3A_752, %reduce_or3A_753 : vector<16xi1>, vector<16xf32>
        %reduce_or3A_755 = arith.constant true
        %reduce_or3A_756 = vector.broadcast %reduce_or3A_755 : i1 to vector<16xi1>
        %reduce_or3A_757 = tpu.scan <max>, %reduce_or3A_754 masked %reduce_or3A_756 : vector<16xf32>, vector<16xi1> -> vector<16xf32>
        %reduce_or3A_758 = vector.extract %reduce_or3A_757[15] : f32 from vector<16xf32>
        %reduce_or3A_759 = arith.constant 0.000000e+00 : f32
        %reduce_or3A_760 = arith.cmpf ogt, %reduce_or3A_758, %reduce_or3A_759 : f32
        %and3A_761 = arith.andi %scan3A_740, %reduce_or3A_760 : i1
        scf.yield %and3A_761 : i1
      }
      %scan3A_733 = arith.constant 16 : i32
      %eq3A_734 = arith.constant 0 : i32
      %eq3A_735 = arith.cmpi eq, %arg1, %eq3A_734 : i32
      %convert_element_type3A_736 = arith.extui %eq3A_735 : i1 to i32
      %cond3A_737 = arith.constant 0 : i32
      %cond3A_738 = arith.cmpi ne, %convert_element_type3A_736, %cond3A_737 : i32
      scf.if %cond3A_738 {
        %scan3A_739 = arith.constant 0 : i32
        %scan3A_740 = arith.constant 0 : i32
        %scan3A_741 = arith.constant 128 : i32
        %scan3A_742 = arith.addi %scan3A_740, %scan3A_741 : i32
        %scan3A_743 = arith.constant 1 : i32
        %scan3A_744 = scf.for %scan3A_752 = %scan3A_740 to %scan3A_742 step %scan3A_743 iter_args(%scan3A_753 = %scan3A_739) -> (i32)  : i32 {
          %mul3A_754 = arith.constant 16 : i32
          %mul3A_755 = arith.muli %scan3A_752, %mul3A_754 : i32
          %get3A_756 = arith.index_cast %mul3A_755 : i32 to index
          %get3A_757 = tpu.vector_load %arg15[%get3A_756] {strides = array<i32>} : memref<2048xi32, #tpu.memory_space<vmem>>, vector<16xi32>,
          %mul3A_758 = arith.constant 16 : i32
          %mul3A_759 = arith.muli %scan3A_752, %mul3A_758 : i32
          %add3A_760 = vector.broadcast %mul3A_759 : i32 to vector<16xi32>
          %add3A_761 = arith.addi %add3A_760, %iota3A : vector<16xi32>
          %eq3A_762 = arith.cmpi eq, %get3A_757, %add3A_761 : vector<16xi32>
          %jit3A_763 = arith.constant 1 : i32
          %jit3A_764 = arith.constant 0 : i32
          %broadcast_in_dim3A_765 = vector.broadcast %jit3A_763 : i32 to vector<16xi32>
          %broadcast_in_dim3A_766 = vector.broadcast %jit3A_764 : i32 to vector<16xi32>
          %select_n3A_767 = arith.select %eq3A_762, %broadcast_in_dim3A_765, %broadcast_in_dim3A_766 : vector<16xi1>, vector<16xi32>
          %broadcast_in_dim3A_768 = arith.constant true
          %broadcast_in_dim3A_769 = vector.broadcast %broadcast_in_dim3A_768 : i1 to vector<16xi1>
          %masked_cumsum3A = tpu.scan <sum>, %select_n3A_767 masked %broadcast_in_dim3A_769 : vector<16xi32>, vector<16xi1> -> vector<16xi32>
          %add3A_770 = vector.broadcast %scan3A_753 : i32 to vector<16xi32>
          %add3A_771 = arith.addi %add3A_770, %masked_cumsum3A : vector<16xi32>
          %sub3A_772 = arith.constant 1 : i32
          %sub3A_773 = vector.broadcast %sub3A_772 : i32 to vector<16xi32>
          %sub3A_774 = arith.subi %add3A_771, %sub3A_773 : vector<16xi32>
          %swap3A_775 = arith.index_cast %mul3A_755 : i32 to index
          %swap3A_776 = tpu.vector_load %arg17[%swap3A_775] {strides = array<i32>} : memref<2048xi32, #tpu.memory_space<vmem>>, vector<16xi32>,
          tpu.vector_store %arg17[%swap3A_775], %sub3A_774 {strides = array<i32>} : memref<2048xi32, #tpu.memory_space<vmem>>, vector<16xi32>,
          %jit3A_777 = arith.constant 0 : i32
          %broadcast_in_dim3A_778 = vector.broadcast %jit3A_777 : i32 to vector<16xi32>
          %select_n3A_779 = arith.select %eq3A_762, %sub3A_774, %broadcast_in_dim3A_778 : vector<16xi1>, vector<16xi32>
          %swap3A_780 = arith.index_cast %mul3A_755 : i32 to index
          %swap3A_781 = tpu.vector_load %arg18[%swap3A_780] {strides = array<i32>} : memref<2048xi32, #tpu.memory_space<vmem>>, vector<16xi32>,
          tpu.vector_store %arg18[%swap3A_780], %select_n3A_779 {strides = array<i32>} : memref<2048xi32, #tpu.memory_space<vmem>>, vector<16xi32>,
          %reduce_max3A = arith.constant true
          %reduce_max3A_782 = vector.broadcast %reduce_max3A : i1 to vector<16xi1>
          %reduce_max3A_783 = arith.constant -2147483648 : i32
          %reduce_max3A_784 = vector.broadcast %reduce_max3A_783 : i32 to vector<16xi32>
          %reduce_max3A_785 = arith.xori %masked_cumsum3A, %reduce_max3A_784 : vector<16xi32>
          %reduce_max3A_786 = tpu.scan <max>, %reduce_max3A_785 masked %reduce_max3A_782 : vector<16xi32>, vector<16xi1> -> vector<16xi32>
          %reduce_max3A_787 = arith.xori %reduce_max3A_786, %reduce_max3A_784 : vector<16xi32>
          %reduce_max3A_788 = vector.extract %reduce_max3A_787[15] : i32 from vector<16xi32>
          %add3A_789 = arith.addi %scan3A_753, %reduce_max3A_788 : i32
          scf.yield %add3A_789 : i32
        }
        %scan3A_745 = arith.constant 128 : i32
        %scan3A_746 = arith.constant 0 : i32
        %scan3A_747 = arith.constant 0 : i32
        %scan3A_748 = arith.constant 128 : i32
        %scan3A_749 = arith.addi %scan3A_747, %scan3A_748 : i32
        %scan3A_750 = arith.constant 1 : i32
        scf.for %scan3A_752 = %scan3A_747 to %scan3A_749 step %scan3A_750  : i32 {
          %mul3A_753 = arith.constant 16 : i32
          %mul3A_754 = arith.muli %scan3A_752, %mul3A_753 : i32
          %get3A_755 = arith.index_cast %mul3A_754 : i32 to index
          %get3A_756 = tpu.vector_load %arg15[%get3A_755] {strides = array<i32>} : memref<2048xi32, #tpu.memory_space<vmem>>, vector<16xi32>,
          %mul3A_757 = arith.constant 16 : i32
          %mul3A_758 = arith.muli %scan3A_752, %mul3A_757 : i32
          %add3A_759 = vector.broadcast %mul3A_758 : i32 to vector<16xi32>
          %add3A_760 = arith.addi %add3A_759, %iota3A : vector<16xi32>
          %eq3A_761 = arith.cmpi eq, %get3A_756, %add3A_760 : vector<16xi32>
          %gather3A = tpu.vector_load_idx %arg18[%get3A_756] : memref<2048xi32, #tpu.memory_space<vmem>>[vector<16xi32>], vector<16xi32>,
          %get3A_762 = arith.index_cast %mul3A_754 : i32 to index
          %get3A_763 = tpu.vector_load %arg17[%get3A_762] {strides = array<i32>} : memref<2048xi32, #tpu.memory_space<vmem>>, vector<16xi32>,
          %select_n3A_764 = arith.select %eq3A_761, %get3A_763, %gather3A : vector<16xi1>, vector<16xi32>
          %swap3A_765 = arith.index_cast %mul3A_754 : i32 to index
          %swap3A_766 = tpu.vector_load %arg19[%swap3A_765] {strides = array<i32>} : memref<2048xi32, #tpu.memory_space<vmem>>, vector<16xi32>,
          tpu.vector_store %arg19[%swap3A_765], %select_n3A_764 {strides = array<i32>} : memref<2048xi32, #tpu.memory_space<vmem>>, vector<16xi32>,
        }
        %scan3A_751 = arith.constant 128 : i32
        "tpu.region"() ({
          %run_scoped3A = tpu.sem_alloc : memref<!tpu.dma_semaphore, #tpu.memory_space<semaphore_mem>>
          tpu.enqueue_dma source(%arg19 : memref<2048xi32, #tpu.memory_space<vmem>>) target(%arg7 : memref<2048xi32, #tpu.memory_space<hbm>>) target_semaphore(%run_scoped3A : memref<!tpu.dma_semaphore, #tpu.memory_space<semaphore_mem>>)
          tpu.wait_dma2 semaphore(%run_scoped3A : memref<!tpu.dma_semaphore, #tpu.memory_space<semaphore_mem>>) src(%arg19 : memref<2048xi32, #tpu.memory_space<vmem>>) dst(%arg7 : memref<2048xi32, #tpu.memory_space<hbm>>)
          tpu.yield
        }) : () -> ()
      } else {
      }
    } else {
    }
    %dma_wait3A_427 = arith.constant 0 : i32
    %dma_wait3A_428 = arith.constant 0 : i32
    %dma_wait3A_429 = arith.constant 0 : i32
    %dma_wait3A_430 = arith.constant 0 : i32
    %dma_wait3A_431 = tpu.memref_slice %arg28[%dma_wait3A_428, %dma_wait3A_429, %dma_wait3A_430] : memref<4x64x128xf32, #tpu.memory_space<vmem>> -> memref<1x64x128xf32, #tpu.memory_space<vmem>>
    %dma_wait3A_432 = tpu.memref_squeeze %dma_wait3A_431 : memref<1x64x128xf32, #tpu.memory_space<vmem>> -> memref<64x128xf32, #tpu.memory_space<vmem>>
    %dma_wait3A_433 = arith.constant 0 : i32
    %dma_wait3A_434 = tpu.memref_slice %arg26[%dma_wait3A_427, %dma_wait3A_433] : memref<4x64xi32, #tpu.memory_space<vmem>> -> memref<1x64xi32, #tpu.memory_space<vmem>>
    %dma_wait3A_435 = tpu.memref_squeeze %dma_wait3A_434 : memref<1x64xi32, #tpu.memory_space<vmem>> -> memref<64xi32, #tpu.memory_space<vmem>>
    %dma_wait3A_436 = arith.constant 0 : i32
    %dma_wait3A_437 = arith.constant 0 : i32
    %dma_wait3A_438 = tpu.memref_slice %arg2[%dma_wait3A_436, %dma_wait3A_437] : memref<65536x128xf32, #tpu.memory_space<hbm>> -> memref<65536x128xf32, #tpu.memory_space<hbm>>
    tpu.wait_indirect_dma semaphore(%arg32 : memref<!tpu.dma_semaphore, #tpu.memory_space<semaphore_mem>>) src(%dma_wait3A_438 : memref<65536x128xf32, #tpu.memory_space<hbm>>) dst(%dma_wait3A_432 : memref<64x128xf32, #tpu.memory_space<vmem>>)
    %dma_wait3A_439 = arith.constant 1 : i32
    %dma_wait3A_440 = arith.constant 1 : i32
    %dma_wait3A_441 = arith.constant 0 : i32
    %dma_wait3A_442 = arith.constant 0 : i32
    %dma_wait3A_443 = tpu.memref_slice %arg28[%dma_wait3A_440, %dma_wait3A_441, %dma_wait3A_442] : memref<4x64x128xf32, #tpu.memory_space<vmem>> -> memref<1x64x128xf32, #tpu.memory_space<vmem>>
    %dma_wait3A_444 = tpu.memref_squeeze %dma_wait3A_443 : memref<1x64x128xf32, #tpu.memory_space<vmem>> -> memref<64x128xf32, #tpu.memory_space<vmem>>
    %dma_wait3A_445 = arith.constant 0 : i32
    %dma_wait3A_446 = tpu.memref_slice %arg26[%dma_wait3A_439, %dma_wait3A_445] : memref<4x64xi32, #tpu.memory_space<vmem>> -> memref<1x64xi32, #tpu.memory_space<vmem>>
    %dma_wait3A_447 = tpu.memref_squeeze %dma_wait3A_446 : memref<1x64xi32, #tpu.memory_space<vmem>> -> memref<64xi32, #tpu.memory_space<vmem>>
    %dma_wait3A_448 = arith.constant 0 : i32
    %dma_wait3A_449 = arith.constant 0 : i32
    %dma_wait3A_450 = tpu.memref_slice %arg2[%dma_wait3A_448, %dma_wait3A_449] : memref<65536x128xf32, #tpu.memory_space<hbm>> -> memref<65536x128xf32, #tpu.memory_space<hbm>>
    tpu.wait_indirect_dma semaphore(%arg32 : memref<!tpu.dma_semaphore, #tpu.memory_space<semaphore_mem>>) src(%dma_wait3A_450 : memref<65536x128xf32, #tpu.memory_space<hbm>>) dst(%dma_wait3A_444 : memref<64x128xf32, #tpu.memory_space<vmem>>)
    %dma_wait3A_451 = arith.constant 2 : i32
    %dma_wait3A_452 = arith.constant 2 : i32
    %dma_wait3A_453 = arith.constant 0 : i32
    %dma_wait3A_454 = arith.constant 0 : i32
    %dma_wait3A_455 = tpu.memref_slice %arg28[%dma_wait3A_452, %dma_wait3A_453, %dma_wait3A_454] : memref<4x64x128xf32, #tpu.memory_space<vmem>> -> memref<1x64x128xf32, #tpu.memory_space<vmem>>
    %dma_wait3A_456 = tpu.memref_squeeze %dma_wait3A_455 : memref<1x64x128xf32, #tpu.memory_space<vmem>> -> memref<64x128xf32, #tpu.memory_space<vmem>>
    %dma_wait3A_457 = arith.constant 0 : i32
    %dma_wait3A_458 = tpu.memref_slice %arg26[%dma_wait3A_451, %dma_wait3A_457] : memref<4x64xi32, #tpu.memory_space<vmem>> -> memref<1x64xi32, #tpu.memory_space<vmem>>
    %dma_wait3A_459 = tpu.memref_squeeze %dma_wait3A_458 : memref<1x64xi32, #tpu.memory_space<vmem>> -> memref<64xi32, #tpu.memory_space<vmem>>
    %dma_wait3A_460 = arith.constant 0 : i32
    %dma_wait3A_461 = arith.constant 0 : i32
    %dma_wait3A_462 = tpu.memref_slice %arg2[%dma_wait3A_460, %dma_wait3A_461] : memref<65536x128xf32, #tpu.memory_space<hbm>> -> memref<65536x128xf32, #tpu.memory_space<hbm>>
    tpu.wait_indirect_dma semaphore(%arg32 : memref<!tpu.dma_semaphore, #tpu.memory_space<semaphore_mem>>) src(%dma_wait3A_462 : memref<65536x128xf32, #tpu.memory_space<hbm>>) dst(%dma_wait3A_456 : memref<64x128xf32, #tpu.memory_space<vmem>>)
    %dma_wait3A_463 = arith.constant 3 : i32
    %dma_wait3A_464 = arith.constant 3 : i32
    %dma_wait3A_465 = arith.constant 0 : i32
    %dma_wait3A_466 = arith.constant 0 : i32
    %dma_wait3A_467 = tpu.memref_slice %arg28[%dma_wait3A_464, %dma_wait3A_465, %dma_wait3A_466] : memref<4x64x128xf32, #tpu.memory_space<vmem>> -> memref<1x64x128xf32, #tpu.memory_space<vmem>>
    %dma_wait3A_468 = tpu.memref_squeeze %dma_wait3A_467 : memref<1x64x128xf32, #tpu.memory_space<vmem>> -> memref<64x128xf32, #tpu.memory_space<vmem>>
    %dma_wait3A_469 = arith.constant 0 : i32
    %dma_wait3A_470 = tpu.memref_slice %arg26[%dma_wait3A_463, %dma_wait3A_469] : memref<4x64xi32, #tpu.memory_space<vmem>> -> memref<1x64xi32, #tpu.memory_space<vmem>>
    %dma_wait3A_471 = tpu.memref_squeeze %dma_wait3A_470 : memref<1x64xi32, #tpu.memory_space<vmem>> -> memref<64xi32, #tpu.memory_space<vmem>>
    %dma_wait3A_472 = arith.constant 0 : i32
    %dma_wait3A_473 = arith.constant 0 : i32
    %dma_wait3A_474 = tpu.memref_slice %arg2[%dma_wait3A_472, %dma_wait3A_473] : memref<65536x128xf32, #tpu.memory_space<hbm>> -> memref<65536x128xf32, #tpu.memory_space<hbm>>
    tpu.wait_indirect_dma semaphore(%arg32 : memref<!tpu.dma_semaphore, #tpu.memory_space<semaphore_mem>>) src(%dma_wait3A_474 : memref<65536x128xf32, #tpu.memory_space<hbm>>) dst(%dma_wait3A_468 : memref<64x128xf32, #tpu.memory_space<vmem>>)
    %broadcast_in_dim3A_475 = arith.constant 0 : i32
    %broadcast_in_dim3A_476 = vector.broadcast %broadcast_in_dim3A_475 : i32 to vector<16xi32>
    %broadcast_in_dim3A_477 = arith.constant 1 : i32
    %broadcast_in_dim3A_478 = vector.broadcast %broadcast_in_dim3A_477 : i32 to vector<16xi32>
    %broadcast_in_dim3A_479 = arith.constant 2 : i32
    %broadcast_in_dim3A_480 = vector.broadcast %broadcast_in_dim3A_479 : i32 to vector<16xi32>
    %broadcast_in_dim3A_481 = arith.constant 3 : i32
    %broadcast_in_dim3A_482 = vector.broadcast %broadcast_in_dim3A_481 : i32 to vector<16xi32>
    %add3A_483 = arith.constant 0 : i32
    %add3A_484 = vector.broadcast %add3A_483 : i32 to vector<16xi32>
    %add3A_485 = arith.addi %add3A_484, %iota3A : vector<16xi32>
    %get3A_486 = arith.constant 0 : i32
    %get3A_487 = arith.index_cast %get3A_486 : i32 to index
    %get3A_488 = arith.constant 0 : index
    %get3A_489 = tpu.vector_load %arg27[%get3A_487, %get3A_488] {strides = array<i32>} : memref<4x64xf32, #tpu.memory_space<vmem>>, vector<16xf32>,
    %get3A_490 = arith.constant 1 : i32
    %get3A_491 = arith.index_cast %get3A_490 : i32 to index
    %get3A_492 = arith.constant 0 : index
    %get3A_493 = tpu.vector_load %arg27[%get3A_491, %get3A_492] {strides = array<i32>} : memref<4x64xf32, #tpu.memory_space<vmem>>, vector<16xf32>,
    %get3A_494 = arith.constant 2 : i32
    %get3A_495 = arith.index_cast %get3A_494 : i32 to index
    %get3A_496 = arith.constant 0 : index
    %get3A_497 = tpu.vector_load %arg27[%get3A_495, %get3A_496] {strides = array<i32>} : memref<4x64xf32, #tpu.memory_space<vmem>>, vector<16xf32>,
    %get3A_498 = arith.constant 3 : i32
    %get3A_499 = arith.index_cast %get3A_498 : i32 to index
    %get3A_500 = arith.constant 0 : index
    %get3A_501 = tpu.vector_load %arg27[%get3A_499, %get3A_500] {strides = array<i32>} : memref<4x64xf32, #tpu.memory_space<vmem>>, vector<16xf32>,
    %scan3A = arith.constant 0 : i32
    %scan3A_502 = arith.constant 0 : i32
    %scan3A_503 = arith.constant 128 : i32
    %scan3A_504 = arith.addi %scan3A_502, %scan3A_503 : i32
    %scan3A_505 = arith.constant 1 : i32
    scf.for %scan3A_582 = %scan3A_502 to %scan3A_504 step %scan3A_505  : i32 {
      %add3A_583 = vector.broadcast %scan3A_582 : i32 to vector<16xi32>
      %add3A_584 = arith.addi %broadcast_in_dim3A_3, %add3A_583 : vector<16xi32>
      %gather3A = tpu.vector_load_idx %arg28[%broadcast_in_dim3A_476, %add3A_485, %add3A_584] : memref<4x64x128xf32, #tpu.memory_space<vmem>>[vector<16xi32>, vector<16xi32>, vector<16xi32>], vector<16xf32>,
      %mul3A_585 = arith.mulf %get3A_489, %gather3A : vector<16xf32>
      %gather3A_586 = tpu.vector_load_idx %arg28[%broadcast_in_dim3A_478, %add3A_485, %add3A_584] : memref<4x64x128xf32, #tpu.memory_space<vmem>>[vector<16xi32>, vector<16xi32>, vector<16xi32>], vector<16xf32>,
      %mul3A_587 = arith.mulf %get3A_493, %gather3A_586 : vector<16xf32>
      %add3A_588 = arith.addf %mul3A_585, %mul3A_587 : vector<16xf32>
      %gather3A_589 = tpu.vector_load_idx %arg28[%broadcast_in_dim3A_480, %add3A_485, %add3A_584] : memref<4x64x128xf32, #tpu.memory_space<vmem>>[vector<16xi32>, vector<16xi32>, vector<16xi32>], vector<16xf32>,
      %mul3A_590 = arith.mulf %get3A_497, %gather3A_589 : vector<16xf32>
      %add3A_591 = arith.addf %add3A_588, %mul3A_590 : vector<16xf32>
      %gather3A_592 = tpu.vector_load_idx %arg28[%broadcast_in_dim3A_482, %add3A_485, %add3A_584] : memref<4x64x128xf32, #tpu.memory_space<vmem>>[vector<16xi32>, vector<16xi32>, vector<16xi32>], vector<16xf32>,
      %mul3A_593 = arith.mulf %get3A_501, %gather3A_592 : vector<16xf32>
      %add3A_594 = arith.addf %add3A_591, %mul3A_593 : vector<16xf32>
      tpu.vector_store_idx %arg29[%add3A_485, %add3A_584], %add3A_594 : memref<64x128xf32, #tpu.memory_space<vmem>>[vector<16xi32>, vector<16xi32>], vector<16xf32>,
    }
    %scan3A_506 = arith.constant 128 : i32
    %add3A_507 = arith.constant 16 : i32
    %add3A_508 = vector.broadcast %add3A_507 : i32 to vector<16xi32>
    %add3A_509 = arith.addi %add3A_508, %iota3A : vector<16xi32>
    %get3A_510 = arith.constant 0 : i32
    %get3A_511 = arith.index_cast %get3A_510 : i32 to index
    %get3A_512 = arith.constant 16 : index
    %get3A_513 = tpu.vector_load %arg27[%get3A_511, %get3A_512] {strides = array<i32>} : memref<4x64xf32, #tpu.memory_space<vmem>>, vector<16xf32>,
    %get3A_514 = arith.constant 1 : i32
    %get3A_515 = arith.index_cast %get3A_514 : i32 to index
    %get3A_516 = arith.constant 16 : index
    %get3A_517 = tpu.vector_load %arg27[%get3A_515, %get3A_516] {strides = array<i32>} : memref<4x64xf32, #tpu.memory_space<vmem>>, vector<16xf32>,
    %get3A_518 = arith.constant 2 : i32
    %get3A_519 = arith.index_cast %get3A_518 : i32 to index
    %get3A_520 = arith.constant 16 : index
    %get3A_521 = tpu.vector_load %arg27[%get3A_519, %get3A_520] {strides = array<i32>} : memref<4x64xf32, #tpu.memory_space<vmem>>, vector<16xf32>,
    %get3A_522 = arith.constant 3 : i32
    %get3A_523 = arith.index_cast %get3A_522 : i32 to index
    %get3A_524 = arith.constant 16 : index
    %get3A_525 = tpu.vector_load %arg27[%get3A_523, %get3A_524] {strides = array<i32>} : memref<4x64xf32, #tpu.memory_space<vmem>>, vector<16xf32>,
    %scan3A_526 = arith.constant 0 : i32
    %scan3A_527 = arith.constant 0 : i32
    %scan3A_528 = arith.constant 128 : i32
    %scan3A_529 = arith.addi %scan3A_527, %scan3A_528 : i32
    %scan3A_530 = arith.constant 1 : i32
    scf.for %scan3A_582 = %scan3A_527 to %scan3A_529 step %scan3A_530  : i32 {
      %add3A_583 = vector.broadcast %scan3A_582 : i32 to vector<16xi32>
      %add3A_584 = arith.addi %broadcast_in_dim3A_3, %add3A_583 : vector<16xi32>
      %gather3A = tpu.vector_load_idx %arg28[%broadcast_in_dim3A_476, %add3A_509, %add3A_584] : memref<4x64x128xf32, #tpu.memory_space<vmem>>[vector<16xi32>, vector<16xi32>, vector<16xi32>], vector<16xf32>,
      %mul3A_585 = arith.mulf %get3A_513, %gather3A : vector<16xf32>
      %gather3A_586 = tpu.vector_load_idx %arg28[%broadcast_in_dim3A_478, %add3A_509, %add3A_584] : memref<4x64x128xf32, #tpu.memory_space<vmem>>[vector<16xi32>, vector<16xi32>, vector<16xi32>], vector<16xf32>,
      %mul3A_587 = arith.mulf %get3A_517, %gather3A_586 : vector<16xf32>
      %add3A_588 = arith.addf %mul3A_585, %mul3A_587 : vector<16xf32>
      %gather3A_589 = tpu.vector_load_idx %arg28[%broadcast_in_dim3A_480, %add3A_509, %add3A_584] : memref<4x64x128xf32, #tpu.memory_space<vmem>>[vector<16xi32>, vector<16xi32>, vector<16xi32>], vector<16xf32>,
      %mul3A_590 = arith.mulf %get3A_521, %gather3A_589 : vector<16xf32>
      %add3A_591 = arith.addf %add3A_588, %mul3A_590 : vector<16xf32>
      %gather3A_592 = tpu.vector_load_idx %arg28[%broadcast_in_dim3A_482, %add3A_509, %add3A_584] : memref<4x64x128xf32, #tpu.memory_space<vmem>>[vector<16xi32>, vector<16xi32>, vector<16xi32>], vector<16xf32>,
      %mul3A_593 = arith.mulf %get3A_525, %gather3A_592 : vector<16xf32>
      %add3A_594 = arith.addf %add3A_591, %mul3A_593 : vector<16xf32>
      tpu.vector_store_idx %arg29[%add3A_509, %add3A_584], %add3A_594 : memref<64x128xf32, #tpu.memory_space<vmem>>[vector<16xi32>, vector<16xi32>], vector<16xf32>,
    }
    %scan3A_531 = arith.constant 128 : i32
    %add3A_532 = arith.constant 32 : i32
    %add3A_533 = vector.broadcast %add3A_532 : i32 to vector<16xi32>
    %add3A_534 = arith.addi %add3A_533, %iota3A : vector<16xi32>
    %get3A_535 = arith.constant 0 : i32
    %get3A_536 = arith.index_cast %get3A_535 : i32 to index
    %get3A_537 = arith.constant 32 : index
    %get3A_538 = tpu.vector_load %arg27[%get3A_536, %get3A_537] {strides = array<i32>} : memref<4x64xf32, #tpu.memory_space<vmem>>, vector<16xf32>,
    %get3A_539 = arith.constant 1 : i32
    %get3A_540 = arith.index_cast %get3A_539 : i32 to index
    %get3A_541 = arith.constant 32 : index
    %get3A_542 = tpu.vector_load %arg27[%get3A_540, %get3A_541] {strides = array<i32>} : memref<4x64xf32, #tpu.memory_space<vmem>>, vector<16xf32>,
    %get3A_543 = arith.constant 2 : i32
    %get3A_544 = arith.index_cast %get3A_543 : i32 to index
    %get3A_545 = arith.constant 32 : index
    %get3A_546 = tpu.vector_load %arg27[%get3A_544, %get3A_545] {strides = array<i32>} : memref<4x64xf32, #tpu.memory_space<vmem>>, vector<16xf32>,
    %get3A_547 = arith.constant 3 : i32
    %get3A_548 = arith.index_cast %get3A_547 : i32 to index
    %get3A_549 = arith.constant 32 : index
    %get3A_550 = tpu.vector_load %arg27[%get3A_548, %get3A_549] {strides = array<i32>} : memref<4x64xf32, #tpu.memory_space<vmem>>, vector<16xf32>,
    %scan3A_551 = arith.constant 0 : i32
    %scan3A_552 = arith.constant 0 : i32
    %scan3A_553 = arith.constant 128 : i32
    %scan3A_554 = arith.addi %scan3A_552, %scan3A_553 : i32
    %scan3A_555 = arith.constant 1 : i32
    scf.for %scan3A_582 = %scan3A_552 to %scan3A_554 step %scan3A_555  : i32 {
      %add3A_583 = vector.broadcast %scan3A_582 : i32 to vector<16xi32>
      %add3A_584 = arith.addi %broadcast_in_dim3A_3, %add3A_583 : vector<16xi32>
      %gather3A = tpu.vector_load_idx %arg28[%broadcast_in_dim3A_476, %add3A_534, %add3A_584] : memref<4x64x128xf32, #tpu.memory_space<vmem>>[vector<16xi32>, vector<16xi32>, vector<16xi32>], vector<16xf32>,
      %mul3A_585 = arith.mulf %get3A_538, %gather3A : vector<16xf32>
      %gather3A_586 = tpu.vector_load_idx %arg28[%broadcast_in_dim3A_478, %add3A_534, %add3A_584] : memref<4x64x128xf32, #tpu.memory_space<vmem>>[vector<16xi32>, vector<16xi32>, vector<16xi32>], vector<16xf32>,
      %mul3A_587 = arith.mulf %get3A_542, %gather3A_586 : vector<16xf32>
      %add3A_588 = arith.addf %mul3A_585, %mul3A_587 : vector<16xf32>
      %gather3A_589 = tpu.vector_load_idx %arg28[%broadcast_in_dim3A_480, %add3A_534, %add3A_584] : memref<4x64x128xf32, #tpu.memory_space<vmem>>[vector<16xi32>, vector<16xi32>, vector<16xi32>], vector<16xf32>,
      %mul3A_590 = arith.mulf %get3A_546, %gather3A_589 : vector<16xf32>
      %add3A_591 = arith.addf %add3A_588, %mul3A_590 : vector<16xf32>
      %gather3A_592 = tpu.vector_load_idx %arg28[%broadcast_in_dim3A_482, %add3A_534, %add3A_584] : memref<4x64x128xf32, #tpu.memory_space<vmem>>[vector<16xi32>, vector<16xi32>, vector<16xi32>], vector<16xf32>,
      %mul3A_593 = arith.mulf %get3A_550, %gather3A_592 : vector<16xf32>
      %add3A_594 = arith.addf %add3A_591, %mul3A_593 : vector<16xf32>
      tpu.vector_store_idx %arg29[%add3A_534, %add3A_584], %add3A_594 : memref<64x128xf32, #tpu.memory_space<vmem>>[vector<16xi32>, vector<16xi32>], vector<16xf32>,
    }
    %scan3A_556 = arith.constant 128 : i32
    %add3A_557 = arith.constant 48 : i32
    %add3A_558 = vector.broadcast %add3A_557 : i32 to vector<16xi32>
    %add3A_559 = arith.addi %add3A_558, %iota3A : vector<16xi32>
    %get3A_560 = arith.constant 0 : i32
    %get3A_561 = arith.index_cast %get3A_560 : i32 to index
    %get3A_562 = arith.constant 48 : index
    %get3A_563 = tpu.vector_load %arg27[%get3A_561, %get3A_562] {strides = array<i32>} : memref<4x64xf32, #tpu.memory_space<vmem>>, vector<16xf32>,
    %get3A_564 = arith.constant 1 : i32
    %get3A_565 = arith.index_cast %get3A_564 : i32 to index
    %get3A_566 = arith.constant 48 : index
    %get3A_567 = tpu.vector_load %arg27[%get3A_565, %get3A_566] {strides = array<i32>} : memref<4x64xf32, #tpu.memory_space<vmem>>, vector<16xf32>,
    %get3A_568 = arith.constant 2 : i32
    %get3A_569 = arith.index_cast %get3A_568 : i32 to index
    %get3A_570 = arith.constant 48 : index
    %get3A_571 = tpu.vector_load %arg27[%get3A_569, %get3A_570] {strides = array<i32>} : memref<4x64xf32, #tpu.memory_space<vmem>>, vector<16xf32>,
    %get3A_572 = arith.constant 3 : i32
    %get3A_573 = arith.index_cast %get3A_572 : i32 to index
    %get3A_574 = arith.constant 48 : index
    %get3A_575 = tpu.vector_load %arg27[%get3A_573, %get3A_574] {strides = array<i32>} : memref<4x64xf32, #tpu.memory_space<vmem>>, vector<16xf32>,
    %scan3A_576 = arith.constant 0 : i32
    %scan3A_577 = arith.constant 0 : i32
    %scan3A_578 = arith.constant 128 : i32
    %scan3A_579 = arith.addi %scan3A_577, %scan3A_578 : i32
    %scan3A_580 = arith.constant 1 : i32
    scf.for %scan3A_582 = %scan3A_577 to %scan3A_579 step %scan3A_580  : i32 {
      %add3A_583 = vector.broadcast %scan3A_582 : i32 to vector<16xi32>
      %add3A_584 = arith.addi %broadcast_in_dim3A_3, %add3A_583 : vector<16xi32>
      %gather3A = tpu.vector_load_idx %arg28[%broadcast_in_dim3A_476, %add3A_559, %add3A_584] : memref<4x64x128xf32, #tpu.memory_space<vmem>>[vector<16xi32>, vector<16xi32>, vector<16xi32>], vector<16xf32>,
      %mul3A_585 = arith.mulf %get3A_563, %gather3A : vector<16xf32>
      %gather3A_586 = tpu.vector_load_idx %arg28[%broadcast_in_dim3A_478, %add3A_559, %add3A_584] : memref<4x64x128xf32, #tpu.memory_space<vmem>>[vector<16xi32>, vector<16xi32>, vector<16xi32>], vector<16xf32>,
      %mul3A_587 = arith.mulf %get3A_567, %gather3A_586 : vector<16xf32>
      %add3A_588 = arith.addf %mul3A_585, %mul3A_587 : vector<16xf32>
      %gather3A_589 = tpu.vector_load_idx %arg28[%broadcast_in_dim3A_480, %add3A_559, %add3A_584] : memref<4x64x128xf32, #tpu.memory_space<vmem>>[vector<16xi32>, vector<16xi32>, vector<16xi32>], vector<16xf32>,
      %mul3A_590 = arith.mulf %get3A_571, %gather3A_589 : vector<16xf32>
      %add3A_591 = arith.addf %add3A_588, %mul3A_590 : vector<16xf32>
      %gather3A_592 = tpu.vector_load_idx %arg28[%broadcast_in_dim3A_482, %add3A_559, %add3A_584] : memref<4x64x128xf32, #tpu.memory_space<vmem>>[vector<16xi32>, vector<16xi32>, vector<16xi32>], vector<16xf32>,
      %mul3A_593 = arith.mulf %get3A_575, %gather3A_592 : vector<16xf32>
      %add3A_594 = arith.addf %add3A_591, %mul3A_593 : vector<16xf32>
      tpu.vector_store_idx %arg29[%add3A_559, %add3A_584], %add3A_594 : memref<64x128xf32, #tpu.memory_space<vmem>>[vector<16xi32>, vector<16xi32>], vector<16xf32>,
    }
    %scan3A_581 = arith.constant 128 : i32
    "tpu.region"() ({
      %run_scoped3A = tpu.sem_alloc : memref<!tpu.dma_semaphore, #tpu.memory_space<semaphore_mem>>
      %dma_start3A_582 = arith.constant 0 : i32
      %dma_start3A_583 = tpu.memref_slice %arg8[%mul3A_2, %dma_start3A_582] : memref<2048x128xf32, #tpu.memory_space<hbm>> -> memref<64x128xf32, #tpu.memory_space<hbm>>
      %dma_start3A_584 = arith.constant 0 : i32
      %dma_start3A_585 = tpu.memref_slice %arg8[%mul3A_2, %dma_start3A_584] : memref<2048x128xf32, #tpu.memory_space<hbm>> -> memref<64x128xf32, #tpu.memory_space<hbm>>
      tpu.enqueue_dma source(%arg29 : memref<64x128xf32, #tpu.memory_space<vmem>>) target(%dma_start3A_585 : memref<64x128xf32, #tpu.memory_space<hbm>>) target_semaphore(%run_scoped3A : memref<!tpu.dma_semaphore, #tpu.memory_space<semaphore_mem>>)
      %dma_wait3A_586 = arith.constant 0 : i32
      %dma_wait3A_587 = tpu.memref_slice %arg8[%mul3A_2, %dma_wait3A_586] : memref<2048x128xf32, #tpu.memory_space<hbm>> -> memref<64x128xf32, #tpu.memory_space<hbm>>
      %dma_wait3A_588 = arith.constant 0 : i32
      %dma_wait3A_589 = tpu.memref_slice %arg8[%mul3A_2, %dma_wait3A_588] : memref<2048x128xf32, #tpu.memory_space<hbm>> -> memref<64x128xf32, #tpu.memory_space<hbm>>
      tpu.wait_dma2 semaphore(%run_scoped3A : memref<!tpu.dma_semaphore, #tpu.memory_space<semaphore_mem>>) src(%arg29 : memref<64x128xf32, #tpu.memory_space<vmem>>) dst(%dma_wait3A_589 : memref<64x128xf32, #tpu.memory_space<hbm>>)
      tpu.yield
    }) : () -> ()
    return
  }
}

</mosaic_0001>

<sc_bundles>
// kernel: _balayer_sc.3.cloned.1.call-start
scs
__scs_entry_jumppad:
0x0: {  	(pc) =	sbr.rel $0x88, $3  }
0x1: {  	(tag) =	ssettag $0x0;
	lr =	simm.s32 $0x1  }
0x2: {  	[smem:$0x3F9C] =	sst lr;
	_ =	strace $0xD0000000  }
0x3: {  	_ = 	snop  }
0x4: {  	_ = 	snop  }
0x5: {  	_ = 	snop  }
0x6: {  	_ = 	snop  }
0x7: {  	_ = 	snop  }
__scs_overlays_trampoline_lowered:
0x8: {  	[smem:$0x3FAB] =	sst s0  }
0x9: {  	[smem:$0x3FAC] =	sst s1  }
0xa: {  	[smem:$0x3FAD] =	sst s2  }
0xb: {  	[smem:$0x3FAE] =	sst s3  }
0xc: {  	[smem:$0x3FAF] =	sst s4  }
0xd: {  	[smem:$0x3FB0] =	sst s5  }
0xe: {  	[smem:$0x3FB1] =	sst s6  }
0xf: {  	[smem:$0x3FB2] =	sst s7  }
0x10: {  	[smem:$0x3FB3] =	sst s8  }
0x11: {  	[smem:$0x3FB4] =	sst s9;
	s0 =	simm.s32 @!p0 $0x0  }
0x12: {  	s1 =	sld [smem:$0x3F9A];
	s0 =	simm.s32 @p0 $0x1  }
0x13: {  	[smem:$0x3FB5] =	sst s0;
	s0 =	simm.s32 @!p1 $0x0  }
0x14: {  	s2 =	sld [smem:$0x3F99];
	s0 =	simm.s32 @p1 $0x1  }
0x15: {  	[smem:$0x3FB6] =	sst s0;
	s0 =	simm.s32 @!p2 $0x0  }
0x16: {  	s3 =	sld [smem:$0x3FDB];
	s0 =	simm.s32 @p2 $0x1  }
0x17: {  	s4 =	simm.s32 $0x1BF5;
	[smem:$0x3FB8] =	sst s0  }
0x18: {  	s0 =	sld [smem:$0x3F9B];
	_ =	swait.ge [sflag:s4], $0x0  }
0x19: {  	s7 =	sld [smem:$0x3F9C]  }
0x1a: {  	s8 =	sadd.s32 $0xFFFFE003, lr  }
0x1b: {  	s9 =	sadd.s32 $0xFFFFFEF7, lr;
	s5 =	simm.s32 $0xFFFFFFFF;
	p2 =	slt.u32 s8, $0xFFFFF086  }
0x1c: {  	p1 =	slt.u32 s9, $0xF7A;
	s5 =	simm.s32 @!p2 $0x0  }
0x1d: {  	s5 =	simm.s32 @p1 $0x1;
	p0 =	seq.s32 s7, s2  }
0x1e: {  	s7 =	smul.u32 @!p0 $0xF7A, s2;
	p2 =	seq.s32 @!p0 s5, $0x0  }
0x1f: {  	s9 =	smul.u32 $0xF7A, s1;
	s8 =	simm.s32 @!p0 $0x1BF5;
	p2 =	por !p2, p0  }
0x20: {  	[sflag:s8] =	ssyncset.s32 @!p0 $0xFFFFF086;
	s6 =	sadd.s32 @!p0 s3, s7;
	s7 =	simm.s32 @!p0 $0x108  }
0x21: {  	s3 =	sadd.s32 s3, s9;
	s6 =	sadd.s32 @!p0 $0x88, s6;
	s7 =	simm.s32 @p2 $0x1082  }
0x22: {  	[simem:s7], [sflag:s8] =	dma.local @!p0 [hbm:s6], $0xF7A  }
0x23: {  	s9 =	sor.u32 $0xD0000000, s2;
	s6 =	simm.s32 $0x108;
	_ =	swait.ge @!p0 [sflag:s8], $0x0  }
0x24: {  	s3 =	sadd.s32 $0x88, s3;
	s6 =	simm.s32 @!p1 $0x1082;
	[sflag:s4] =	ssyncset.s32 $0xFFFFF086  }
0x25: {  	[simem:s6], [sflag:s4] =	dma.local [hbm:s3], $0xF7A  }
0x26: {  	[smem:$0x3F9C] =	sst s1;
	(tag) =	ssettag s2;
	_ =	strace s9  }
0x27: {  	s1 =	sld [smem:$0x3FAC]  }
0x28: {  	s2 =	sld [smem:$0x3FAD]  }
0x29: {  	s4 =	sld [smem:$0x3FAF]  }
0x2a: {  	p0 =	seq.s32 s5, $0x0;
	s5 =	sld [smem:$0x3FB0]  }
0x2b: {  	s6 =	sld [smem:$0x3FB1]  }
0x2c: {  	s7 =	sld [smem:$0x3FB2]  }
0x2d: {  	s3 =	simm.s32 $0x108;
	s8 =	sld [smem:$0x3FB3]  }
0x2e: {  	s3 =	simm.s32 @!p0 $0x1082;
	s9 =	sld [smem:$0x3FB4]  }
0x2f: {  	lr =	sadd.s32 s0, s3;
	s0 =	sld [smem:$0x3FAB]  }
0x30: {  	s3 =	sld [smem:$0x3FAE]  }
0x31: {  	[smem:$0x3FB7] =	sst s10  }
0x32: {  	s10 =	sld [smem:$0x3FB5];
	_ =	sdelay $0x3  }
0x33: {  	p0 =	seq.s32 s10, $0x1;
	s10 =	sld [smem:$0x3FB7];
	_ =	sdelay $0x3  }
0x34: {  	[smem:$0x3FB7] =	sst s10  }
0x35: {  	s10 =	sld [smem:$0x3FB6];
	_ =	sdelay $0x3  }
0x36: {  	p1 =	seq.s32 s10, $0x1;
	s10 =	sld [smem:$0x3FB7];
	_ =	sdelay $0x3  }
0x37: {  	[smem:$0x3FB7] =	sst s10  }
0x38: {  	s10 =	sld [smem:$0x3FB8]  }
0x39: {  	_ = 	snop;
	(pc) =	sbr.ind lr, $3  }
0x3a: {  	_ = 	snop  }
0x3b: {  	_ = 	snop  }
0x3c: {  	p2 =	seq.s32 s10, $0x1;
	s10 =	sld [smem:$0x3FB7]  }
0x3d: {  	_ =	shalt  }
0x3e: {  	_ =	shalt  }
0x3f: {  	_ =	shalt  }
0x40: {  	_ =	shalt  }
0x41: {  	_ =	shalt  }
0x42: {  	_ =	shalt  }
0x43: {  	_ =	shalt  }
0x44: {  	_ =	shalt  }
0x45: {  	_ =	shalt  }
0x46: {  	_ =	shalt  }
0x47: {  	_ =	shalt  }
0x48: {  	_ =	shalt  }
0x49: {  	_ =	shalt  }
0x4a: {  	_ =	shalt  }
0x4b: {  	_ =	shalt  }
0x4c: {  	_ =	shalt  }
0x4d: {  	_ =	shalt  }
0x4e: {  	_ =	shalt  }
0x4f: {  	_ =	shalt  }
0x50: {  	_ =	shalt  }
0x51: {  	_ =	shalt  }
0x52: {  	_ =	shalt  }
0x53: {  	_ =	shalt  }
0x54: {  	_ =	shalt  }
0x55: {  	_ =	shalt  }
0x56: {  	_ =	shalt  }
0x57: {  	_ =	shalt  }
0x58: {  	_ =	shalt  }
0x59: {  	_ =	shalt  }
0x5a: {  	_ =	shalt  }
0x5b: {  	_ =	shalt  }
0x5c: {  	_ =	shalt  }
0x5d: {  	_ =	shalt  }
0x5e: {  	_ =	shalt  }
0x5f: {  	_ =	shalt  }
0x60: {  	_ =	shalt  }
0x61: {  	_ =	shalt  }
0x62: {  	_ =	shalt  }
0x63: {  	_ =	shalt  }
0x64: {  	_ =	shalt  }
0x65: {  	_ =	shalt  }
0x66: {  	_ =	shalt  }
0x67: {  	_ =	shalt  }
0x68: {  	_ =	shalt  }
0x69: {  	_ =	shalt  }
0x6a: {  	_ =	shalt  }
0x6b: {  	_ =	shalt  }
0x6c: {  	_ =	shalt  }
0x6d: {  	_ =	shalt  }
0x6e: {  	_ =	shalt  }
0x6f: {  	_ =	shalt  }
0x70: {  	_ =	shalt  }
0x71: {  	_ =	shalt  }
0x72: {  	_ =	shalt  }
0x73: {  	_ =	shalt  }
0x74: {  	_ =	shalt  }
0x75: {  	_ =	shalt  }
0x76: {  	_ =	shalt  }
0x77: {  	_ =	shalt  }
0x78: {  	_ =	shalt  }
0x79: {  	_ =	shalt  }
0x7a: {  	_ =	shalt  }
0x7b: {  	_ =	shalt  }
0x7c: {  	_ =	shalt  }
0x7d: {  	_ =	shalt  }
0x7e: {  	_ =	shalt  }
0x7f: {  	_ =	shalt  }
0x80: {  	_ =	shalt  }
0x81: {  	_ =	shalt  }
0x82: {  	_ =	shalt  }
0x83: {  	_ =	shalt  }
0x84: {  	_ =	shalt  }
0x85: {  	_ =	shalt  }
0x86: {  	_ =	shalt  }
0x87: {  	_ =	shalt  }
.Lfunc_end0:
.L_simem_size_0:
called_computation_lowered:
.L_overlay_start_0:
0x88: {  	s2 =	sld [smem:$0x3FD9]  }
0x89: {  	s3 =	sld [smem:$0x3FFE];
	_ =	sdelay $0x1  }
0x8a: {  	s1 =	srdreg.scid  }
0x8b: {  	s0 =	sand.u32 $0x1, s1  }
0x8c: {  	s15 =	sshll.u32 s0, $0xA;
	s2 =	sadd.s32 s3, s2  }
0x8d: {  	s2 =	sadd.s32 s2, s15  }
0x8e: {  	[smem:$0x3FC3] =	sst s2  }
0x8f: {  	_ = 	snop  }
0x90: {  	s2 =	sld [smem:$0x3FC9]  }
0x91: {  	s16 =	sld [smem:$0x3FC8]  }
0x92: {  	s4 =	sld [smem:$0x3FD0]  }
0x93: {  	s5 =	sld [smem:$0x3FC7]  }
0x94: {  	s6 =	sld [smem:$0x3FC6]  }
0x95: {  	s8 =	simm.s32 $0xA;
	s9 =	simm.s32 $0x10;
	s7 =	sld [smem:$0x3FC5]  }
0x96: {  	[smem:s9], [sflag:s8] =	dma.local [hbm:s4], $0x1  }
0x97: {  	_ =	swait.eq [sflag:s8], $0x1  }
0x98: {  	[sflag:s8] =	ssyncset.done $0x0  }
0x99: {  	s17 =	sld [smem:$0x10];
	[sflag:s8] =	ssyncadd.s32 $0xFFFFFFFF  }
0x9a: {  	s18 =	sld [smem:$0x11];
	(tm) =	ssettm $0x1  }
0x9b: {  	s19 =	sld [smem:$0x3FFB];
	_ =	sdelay $0x3  }
0x9c: {  	_ =	strace s19  }
0x9d: {  	s9 =	sld [smem:$0x3FFC];
	_ =	sdelay $0x3  }
0x9e: {  	_ =	strace s9  }
0x9f: {  	s9 =	sld [smem:$0x3FFD];
	_ =	sdelay $0x3  }
0xa0: {  	_ =	strace s9  }
0xa1: {  	_ =	strace $0x8FFFFFFF  }
0xa2: {  	s20 =	sld [smem:$0x3FDB];
	_ =	sdelay $0x1  }
0xa3: {  	s10 =	simm.s32 $_scs_section_size  }
0xa4: {  	s11 =	simm.s32 $_size__tile_overlayer_lowered;
	s12 =	simm.s32 $_tile_overlayer_lowered  }
0xa5: {  	s23 =	simm.s32 $0x1BFF;
	s22 =	sshll.u32 s12, $0x1;
	s9 =	sadd.s32 s10, s20  }
0xa6: {  	s13 =	simm.s32 $0x0;
	s21 =	sshll.u32 s11, $0x1;
	s11 =	sadd.s32 s22, s9  }
0xa7: {  	[timem:s13], [sflag:s23] =	dma.local [hbm:s11], s21  }
0xa8: {  	_ =	swait.ge [sflag:s23], s21  }
0xa9: {  	s10 =	ssub.s32 $0x0, s21;
	[sflag:s23] =	ssyncset.done $0x0  }
0xaa: {  	[sflag:s23] =	ssyncadd.s32 s10;
	_ =	sdelay $0x1  }
0xab: {  	s24 =	simm.s32 $0x1B8B  }
0xac: {  	_ =	swait.ge [sflag:s24], $0x1  }
0xad: {  	[sflag:s24] =	ssyncset.done $0x0  }
0xae: {  	s25 =	simm.s32 $0x1B8E;
	[sflag:s24] =	ssyncadd.s32 $0xFFFFFFFF  }
0xaf: {  	s26 =	simm.s32 $execute0_lowered;
	[smem:$0x3FD2] =	sst s25  }
0xb0: {  	s10 =	sshll.u32 s26, $0x1;
	_ =	strace $0x80000046;
	[dreg:$0x1] =	wrdreg $0xFFFFFFFF  }
0xb1: {  	s28 =	simm.s32 $_size_execute0_lowered;
	s9 =	sadd.s32 s9, s10;
	[dreg:$0x0] =	wrdreg $0x0  }
0xb2: {  	s10 =	sshll.u32 s28, $0x1;
	[dreg:$0x2] =	wrdreg s9  }
0xb3: {  	[dreg:$0x3] =	wrdreg s10  }
0xb4: {  	[dreg:$0x4] =	wrdreg $0xC0  }
0xb5: {  	_ =	task [dreg:s13], $0x5FFFF  }
0xb6: {  	[dreg:$0x1] =	wrdreg $0xFFFFFFFF  }
0xb7: {  	[dreg:$0x0] =	wrdreg $0x60  }
0xb8: {  	[dreg:$0x2] =	wrdreg s2  }
0xb9: {  	[dreg:$0x3] =	wrdreg s16  }
0xba: {  	[dreg:$0x4] =	wrdreg s5  }
0xbb: {  	[dreg:$0x5] =	wrdreg s6  }
0xbc: {  	[dreg:$0x6] =	wrdreg s7  }
0xbd: {  	[dreg:$0x7] =	wrdreg s17  }
0xbe: {  	[dreg:$0x8] =	wrdreg s18  }
0xbf: {  	[dreg:$0x9] =	wrdreg $0x18A000  }
0xc0: {  	[dreg:$0xa] =	wrdreg $0x18B000  }
0xc1: {  	[dreg:$0xb] =	wrdreg $0x9  }
0xc2: {  	_ =	task.clear_ibuf [dreg:s13], $0xCFFFF;
	_ =	strace $0x90000046  }
0xc3: {  	s29 =	simm.s32 $0x9;
	_ =	strace $0x80000048  }
0xc4: {  	_ =	swait.ge [sflag:s29], $0x1  }
0xc5: {  	[sflag:s29] =	ssyncadd.s32 $0xFFFFFFFF  }
0xc6: {  	_ =	strace $0x90000048  }
0xc7: {  	_ =	sfence  }
0xc8: {  	s30 =	sld [smem:$0x0];
	_ =	sdelay $0x2  }
0xc9: {  	s31 =	sshll.u32 s1, $0xD;
	s1 =	sshrl.u32 s1, $0x2  }
0xca: {  	s3 =	sand.u32 $0x4000, s31;
	s1 =	sadd.s32 s1, s30  }
0xcb: {  	s0 =	sor.u32 s3, s0;
	s1 =	sshll.u32 s1, $0x11  }
0xcc: {  	s0 =	sor.u32 s1, s0  }
0xcd: {  	s0 =	sadd.s32 $0x8F2B, s0  }
0xce: {  	[sflag:s0] =	ssyncadd.remote.s32 $0x1  }
0xcf: {  	_ =	sfence.sel $0xFFFF  }
0xd0: {  	[dreg:$0x0] =	wrdreg $0xFFFFFFFF;
	(pc) =	sbr.abs _section_cstart, $3  }
0xd1: {  	[dreg:$0x1] =	wrdreg $0xFFFFFFFF  }
0xd2: {  	_ =	task.clear_ibuf [dreg:s13], $0x2FFFF;
	_ =	strace $0x9FFFFFFF  }
0xd3: {  	(tm) =	ssettm $0x7FFFFFFF  }
tec
execute0_lowered:
.L_overlay_start_1:
0x0: {  	(tag) =	ssettag $0x1  }
0x1: {  	s0 =	rddreg [dreg:$0x0]  }
0x2: {  	s2 =	rddreg [dreg:$0x1]  }
0x3: {  	s3 =	rddreg [dreg:$0x2];
	v0 =	vlaneseq.u32  }
0x4: {  	s8 =	rddreg [dreg:$0x3];
	v7 =	vimm.s32 $0xFFEDCBA9;
	v8 =	vimm.s32 $0x87654321;
	v10 =	vimm.s32 $0x65432100  }
0x5: {  	s16 =	rddreg [dreg:$0x4];
	v16 =	vimm.s32 $0xE40000;
	vm0 =	vcmask $0x3F3C;
	vm1 =	vcmask $0x3F04  }
0x6: {  	s9 =	rddreg [dreg:$0x6];
	vm2 =	vcmask $0x3F08;
	vm3 =	vcmask $0x3F10;
	vm4 =	vcmask $0x3F30  }
0x7: {  	s4 =	rddreg [dreg:$0x7];
	s1 =	stileid.u32;
	v9 =	vunpack.c.l.s4.s8 v7;
	v7 =	vimm.s32 $0xEDCBA987;
	v12 =	vunpack.c.l.s4.s8 v8  }
0x8: {  	s5 =	rddreg [dreg:$0x8];
	s6 =	simm.s32 $0x0;
	v1 =	vmov s1;
	v10 =	vunpack.c.l.s4.s8 v10;
	v11 =	vunpack.c.l.s4.s8 v7  }
0x9: {  	s10 =	srdreg.scid;
	s17 =	simm.s32 $0x2;
	s31 =	simm.s32 $0x1;
	v16 =	vunpack.c.l.s2.s4 v16;
	v13 =	vunpack.c.0.s8.s32 v9;
	v12 =	vunpack.c.0.s8.s32 v12  }
0xa: {  	s7 =	sshll.u32 s1, $0x7;
	[smem:$0x7FF] =	sst s6;
	s10 =	sand.u32 $0x1, s10;
	v14 =	vunpack.c.0.s8.s32 v10;
	v10 =	vimm.s32 $0xDCBA9876;
	v11 =	vunpack.c.0.s8.s32 v11  }
0xb: {  	s25 =	sshll.u32 s1, $0x6;
	p1 =	sne.s32 s1, $0x0;
	s1 =	simm.s32 $0xE280;
	v2 =	vmov s7;
	v3 =	vor.u32 s7, v0;
	v15 =	vunpack.c.l.s4.s8 v10  }
0xc: {  	s11 =	sor.u32 $0x10, s7;
	s12 =	sor.u32 $0x20, s7;
	s19 =	sor.u32 $0x30, s7;
	v10 =	vcombine.low v12, v13;
	v12 =	vimm.s32 $0x54321000;
	v11 =	vand.u32 $0xF, v11  }
0xd: {  	_ =	strace $0x80000047;
	s20 =	sshll.u32 s10, $0x6;
	s21 =	ssub.s32 $0x2, s10;
	v12 =	vunpack.c.l.s4.s8 v12;
	v11 =	vcombine.low v14, v11;
	v14 =	vimm.s32 $0xBA987654  }
0xe: {  	s13 =	sor.u32 $0x40, s7;
	s22 =	sor.u32 $0x50, s7;
	s24 =	sor.u32 $0x60, s7;
	v13 =	vunpack.c.0.s8.s32 v15;
	v15 =	vimm.s32 $0x32100000;
	v14 =	vunpack.c.l.s4.s8 v14  }
0xf: {  	s28 =	sor.u32 $0x70, s7;
	p0 =	sne.s32 s10, $0x0;
	s25 =	sshrl.u32 s25, $0x2;
	v4 =	vor.u32 s11, v0;
	v5 =	vor.u32 s12, v0;
	v15 =	vunpack.c.l.s4.s8 v15  }
0x10: {  	v6 =	vor.u32 s19, v0;
	s12 =	sor.u32 s20, s7;
	s14 =	sshrl.u32 s21, $0x1;
	s20 =	simm.s32 $0xEA00;
	v17 =	vunpack.c.0.s8.s32 v12;
	v18 =	vunpack.c.0.s8.s32 v14  }
0x11: {  	v16 =	vunpack.c.l.s4.s8 v16;
	s19 =	simm.s32 $0x16A00;
	s15 =	sshrl.u32 s12, $0x3;
	s11 =	ssub.s32 s21, s14;
	v13 =	vand.u32 $0xF, v13;
	v15 =	vunpack.c.0.s8.s32 v15  }
0x12: {  	v7 =	vor.u32 s13, v0;
	s23 =	sshll.u32 s12, $0x4;
	s12 =	smov.u32 s16;
	s16 =	sadd.s32 $0x10, s16;
	v13 =	vcombine.low v17, v13;
	v17 =	vand.u32 $0xF, v18  }
0x13: {  	s14 =	simm.s32 $0xE300;
	s21 =	simm.s32 $0x0;
	s2 =	sadd.s32 s2, s15;
	v16 =	vunpack.c.0.s8.s32 v16;
	v15 =	vcombine.low v15, v17;
	v17 =	vimm.s32 $0x7060504  }
0x14: {  	v8 =	vor.u32 s22, v0;
	v9 =	vor.u32 s24, v0;
	s29 =	sadd.s32 s3, s15;
	s30 =	sadd.s32 s8, s15;
	s18 =	sadd.s32 s9, s23;
	v17 =	vunpack.c.0.s8.s32 v17  }
0x15: {  	s26 =	smax.u32 s11, $0x1;
	s3 =	simm.s32 $0xCA00;
	s15 =	simm.s32 $0xD280;
	v16 =	vand.u32 $0x3, v16;
	v12 =	vor.u32 s28, v0;
	v14 =	vimm.s32 $0x0  }
0x16: {  	s13 =	smov.u32 s2;
	[dreg:$0xa] =	wrdreg s26;
	s2 =	simm.s32 $0xC200;
	v16 =	vsel vm4, v17, v16;
	vm4 =	vcmask $0x3F20;
	v17 =	vimm.f32 $1.000000000e+00  }
.LBB2_1:
0x17: {  	s8 =	simm.s32 $0xE480  }
0x18: {  	[tilespmem:s8], [sflag:$0x2] =	stream.linear.gather [hbm4b:s13+s6], $0x40, $0x38;
	[tilespmem:$0x18B20] =	vst v63  }
0x19: {  	s9 =	simm.s32 $0xE500  }
0x1a: {  	[tilespmem:s9], [sflag:$0x2] =	stream.linear.gather [hbm4b:s29+s6], $0x40, $0x38;
	[tilespmem:$0x18B20] =	vst v63  }
0x1b: {  	s10 =	simm.s32 $0xE580  }
0x1c: {  	[tilespmem:s10], [sflag:$0x2] =	stream.linear.gather [hbm4b:s30+s6], $0x40, $0x38;
	[tilespmem:$0x18B20] =	vst v63  }
0x1d: {  	_ =	swait.ge [sflag:s17], $0x40  }
0x1e: {  	[sflag:s17] =	ssyncset.done $0x0  }
0x1f: {  	[sflag:s17] =	ssyncadd.s32 $0xFFFFFFC0  }
0x20: {  	_ =	swait.ge [sflag:s17], $0x40  }
0x21: {  	[sflag:s17] =	ssyncset.done $0x0  }
0x22: {  	[sflag:s17] =	ssyncadd.s32 $0xFFFFFFC0  }
0x23: {  	_ =	swait.ge [sflag:s17], $0x40  }
0x24: {  	[sflag:s17] =	ssyncset.done $0x0  }
0x25: {  	[sflag:s17] =	ssyncadd.s32 $0xFFFFFFC0  }
0x26: {  	v18 =	vld [tilespmem:$0xE500]  }
0x27: {  	v19 =	vld [tilespmem:$0xE580]  }
0x28: {  	v22 =	vld [tilespmem:$0xE480]  }
0x29: {  	v23 =	vld [tilespmem:$0xE510]  }
0x2a: {  	v24 =	vld [tilespmem:$0xE590]  }
0x2b: {  	v28 =	vld [tilespmem:$0xE490]  }
0x2c: {  	v32 =	vld [tilespmem:$0xE520];
	v20 =	vtrunc.f32 v18  }
0x2d: {  	v35 =	vld [tilespmem:$0xE4A0];
	v21 =	vtrunc.f32 v19;
	v20 =	vcvt.f32.s32 v20  }
0x2e: {  	v37 =	vld [tilespmem:$0xE530];
	v22 =	vshll.u32 v22, $0xC;
	v21 =	vcvt.f32.s32 v21  }
0x2f: {  	v41 =	vld [tilespmem:$0xE5B0];
	v53 =	vtrunc.f32 v23;
	v55 =	vtrunc.f32 v24;
	vm5 =	vgt.s32 v20, $0x0  }
0x30: {  	v28 =	vshll.u32 v28, $0xC;
	v20 =	vnsel vm5, $0x0, v20;
	vm5 =	vgt.s32 v21, $0x0  }
0x31: {  	v62 =	vtrunc.f32 v32;
	v20 =	vmin.u32 v20, $0x3E;
	v21 =	vnsel vm5, $0x0, v21  }
0x32: {  	v45 =	vshll.u32 v35, $0xC;
	v21 =	vmin.u32 v21, $0x3E;
	v25 =	vcvt.s32.f32 v20  }
0x33: {  	v47 =	vtrunc.f32 v37;
	v26 =	vcvt.s32.f32 v21;
	v21 =	vshll.u32 v21, $0x6  }
0x34: {  	v49 =	vtrunc.f32 v41;
	v18 =	vsub.f32 v18, v25;
	v21 =	vor.u32 v22, v21  }
0x35: {  	v19 =	vsub.f32 v19, v26;
	v20 =	vor.u32 v20, v21;
	v21 =	vcvt.f32.s32 v53  }
0x36: {  	v48 =	vcvt.f32.s32 v47;
	v25 =	vcvt.f32.s32 v55;
	v54 =	vadd.s32 $0x1, v20  }
0x37: {  	v57 =	vld [tilespmem:$0xE5A0];
	v27 =	vsub.f32 $1.000000000e+00, v18;
	[tilespmem:$0xE600] =	vst v20;
	v26 =	vsub.f32 $1.000000000e+00, v19;
	vm5 =	vgt.s32 v21, $0x0  }
0x38: {  	v29 =	vadd.s32 $0x40, v20;
	v30 =	vadd.s32 $0x41, v20;
	[tilespmem:$0xE680] =	vst v54;
	v21 =	vnsel vm5, $0x0, v21  }
0x39: {  	[tilespmem:$0xE700] =	vst v29;
	vm5 =	vgt.s32 v25, $0x0;
	v58 =	vmul.f32 v27, v19;
	v31 =	vmul.f32 v26, v27  }
0x3a: {  	[tilespmem:$0xE780] =	vst v30;
	v56 =	vmul.f32 v26, v18;
	v21 =	vmin.u32 v21, $0x3E;
	v25 =	vnsel vm5, $0x0, v25  }
0x3b: {  	v18 =	vmul.f32 v19, v18;
	v25 =	vmin.u32 v25, $0x3E;
	v59 =	vcvt.s32.f32 v21;
	[tilespmem:$0xE900] =	vst v58  }
0x3c: {  	v60 =	vcvt.s32.f32 v25;
	v25 =	vshll.u32 v25, $0x6;
	[tilespmem:$0xE800] =	vst v31;
	v31 =	vtrunc.f32 v57  }
0x3d: {  	[tilespmem:$0xE880] =	vst v56;
	v19 =	vsub.f32 v23, v59;
	v61 =	vor.u32 v28, v25;
	v23 =	vcvt.f32.s32 v62  }
0x3e: {  	[tilespmem:$0xE980] =	vst v18;
	v25 =	vcvt.f32.s32 v31;
	v24 =	vsub.f32 v24, v60;
	v21 =	vor.u32 v21, v61  }
0x3f: {  	v63 =	vadd.s32 $0x1, v21;
	v27 =	vsub.f32 $1.000000000e+00, v19;
	v18 =	vadd.s32 $0x40, v21;
	[tilespmem:$0xE610] =	vst v21  }
0x40: {  	v34 =	vadd.s32 $0x41, v21;
	vm5 =	vgt.s32 v23, $0x0;
	v33 =	vsub.f32 $1.000000000e+00, v24;
	[tilespmem:$0xE690] =	vst v63  }
0x41: {  	v23 =	vnsel vm5, $0x0, v23;
	vm5 =	vgt.s32 v25, $0x0;
	[tilespmem:$0xE710] =	vst v18;
	v18 =	vmul.f32 v27, v24  }
0x42: {  	[tilespmem:$0xE790] =	vst v34;
	v39 =	vmin.u32 v23, $0x3E;
	v40 =	vnsel vm5, $0x0, v25;
	v36 =	vmul.f32 v33, v27  }
0x43: {  	v38 =	vmul.f32 v33, v19;
	v23 =	vmin.u32 v40, $0x3E;
	v42 =	vcvt.s32.f32 v39;
	[tilespmem:$0xE910] =	vst v18  }
0x44: {  	v19 =	vmul.f32 v24, v19;
	v43 =	vcvt.s32.f32 v23;
	v23 =	vshll.u32 v23, $0x6;
	[tilespmem:$0xE810] =	vst v36  }
0x45: {  	vm5 =	vgt.s32 v48, $0x0;
	v44 =	vsub.f32 v32, v42;
	[tilespmem:$0xE890] =	vst v38;
	v23 =	vor.u32 v45, v23  }
0x46: {  	v52 =	vld [tilespmem:$0xE4B0];
	v22 =	vnsel vm5, $0x0, v48;
	[tilespmem:$0xE990] =	vst v19;
	v46 =	vsub.f32 v57, v43;
	v18 =	vor.u32 v39, v23  }
0x47: {  	v23 =	vcvt.f32.s32 v49;
	v19 =	vadd.s32 $0x1, v18;
	v51 =	vsub.f32 $1.000000000e+00, v44;
	[tilespmem:$0xE620] =	vst v18  }
0x48: {  	v50 =	vadd.s32 $0x40, v18;
	v18 =	vadd.s32 $0x41, v18;
	[tilespmem:$0xE6A0] =	vst v19;
	v19 =	vsub.f32 $1.000000000e+00, v46  }
0x49: {  	v22 =	vmin.u32 v22, $0x3E;
	vm5 =	vgt.s32 v23, $0x0;
	[tilespmem:$0xE7A0] =	vst v18;
	v18 =	vmul.f32 v51, v46  }
0x4a: {  	[tilespmem:$0xE720] =	vst v50;
	v23 =	vnsel vm5, $0x0, v23;
	v53 =	vmul.f32 v19, v51;
	v19 =	vmul.f32 v19, v44  }
0x4b: {  	v56 =	vshll.u32 v52, $0xC;
	v54 =	vcvt.s32.f32 v22;
	v23 =	vmin.u32 v23, $0x3E;
	[tilespmem:$0xE920] =	vst v18  }
0x4c: {  	v55 =	vcvt.s32.f32 v23;
	v57 =	vshll.u32 v23, $0x6;
	[tilespmem:$0xE8A0] =	vst v19;
	v19 =	vmul.f32 v46, v44  }
0x4d: {  	v18 =	vsub.f32 v37, v54;
	[tilespmem:$0xE820] =	vst v53;
	v20 =	vor.u32 v56, v57  }
0x4e: {  	v58 =	vsub.f32 v41, v55;
	[tilespmem:$0xE9A0] =	vst v19;
	v19 =	vor.u32 v22, v20  }
0x4f: {  	v60 =	vsub.f32 $1.000000000e+00, v18;
	[tilespmem:$0xE630] =	vst v19;
	v20 =	vadd.s32 $0x1, v19  }
0x50: {  	v59 =	vsub.f32 $1.000000000e+00, v58;
	v61 =	vadd.s32 $0x40, v19;
	[tilespmem:$0xE6B0] =	vst v20  }
0x51: {  	v19 =	vadd.s32 $0x41, v19;
	v63 =	vmul.f32 v60, v58;
	[tilespmem:$0xE730] =	vst v61  }
0x52: {  	[tilespmem:$0xE7B0] =	vst v19;
	v62 =	vmul.f32 v59, v60  }
0x53: {  	v19 =	vmul.f32 v59, v18;
	[tilespmem:$0xE930] =	vst v63  }
0x54: {  	v18 =	vmul.f32 v58, v18;
	[tilespmem:$0xE830] =	vst v62  }
0x55: {  	[tilespmem:$0xE8B0] =	vst v19  }
0x56: {  	s11 =	simm.s32 $0x40;
	s9 =	simm.s32 $0xE600;
	[tilespmem:$0xE9B0] =	vst v18  }
0x57: {  	[tilespmem:s20], [sflag:$0x1] =	stream.indirect.gather [hbm4b:s0+s11], $0x80, s9, s11, $0xb8;
	[tilespmem:$0x18B20] =	vst v63  }
0x58: {  	s22 =	simm.s32 $0xE680;
	s10 =	simm.s32 $0x10A00  }
0x59: {  	[tilespmem:s10], [sflag:$0x1] =	stream.indirect.gather [hbm4b:s0+s11], $0x80, s22, s11, $0xb8;
	[tilespmem:$0x18B20] =	vst v63  }
.Ltmp0:
0x5a: {  	_ = 	snop;
	(pc) =	sbr.rel @p0 .LBB2_26-.Ltmp0, $4  }
0x5b: {  	s23 =	simm.s32 $0xE700;
	s24 =	simm.s32 $0x12A00  }
0x5c: {  	[tilespmem:s24], [sflag:$0x1] =	stream.indirect.gather [hbm4b:s0+s11], $0x80, s23, s11, $0xb8;
	[tilespmem:$0x18B20] =	vst v63  }
0x5d: {  	s26 =	simm.s32 $0xE780;
	s28 =	simm.s32 $0x14A00  }
0x5e: {  	[tilespmem:s28], [sflag:$0x1] =	stream.indirect.gather [hbm4b:s0+s11], $0x80, s26, s11, $0xb8;
	[tilespmem:$0x18B20] =	vst v63  }
0x5f: {  	s9 =	simm.s32 $0x0;
	s8 =	simm.s32 $0x80;
	s10 =	simm.s32 $0x100  }
0x60: {  	[tilespmem:s9], [sflag:$0x2] =	stream.strided.gather [hbm4b:s12+s8], $0x1000, s10, s8, $0x38;
	[tilespmem:$0x18B20] =	vst v63  }
0x61: {  	s11 =	simm.s32 $0x1000  }
0x62: {  	[tilespmem:s11], [sflag:$0x2] =	stream.strided.gather [hbm4b:s16+s8], $0x1000, s10, s8, $0x38;
	[tilespmem:$0x18B20] =	vst v63  }
0x63: {  	s26 =	simm.s32 $0x2000  }
0x64: {  	[tilespmem:s26], [sflag:$0x2] =	stream.strided.gather [hbm4b:s16+s8], $0x1000, s10, s8, $0x38;
	[tilespmem:$0x18B20] =	vst v63  }
0x65: {  	s28 =	simm.s32 $0x3000  }
0x66: {  	[tilespmem:s28], [sflag:$0x2] =	stream.strided.gather [hbm4b:s12+s8], $0x1000, s10, s8, $0x38;
	[tilespmem:$0x18B20] =	vst v63  }
0x67: {  	_ =	swait.ge [sflag:s17], $0x1000  }
0x68: {  	[sflag:s17] =	ssyncset.done $0x0  }
0x69: {  	[sflag:s17] =	ssyncadd.s32 $0xFFFFF000  }
0x6a: {  	_ =	swait.ge [sflag:s17], $0x1000  }
0x6b: {  	[sflag:s17] =	ssyncset.done $0x0  }
0x6c: {  	[sflag:s17] =	ssyncadd.s32 $0xFFFFF000  }
0x6d: {  	_ =	swait.ge [sflag:s17], $0x1000  }
0x6e: {  	[sflag:s17] =	ssyncset.done $0x0  }
0x6f: {  	[sflag:s17] =	ssyncadd.s32 $0xFFFFF000  }
0x70: {  	_ =	swait.ge [sflag:s17], $0x1000  }
0x71: {  	[sflag:s17] =	ssyncset.done $0x0  }
0x72: {  	v18 =	vor.u32 s9, v0;
	s8 =	simm.s32 $0xC200;
	[sflag:s17] =	ssyncadd.s32 $0xFFFFF000  }
0x73: {  	s9 =	simm.s32 $0x10;
	[tilespmem:s8+$0x0] =	vst v18  }
.LBB2_3:
0x74: {  	p2 =	sne.s32 s9, $0x7F0  }
.Ltmp1:
0x75: {  	_ = 	snop;
	(pc) =	sbr.rel @p2 .LBB2_3-.Ltmp1, $3  }
0x76: {  	_ =	sdelay $0x1  }
0x77: {  	v18 =	vor.u32 s9, v0;
	s9 =	sadd.s32 $0x10, s9;
	s8 =	sadd.s32 $0x10, s8  }
0x78: {  	[tilespmem:s8+$0x0] =	vst v18  }
0x79: {  	[tilespmem:$0xCA00] =	vst v3  }
0x7a: {  	[tilespmem:$0xCA10] =	vst v4  }
0x7b: {  	[tilespmem:$0xCA20] =	vst v5  }
0x7c: {  	[tilespmem:$0xCA30] =	vst v6  }
0x7d: {  	[tilespmem:$0xCA40] =	vst v7  }
0x7e: {  	[tilespmem:$0xCA50] =	vst v8  }
0x7f: {  	[tilespmem:$0xCA60] =	vst v9  }
0x80: {  	[tilespmem:$0xCA70] =	vst v12;
	s8 =	simm.s32 $0x0  }
0x81: {  	v18 =	vld [tilespmem:s8+$0x2000];
	_ =	sdelay $0x4  }
0x82: {  	v19 =	vshra.s32 v18, $0x1F;
	v20 =	vand.u32 $0x7F, v18  }
0x83: {  	vm5 =	vlt.s32 v18, $0x1;
	v19 =	vshrl.u32 v19, $0x19;
	vm6 =	vne.s32 v20, $0x0  }
0x84: {  	v19 =	vadd.s32 v19, v18;
	vm5 =	vmand vm5, vm6  }
0x85: {  	v19 =	vshra.s32 v19, $0x7;
	v20 =	vsel vm5, $0xFFFFFFFF, v14  }
0x86: {  	v19 =	vadd.s32 v20, v19  }
0x87: {  	vm5 =	veq.s32 v19, v1  }
0x88: {  	v19 =	vmpcnt.ones.xlane vm5;
	_ =	sdelay $0x1  }
0x89: {  	v19 =	vxor.u32 $0x80000000, v19  }
0x8a: {  	v20 =	vld [tilespmem:s8+$0x0];
	(xrf0) =	vmax.scan.msk.u32 $0xffff, v19;
	_ =	sdelay $0x2  }
0x8b: {  	v18 =	vsub.s32 v18, v2  }
0x8c: {  	s22 =	simm.s32 $0x0  }
0x8d: {  	[tilespmem:s22+$0x4000] =	vst.msk vm5, v20  }
0x8e: {  	s9 =	simm.s32 $0x80;
	s8 =	simm.s32 $0x10;
	[tilespmem:s22+$0x6080] =	vst.msk vm5, v18;
	v18, _, _ =	vpop (xrf0)  }
.LBB2_5:
0x8f: {  	p2 =	sne.s32 s9, $0x7FC0;
	v19 =	vld [tilespmem:s8+$0x2000];
	(v2sf) =	vpush v18, $0xF;
	_ =	sdelay $0x4  }
0x90: {  	v18 =	vshra.s32 v19, $0x1F;
	v20 =	vand.u32 $0x7F, v19;
	v21 =	vsub.s32 v19, v2  }
0x91: {  	vm5 =	vlt.s32 v19, $0x1;
	v18 =	vshrl.u32 v18, $0x19;
	vm6 =	vne.s32 v20, $0x0  }
0x92: {  	v18 =	vadd.s32 v18, v19;
	vm5 =	vmand vm5, vm6  }
0x93: {  	v18 =	vshra.s32 v18, $0x7;
	v19 =	vsel vm5, $0xFFFFFFFF, v14  }
0x94: {  	v18 =	vadd.s32 v19, v18  }
0x95: {  	vm5 =	veq.s32 v18, v1  }
0x96: {  	v18 =	vmpcnt.ones.xlane vm5;
	_ =	sdelay $0x1  }
0x97: {  	v19 =	vld [tilespmem:s8+$0x0];
	v18 =	vxor.u32 $0x80000000, v18  }
0x98: {  	(xrf0) =	vmax.scan.msk.u32 $0xffff, v18  }
0x99: {  	s8 =	spop (v2sf)  }
.Ltmp2:
0x9a: {  	s8 =	sadd.s32 s8, s22;
	(pc) =	sbr.rel @p2 .LBB2_5-.Ltmp2, $4  }
0x9b: {  	s22 =	sadd.s32 $0x80000000, s8  }
0x9c: {  	[tilespmem:s22+$0x4000] =	vst.msk vm5, v19  }
0x9d: {  	[tilespmem:s22+$0x6080] =	vst.msk vm5, v21  }
0x9e: {  	s8 =	sshra.s32 s9, $0x2;
	s9 =	sadd.s32 $0x40, s9;
	v18, _, _ =	vpop (xrf0)  }
0x9f: {  	v19 =	vld [tilespmem:s8+$0x2000];
	_ =	sdelay $0x4  }
0xa0: {  	v20 =	vshra.s32 v19, $0x1F;
	v21 =	vand.u32 $0x7F, v19  }
0xa1: {  	vm5 =	vlt.s32 v19, $0x1;
	v20 =	vshrl.u32 v20, $0x19;
	vm6 =	vne.s32 v21, $0x0  }
0xa2: {  	v20 =	vadd.s32 v20, v19;
	vm5 =	vmand vm5, vm6  }
0xa3: {  	v20 =	vshra.s32 v20, $0x7;
	v63 =	vsel vm5, $0xFFFFFFFF, v14  }
0xa4: {  	v20 =	vadd.s32 v63, v20  }
0xa5: {  	vm5 =	veq.s32 v20, v1  }
0xa6: {  	v20 =	vmpcnt.ones.xlane vm5;
	_ =	sdelay $0x1  }
0xa7: {  	v20 =	vxor.u32 $0x80000000, v20  }
0xa8: {  	(xrf0) =	vmax.scan.msk.u32 $0xffff, v20;
	_ =	sdelay $0x4  }
0xa9: {  	(v2sf) =	vpush v18, $0xF  }
0xaa: {  	v18, _, _ =	vpop (xrf0)  }
0xab: {  	(v2sf) =	vpush v18, $0xF;
	_ =	sdelay $0xc  }
0xac: {  	s9 =	spop (v2sf)  }
0xad: {  	s9 =	sadd.s32 s9, s22  }
0xae: {  	s9 =	sadd.s32 $0x80000000, s9;
	s10 =	spop (v2sf)  }
0xaf: {  	s10 =	sadd.s32 s10, s9  }
0xb0: {  	s10 =	sadd.s32 $0x80000000, s10  }
0xb1: {  	s26 =	sadd.s32 $0xF, s10  }
0xb2: {  	s11 =	sand.u32 $0xF, s26  }
0xb3: {  	s28 =	sshra.s32 s26, $0x1F;
	p3 =	slt.s32 s26, $0x1;
	p2 =	sne.s32 s11, $0x0  }
0xb4: {  	s11 =	sshrl.u32 s28, $0x1C;
	p2 =	por !p3, !p2  }
0xb5: {  	v18 =	vld [tilespmem:s8+$0x0];
	s8 =	sadd.s32 s11, s26;
	s11 =	simm.s32 $0x1;
	p2 =	por !p2, !p2  }
0xb6: {  	s8 =	sshra.s32 s8, $0x4;
	s11 =	simm.s32 @!p2 $0x0  }
0xb7: {  	s22 =	ssub.s32 s8, s11  }
0xb8: {  	p2 =	slt.s32 s22, $0x1  }
.Ltmp3:
0xb9: {  	_ = 	snop;
	(pc) =	sbr.rel @p2 .LBB2_13-.Ltmp3, $4  }
0xba: {  	v19 =	vsub.s32 v19, v2;
	[tilespmem:s9+$0x4000] =	vst.msk vm5, v18  }
0xbb: {  	[tilespmem:s9+$0x6080] =	vst.msk vm5, v19  }
0xbc: {  	[tilespmem:s10+$0x4000] =	vst v2  }
0xbd: {  	[tilespmem:s10+$0x6080] =	vst v14  }
0xbe: {  	p4 =	sne.s32 s22, $0x1  }
.Ltmp4:
0xbf: {  	_ = 	snop;
	(pc) =	sbr.rel @!p4 .LBB2_8-.Ltmp4, $3  }
0xc0: {  	_ =	sdelay $0x1  }
0xc1: {  	s26 =	simm.s32 $0x6080;
	s24 =	simm.s32 $0x8100  }
0xc2: {  	s23 =	simm.s32 $0xA180;
	s8 =	sadd.s32 $0xFFFFFFFF, s22;
	p3 =	por $0x0, $0x0;
	v18 =	vld [tilespmem:s26+$0x0]  }
0xc3: {  	_ =	sdelay $0x3  }
0xc4: {  	v18 =	vxor.u32 $0x80000000, v18  }
0xc5: {  	(xrf1) =	vsort.ascd.msk.u32 $0xffff, v18, v0;
	_ =	sdelay $0xd  }
0xc6: {  	v18, v19, _ =	vpop (xrf1)  }
0xc7: {  	v18 =	vxor.u32 $0x80000000, v18  }
0xc8: {  	v20 =	vperm.xlane v18, v10  }
0xc9: {  	p4 =	sne.s32 s8, $0x1  }
.Ltmp5:
0xca: {  	vm5 =	vne.s32 v20, v18;
	(pc) =	sbr.rel @!p4 .LBB2_10-.Ltmp5, $4  }
0xcb: {  	[tilespmem:s26+$0x0] =	vst v18;
	vm5 =	vmor vm5, vm0  }
0xcc: {  	[tilespmem:s24+$0x0] =	vst v19;
	v18 =	vsel vm5, $0x1, v14  }
0xcd: {  	s9 =	sadd.s32 $0xFFFFFFFF, s8;
	s26 =	simm.s32 $0x6090;
	[tilespmem:s23+$0x0] =	vst v18  }
0xce: {  	p3 =	por $0x1, $0x1;
	s28 =	simm.s32 $0x8100;
	s8 =	simm.s32 $0xA180;
	v18 =	vld [tilespmem:s26+$0x0]  }
.LBB2_11:
0xcf: {  	p4 =	sne.s32 s9, $0x1;
	_ =	sdelay $0x3  }
0xd0: {  	v18 =	vxor.u32 $0x80000000, v18  }
0xd1: {  	(xrf1) =	vsort.ascd.msk.u32 $0xffff, v18, v0;
	_ =	sdelay $0xd  }
0xd2: {  	v18, v19, _ =	vpop (xrf1)  }
0xd3: {  	v18 =	vxor.u32 $0x80000000, v18  }
0xd4: {  	v20 =	vperm.xlane v18, v10;
	_ =	sdelay $0x1  }
.Ltmp6:
0xd5: {  	vm5 =	vne.s32 v20, v18;
	(pc) =	sbr.rel @p4 .LBB2_11-.Ltmp6, $4  }
0xd6: {  	s28 =	sadd.s32 $0x10, s28;
	[tilespmem:s26+$0x0] =	vst v18;
	vm5 =	vmor vm5, vm0  }
0xd7: {  	s8 =	sadd.s32 $0x10, s8;
	[tilespmem:s28+$0x0] =	vst v19;
	v18 =	vsel vm5, $0x1, v14  }
0xd8: {  	s26 =	sadd.s32 $0x10, s26;
	[tilespmem:s8+$0x0] =	vst v18  }
0xd9: {  	s9 =	sadd.s32 $0xFFFFFFFF, s9;
	v18 =	vld [tilespmem:s26+$0x0]  }
.LBB2_12:
0xda: {  	_ =	sdelay $0x3  }
0xdb: {  	v18 =	vxor.u32 $0x80000000, v18  }
0xdc: {  	(xrf1) =	vsort.ascd.msk.u32 $0xffff, v18, v0;
	_ =	sdelay $0xd  }
0xdd: {  	v18, v19, _ =	vpop (xrf1)  }
0xde: {  	v18 =	vxor.u32 $0x80000000, v18  }
0xdf: {  	v20 =	vperm.xlane v18, v10;
	_ =	sdelay $0x1  }
0xe0: {  	s9 =	sadd.s32 @p3 $0x10, s28;
	vm5 =	vne.s32 v20, v18  }
0xe1: {  	s8 =	sadd.s32 @p3 $0x10, s8;
	s24 =	smov.u32 @p3 s9;
	[tilespmem:s26+$0x0] =	vst v18;
	vm5 =	vmor vm5, vm0  }
0xe2: {  	s23 =	smov.u32 @p3 s8;
	[tilespmem:s24+$0x0] =	vst v19;
	v18 =	vsel vm5, $0x1, v14  }
0xe3: {  	[tilespmem:s23+$0x0] =	vst v18  }
.LBB2_13:
.Ltmp7:
0xe4: {  	(pc) =	sbr.rel .LBB2_14-.Ltmp7, $2  }
0xe5: {  	_ =	sdelay $0x2  }
0xe6: {  	s23 =	simm.s32 $0x0;
	p3 =	por $0x1, $0x1  }
.LBB2_18:
0xe7: {  	s8 =	sand.u32 $0x1, s23  }
0xe8: {  	s9 =	sshll.u32 s8, $0xB  }
0xe9: {  	s8 =	sshll.u32 s8, $0x8;
	s9 =	sadd.s32 s9, s4  }
0xea: {  	s8 =	sadd.s32 s8, s5;
	s10 =	sadd.s32 s7, s9  }
0xeb: {  	[spmem:s10] =	stream.linear.scatter [tilespmem:s3], [sflag:$0x2], $0x80, $0x38;
	[tilespmem:$0x18B20] =	vst v63  }
0xec: {  	s28 =	sadd.s32 s25, s8  }
0xed: {  	[spmem:s28] =	stream.linear.scatter [tilespmem:s1], [sflag:$0x2], $0x10, $0x38;
	[tilespmem:$0x18B20] =	vst v63  }
0xee: {  	_ =	swait.ge [sflag:s17], $0x80  }
0xef: {  	[sflag:s17] =	ssyncset.done $0x0  }
0xf0: {  	[sflag:s17] =	ssyncadd.s32 $0xFFFFFF80  }
0xf1: {  	_ =	swait.ge [sflag:s17], $0x10  }
0xf2: {  	[sflag:s17] =	ssyncset.done $0x0  }
0xf3: {  	[sflag:s17] =	ssyncadd.s32 $0xFFFFFFF0  }
0xf4: {  	[bflag:$0x0] =	sbarrier.arrive $0xFFFF  }
0xf5: {  	[tilespmem:s2], [sflag:$0x2] =	stream.linear.gather [spmem:s9], $0x800, $0x38;
	[tilespmem:$0x18B20] =	vst v63  }
0xf6: {  	_ = 	snop  }
0xf7: {  	[tilespmem:s14], [sflag:$0x2] =	stream.linear.gather [spmem:s8], $0x100, $0x38;
	[tilespmem:$0x18B20] =	vst v63  }
0xf8: {  	_ =	swait.ge [sflag:s17], $0x800  }
0xf9: {  	[sflag:s17] =	ssyncset.done $0x0  }
0xfa: {  	[sflag:s17] =	ssyncadd.s32 $0xFFFFF800  }
0xfb: {  	_ =	swait.ge [sflag:s17], $0x100  }
0xfc: {  	[sflag:s17] =	ssyncset.done $0x0  }
0xfd: {  	[sflag:s17] =	ssyncadd.s32 $0xFFFFFF00  }
0xfe: {  	v18 =	vld [tilespmem:$0xE300]  }
0xff: {  	v19 =	vld [tilespmem:$0xE310]  }
0x100: {  	v20 =	vld [tilespmem:$0xE320]  }
0x101: {  	v21 =	vld [tilespmem:$0xE330]  }
0x102: {  	v22 =	vld [tilespmem:$0xE340]  }
0x103: {  	v23 =	vld [tilespmem:$0xE350]  }
0x104: {  	v18 =	vor.u32 v18, v19;
	v19 =	vld [tilespmem:$0xE360]  }
0x105: {  	v56 =	vld [tilespmem:$0xE370];
	v18 =	vor.u32 v20, v18  }
0x106: {  	v57 =	vld [tilespmem:$0xE380];
	v18 =	vor.u32 v21, v18  }
0x107: {  	v58 =	vld [tilespmem:$0xE390];
	v18 =	vor.u32 v22, v18  }
0x108: {  	v59 =	vld [tilespmem:$0xE3A0];
	v18 =	vor.u32 v23, v18  }
0x109: {  	v18 =	vor.u32 v19, v18;
	v19 =	vld [tilespmem:$0xE3B0]  }
0x10a: {  	v60 =	vld [tilespmem:$0xE3C0];
	v18 =	vor.u32 v56, v18  }
0x10b: {  	v61 =	vld [tilespmem:$0xE3D0];
	v18 =	vor.u32 v57, v18  }
0x10c: {  	v62 =	vld [tilespmem:$0xE3E0];
	v18 =	vor.u32 v58, v18  }
0x10d: {  	v63 =	vld [tilespmem:$0xE3F0];
	v18 =	vor.u32 v59, v18  }
0x10e: {  	v18 =	vor.u32 v19, v18  }
0x10f: {  	v18 =	vor.u32 v60, v18  }
0x110: {  	v18 =	vor.u32 v61, v18  }
0x111: {  	v18 =	vor.u32 v62, v18  }
0x112: {  	v18 =	vor.u32 v63, v18  }
0x113: {  	[tilespmem:$0xE400] =	vst v18  }
.LBB2_19:
0x114: {  	v18 =	vld [tilespmem:$0xE400];
	_ =	sdelay $0x4  }
0x115: {  	vm5 =	veq.s32 v18, $0x0  }
0x116: {  	v18 =	vsel vm5, $0x0, v17  }
0x117: {  	(xrf0) =	vmax.scan.msk.f32 $0xffff, v18;
	_ =	sdelay $0x5  }
0x118: {  	v18, _, _ =	vpop (xrf0)  }
0x119: {  	(v2sf) =	vpush v18, $0xF;
	_ =	sdelay $0xe  }
0x11a: {  	s8 =	spop (v2sf)  }
0x11b: {  	p4 =	sgt.f32 s8, $0.0e+00  }
0x11c: {  	s23 =	sadd.s32 $0x1, s23  }
0x11d: {  	p3 =	por !p3, !p4;
	p4 =	sne.s32 s23, $0x10  }
.Ltmp8:
0x11e: {  	_ = 	snop;
	(pc) =	sbr.rel @!p4 .LBB2_20-.Ltmp8, $2  }
0x11f: {  	_ =	sdelay $0x2  }
0x120: {  	p3 =	por !p3, !p3  }
.LBB2_14:
.Ltmp9:
0x121: {  	(pc) =	sbr.rel @!p3 .LBB2_19-.Ltmp9, $1  }
0x122: {  	_ =	sdelay $0x3  }
.Ltmp10:
0x123: {  	(pc) =	sbr.rel @p2 .LBB2_18-.Ltmp10, $2  }
0x124: {  	_ =	sdelay $0x2  }
0x125: {  	[tilespmem:$0xE280] =	vst v14  }
0x126: {  	s8 =	simm.s32 $0x4000;
	s24 =	simm.s32 $0x6080  }
0x127: {  	s9 =	simm.s32 $0x8100;
	s26 =	simm.s32 $0xA180;
	s28 =	smov.u32 s22  }
.LBB2_17:
0x128: {  	v18 =	vld [tilespmem:s8+$0x0];
	_ =	sdelay $0x6  }
0x129: {  	v19 =	vld [tilespmem:s9+$0x0]  }
0x12a: {  	v18 =	vld.idx.msk [tilespmem:v18+s2+$0x0], $0xffff;
	_ =	sdelay $0x1  }
0x12b: {  	v20 =	vld [tilespmem:s24+$0x0];
	_ =	sdelay $0x2  }
0x12c: {  	v18 =	vperm.xlane v18, v19;
	_ =	sdelay $0x1  }
0x12d: {  	v19 =	vperm.xlane v20, v11;
	v21 =	vperm.xlane v18, v11;
	_ =	sdelay $0x1  }
0x12e: {  	vm5 =	veq.s32 v19, v20;
	vm6 =	vlt.s32 v18, v21  }
0x12f: {  	vm5 =	vmand vm5, vm1;
	v19 =	vsel vm6, v18, v21  }
0x130: {  	v18 =	vsel vm5, v19, v18  }
0x131: {  	v19 =	vperm.xlane v20, v13;
	v60 =	vperm.xlane v18, v13;
	_ =	sdelay $0x1  }
0x132: {  	vm5 =	veq.s32 v19, v20;
	vm6 =	vlt.s32 v18, v60  }
0x133: {  	vm5 =	vmand vm5, vm2;
	v19 =	vsel vm6, v18, v60  }
0x134: {  	v18 =	vsel vm5, v19, v18  }
0x135: {  	v19 =	vperm.xlane v20, v15;
	v61 =	vperm.xlane v18, v15;
	_ =	sdelay $0x1  }
0x136: {  	vm5 =	veq.s32 v19, v20;
	vm6 =	vlt.s32 v18, v61  }
0x137: {  	vm5 =	vmand vm5, vm3;
	v19 =	vsel vm6, v18, v61  }
0x138: {  	v23 =	vld.idx.msk [tilespmem:v20+s3+$0x0], $0xffff;
	v18 =	vsel vm5, v19, v18  }
0x139: {  	v62 =	vperm.xlane v20, v16;
	v19 =	vld [tilespmem:s26+$0x0];
	v22 =	vperm.xlane v18, v16;
	_ =	sdelay $0x1  }
0x13a: {  	vm5 =	veq.s32 v62, v20;
	vm6 =	vlt.s32 v18, v22  }
0x13b: {  	vm5 =	vmand vm5, vm4;
	v63 =	vsel vm6, v18, v22  }
0x13c: {  	v18 =	vsel vm5, v63, v18  }
0x13d: {  	vm5 =	vne.s32 v19, $0x0;
	vm6 =	vlt.s32 v18, v23  }
0x13e: {  	vm5 =	vmand vm5, vm6;
	_ =	sdelay $0x3  }
0x13f: {  	vm6 =	vlt.s32 v23, v18  }
0x140: {  	v18 =	vsel vm6, v23, v18  }
0x141: {  	[tilespmem:v20+s3+$0x0] =	vst.idx.msk vm5, v18  }
0x142: {  	v18 =	vld [tilespmem:$0xE280]  }
0x143: {  	p4 =	sne.s32 s28, $0x1  }
.Ltmp11:
0x144: {  	_ = 	snop;
	(pc) =	sbr.rel @p4 .LBB2_17-.Ltmp11, $4  }
0x145: {  	_ = 	snop  }
0x146: {  	v19 =	vsel vm5, $0x1, v14  }
0x147: {  	s8 =	sadd.s32 $0x10, s8;
	s24 =	sadd.s32 $0x10, s24;
	v18 =	vor.u32 v19, v18  }
0x148: {  	s9 =	sadd.s32 $0x10, s9;
	s28 =	sadd.s32 $0xFFFFFFFF, s28;
	s26 =	sadd.s32 $0x10, s26;
	[tilespmem:$0xE280] =	vst v18  }
.Ltmp12:
0x149: {  	_ = 	snop;
	(pc) =	sbr.rel .LBB2_18-.Ltmp12, $1  }
0x14a: {  	_ =	sdelay $0x3  }
.LBB2_20:
.Ltmp13:
0x14b: {  	(pc) =	sbr.rel @p1 .LBB2_26-.Ltmp13, $1  }
0x14c: {  	_ =	sdelay $0x3  }
0x14d: {  	s24 =	simm.s32 $0xC200  }
0x14e: {  	v19 =	vld [tilespmem:s24+$0x0];
	_ =	sdelay $0x2  }
0x14f: {  	s28 =	simm.s32 $0x0  }
0x150: {  	v18 =	vor.u32 s28, v0  }
0x151: {  	vm5 =	veq.s32 v19, v18  }
0x152: {  	v19 =	vsel vm5, $0x1, v14  }
0x153: {  	(xrf0) =	vadd.scan.msk.s32 $0xffff, v19;
	_ =	sdelay $0x5  }
0x154: {  	v19, _, _ =	vpop (xrf0)  }
0x155: {  	v20 =	vxor.u32 $0x80000000, v19  }
0x156: {  	(xrf0) =	vmax.scan.msk.u32 $0xffff, v20;
	v20 =	vmov s28  }
0x157: {  	v20 =	vadd.s32 $0xFFFFFFFF, v20  }
0x158: {  	v20 =	vbroadcast v20, $0x0;
	_ =	sdelay $0x2  }
0x159: {  	s6 =	smov.u32 s18;
	s18 =	smov.u32 s0  }
0x15a: {  	s0 =	smov.u32 s16;
	s16 =	smov.u32 s30;
	s22 =	simm.s32 $0xCA80;
	v19 =	vadd.s32 v19, v20;
	v20, _, _ =	vpop (xrf0)  }
0x15b: {  	s30 =	smov.u32 s29;
	s29 =	smov.u32 s13;
	s26 =	simm.s32 $0xD280;
	[tilespmem:s22+$0x0] =	vst v19;
	v19 =	vnsel vm5, $0x0, v19;
	(v2sf) =	vpush v20, $0xF  }
0x15c: {  	s13 =	smov.u32 s12;
	s23 =	simm.s32 $0x10;
	s9 =	simm.s32 $0xC210;
	[tilespmem:s26+$0x0] =	vst v19  }
0x15d: {  	s10 =	simm.s32 $0x20;
	s11 =	simm.s32 $0x10;
	s8 =	simm.s32 $0xCA80;
	v19 =	vld [tilespmem:s9+$0x0]  }
.LBB2_22:
0x15e: {  	p2 =	sne.s32 s10, $0x7F0;
	_ =	sdelay $0x2  }
0x15f: {  	v20 =	vor.u32 s11, v0;
	s11 =	smov.u32 s10  }
0x160: {  	vm5 =	veq.s32 v19, v20  }
0x161: {  	v19 =	vsel vm5, $0x1, v14  }
0x162: {  	(xrf0) =	vadd.scan.msk.s32 $0xffff, v19;
	_ =	sdelay $0x5  }
0x163: {  	v19, _, _ =	vpop (xrf0);
	s12 =	spop (v2sf)  }
0x164: {  	v20 =	vxor.u32 $0x80000000, v19;
	s12 =	sadd.s32 s12, s28  }
0x165: {  	(xrf0) =	vmax.scan.msk.u32 $0xffff, v20;
	s28 =	sadd.s32 $0x80000000, s12  }
0x166: {  	v20 =	vmov s28  }
0x167: {  	v20 =	vadd.s32 $0xFFFFFFFF, v20  }
0x168: {  	v21 =	vbroadcast v20, $0x0;
	_ =	sdelay $0x1  }
.Ltmp14:
0x169: {  	s8 =	sadd.s32 $0x10, s8;
	v19 =	vadd.s32 v19, v21;
	(pc) =	sbr.rel @p2 .LBB2_22-.Ltmp14, $4  }
0x16a: {  	s26 =	sadd.s32 $0x10, s26;
	[tilespmem:s8+$0x0] =	vst v19;
	v19 =	vnsel vm5, $0x0, v19;
	v20, _, _ =	vpop (xrf0)  }
0x16b: {  	[tilespmem:s26+$0x0] =	vst v19;
	(v2sf) =	vpush v20, $0xF  }
0x16c: {  	s9 =	sadd.s32 $0x10, s9  }
0x16d: {  	s10 =	sadd.s32 $0x10, s10;
	v19 =	vld [tilespmem:s9+$0x0]  }
0x16e: {  	_ =	sdelay $0x4  }
0x16f: {  	v20 =	vor.u32 s11, v0  }
0x170: {  	vm5 =	veq.s32 v19, v20  }
0x171: {  	v19 =	vsel vm5, $0x1, v14  }
0x172: {  	(xrf0) =	vadd.scan.msk.s32 $0xffff, v19;
	_ =	sdelay $0x3  }
0x173: {  	s9 =	spop (v2sf)  }
0x174: {  	s9 =	sadd.s32 s9, s28  }
0x175: {  	v19, _, _ =	vpop (xrf0);
	s9 =	sadd.s32 $0x80000000, s9  }
0x176: {  	v20 =	vxor.u32 $0x80000000, v19;
	v21 =	vmov s9  }
0x177: {  	(xrf0) =	vmax.scan.msk.u32 $0xffff, v20;
	v20 =	vadd.s32 $0xFFFFFFFF, v21  }
0x178: {  	v20 =	vbroadcast v20, $0x0;
	_ =	sdelay $0x1  }
0x179: {  	s8 =	sadd.s32 $0x10, s8;
	v19 =	vadd.s32 v19, v20  }
0x17a: {  	[tilespmem:s8+$0x0] =	vst v19;
	v19 =	vnsel vm5, $0x0, v19;
	_ =	sdelay $0x1  }
0x17b: {  	s28 =	sadd.s32 $0x10, s26  }
0x17c: {  	[tilespmem:s28+$0x0] =	vst v19;
	v19, _, _ =	vpop (xrf0)  }
0x17d: {  	(v2sf) =	vpush v19, $0xF  }
0x17e: {  	v20 =	vld [tilespmem:s24+$0x0];
	_ =	sdelay $0x6  }
0x17f: {  	v63 =	vld [tilespmem:s22+$0x0]  }
0x180: {  	v19 =	vld.idx.msk [tilespmem:v20+s15+$0x0], $0xffff;
	_ =	sdelay $0x3  }
0x181: {  	vm5 =	veq.s32 v20, v18  }
0x182: {  	s8 =	simm.s32 $0xDA80;
	v18 =	vsel vm5, v63, v19  }
0x183: {  	s9 =	simm.s32 $0xC210;
	[tilespmem:s8+$0x0] =	vst v18;
	s10 =	spop (v2sf)  }
0x184: {  	v18 =	vld [tilespmem:s9+$0x0];
	s10 =	simm.s32 $0x20  }
.LBB2_24:
0x185: {  	p2 =	sne.s32 s10, $0x7F0;
	_ =	sdelay $0x6  }
0x186: {  	s22 =	sadd.s32 $0x10, s22;
	v19 =	vld.idx.msk [tilespmem:v18+s15+$0x0], $0xffff  }
0x187: {  	v20 =	vld [tilespmem:s22+$0x0];
	_ =	sdelay $0x2  }
.Ltmp15:
0x188: {  	v21 =	vor.u32 s23, v0;
	s23 =	smov.u32 s10;
	(pc) =	sbr.rel @p2 .LBB2_24-.Ltmp15, $4  }
0x189: {  	vm5 =	veq.s32 v18, v21  }
0x18a: {  	s8 =	sadd.s32 $0x10, s8;
	v18 =	vsel vm5, v20, v19  }
0x18b: {  	s9 =	sadd.s32 $0x10, s9;
	[tilespmem:s8+$0x0] =	vst v18  }
0x18c: {  	s10 =	sadd.s32 $0x10, s10;
	v18 =	vld [tilespmem:s9+$0x0]  }
0x18d: {  	_ =	sdelay $0x5  }
0x18e: {  	s9 =	sadd.s32 $0x10, s22  }
0x18f: {  	v20 =	vld [tilespmem:s9+$0x0]  }
0x190: {  	v19 =	vld.idx.msk [tilespmem:v18+s15+$0x0], $0xffff;
	_ =	sdelay $0x2  }
0x191: {  	v21 =	vor.u32 s23, v0  }
0x192: {  	s8 =	sadd.s32 $0x10, s8;
	vm5 =	veq.s32 v18, v21  }
0x193: {  	s24 =	rddreg [dreg:$0x5];
	s26 =	simm.s32 $0x0;
	s10 =	simm.s32 $0xDA80;
	v18 =	vsel vm5, v20, v19  }
0x194: {  	s28 =	simm.s32 $0x3;
	s12 =	smov.u32 s13;
	s13 =	smov.u32 s29;
	[tilespmem:s8+$0x0] =	vst v18  }
0x195: {  	[hbm4b:s24+s26] =	stream.linear.scatter [tilespmem:s10], [sflag:$0x3], $0x800, $0x38;
	[tilespmem:$0x18B20] =	vst v63  }
0x196: {  	s29 =	smov.u32 s30;
	s30 =	smov.u32 s16;
	_ =	swait.ge [sflag:s28], $0x800  }
0x197: {  	s16 =	smov.u32 s0;
	s0 =	smov.u32 s18;
	[sflag:s28] =	ssyncset.done $0x0  }
0x198: {  	s18 =	smov.u32 s6;
	s6 =	simm.s32 $0x0;
	[sflag:s28] =	ssyncadd.s32 $0xFFFFF800  }
.LBB2_26:
0x199: {  	_ =	swait.ge [sflag:s31], $0x2000  }
0x19a: {  	[sflag:s31] =	ssyncset.done $0x0  }
0x19b: {  	[sflag:s31] =	ssyncadd.s32 $0xFFFFE000  }
0x19c: {  	_ =	swait.ge [sflag:s31], $0x2000  }
0x19d: {  	s8 =	simm.s32 $0x0;
	[sflag:s31] =	ssyncset.done $0x0  }
0x19e: {  	v18 =	vmov s8;
	[sflag:s31] =	ssyncadd.s32 $0xFFFFE000  }
0x19f: {  	v19 =	vand.u32 $0x7F, v18;
	_ =	swait.ge [sflag:s31], $0x2000  }
0x1a0: {  	v18 =	vmul.u32 $0x80, v0;
	v21 =	vbroadcast v19, $0x0;
	[sflag:s31] =	ssyncset.done $0x0  }
0x1a1: {  	[sflag:s31] =	ssyncadd.s32 $0xFFFFE000  }
0x1a2: {  	v24 =	vor.u32 $0x2000, v18;
	v22 =	vor.u32 v18, v21;
	_ =	swait.ge [sflag:s31], $0x2000  }
0x1a3: {  	v23 =	vor.u32 v24, v21;
	[sflag:s31] =	ssyncset.done $0x0  }
0x1a4: {  	v26 =	vor.u32 $0x4000, v18;
	[sflag:s31] =	ssyncadd.s32 $0xFFFFE000  }
0x1a5: {  	v27 =	vor.u32 v26, v21;
	v19 =	vld [tilespmem:$0xE800]  }
0x1a6: {  	v25 =	vor.u32 $0x6000, v18;
	v20 =	vld [tilespmem:$0xE880]  }
0x1a7: {  	v30 =	vor.u32 v25, v21;
	v29 =	vld.idx.msk [tilespmem:v22+s20+$0x0], $0xffff  }
0x1a8: {  	v31 =	vld.idx.msk [tilespmem:v23+s20+$0x0], $0xffff  }
0x1a9: {  	v23 =	vld [tilespmem:$0xE900]  }
0x1aa: {  	v28 =	vld.idx.msk [tilespmem:v27+s20+$0x0], $0xffff  }
0x1ab: {  	v21 =	vld [tilespmem:$0xE980]  }
0x1ac: {  	s28 =	simm.s32 $0x1;
	v27 =	vld.idx.msk [tilespmem:v30+s20+$0x0], $0xffff  }
0x1ad: {  	v32 =	vmov s28;
	v29 =	vmul.f32 v29, v19;
	v30 =	vmul.f32 v31, v20  }
0x1ae: {  	s8 =	simm.s32 $0x2;
	v31 =	vand.u32 $0x7F, v32  }
.LBB2_27:
0x1af: {  	p2 =	sne.s32 s8, $0x7F;
	v31 =	vbroadcast v31, $0x0;
	v29 =	vadd.f32 v30, v29;
	v28 =	vmul.f32 v28, v23  }
0x1b0: {  	v30 =	vor.u32 $0x2000, v18  }
0x1b1: {  	v27 =	vmul.f32 v27, v21;
	v32 =	vor.u32 v18, v31;
	v28 =	vadd.f32 v28, v29  }
0x1b2: {  	v29 =	vor.u32 v30, v31  }
0x1b3: {  	v30 =	vor.u32 $0x4000, v18;
	v27 =	vadd.f32 v27, v28  }
0x1b4: {  	v28 =	vor.u32 v30, v31  }
0x1b5: {  	v30 =	vor.u32 $0x6000, v18;
	[tilespmem:v22+s19+$0x0] =	vst.idx.msk $0xffff, v27;
	v22 =	vmov v32  }
0x1b6: {  	v27 =	vor.u32 v30, v31;
	v32 =	vld.idx.msk [tilespmem:v32+s20+$0x0], $0xffff  }
0x1b7: {  	v30 =	vld.idx.msk [tilespmem:v29+s20+$0x0], $0xffff;
	_ =	sdelay $0x1  }
0x1b8: {  	v28 =	vld.idx.msk [tilespmem:v28+s20+$0x0], $0xffff  }
.Ltmp16:
0x1b9: {  	(pc) =	sbr.rel @p2 .LBB2_27-.Ltmp16, $3  }
0x1ba: {  	v27 =	vld.idx.msk [tilespmem:v27+s20+$0x0], $0xffff;
	_ =	sdelay $0x1  }
0x1bb: {  	v31 =	vmov s8;
	v29 =	vmul.f32 v32, v19;
	v30 =	vmul.f32 v30, v20  }
0x1bc: {  	s8 =	sadd.s32 $0x1, s8;
	v31 =	vand.u32 $0x7F, v31  }
0x1bd: {  	v31 =	vbroadcast v31, $0x0;
	v29 =	vadd.f32 v30, v29;
	v28 =	vmul.f32 v28, v23;
	_ =	sdelay $0x1  }
0x1be: {  	v27 =	vmul.f32 v27, v21;
	v30 =	vor.u32 v18, v31;
	v28 =	vadd.f32 v28, v29  }
0x1bf: {  	v24 =	vor.u32 v24, v31  }
0x1c0: {  	v27 =	vadd.f32 v27, v28  }
0x1c1: {  	v26 =	vor.u32 v26, v31  }
0x1c2: {  	[tilespmem:v22+s19+$0x0] =	vst.idx.msk $0xffff, v27  }
0x1c3: {  	v25 =	vor.u32 v25, v31;
	v22 =	vld.idx.msk [tilespmem:v30+s20+$0x0], $0xffff  }
0x1c4: {  	v24 =	vld.idx.msk [tilespmem:v24+s20+$0x0], $0xffff;
	_ =	sdelay $0x1  }
0x1c5: {  	v26 =	vld.idx.msk [tilespmem:v26+s20+$0x0], $0xffff;
	_ =	sdelay $0x1  }
0x1c6: {  	v25 =	vld.idx.msk [tilespmem:v25+s20+$0x0], $0xffff  }
0x1c7: {  	v19 =	vmul.f32 v22, v19;
	v20 =	vmul.f32 v24, v20  }
0x1c8: {  	s8 =	simm.s32 $0x0  }
0x1c9: {  	v22 =	vmov s8;
	v19 =	vadd.f32 v20, v19;
	v20 =	vmul.f32 v26, v23  }
0x1ca: {  	v22 =	vand.u32 $0x7F, v22  }
0x1cb: {  	v19 =	vadd.f32 v20, v19;
	v20 =	vmul.f32 v25, v21;
	v21 =	vbroadcast v22, $0x0  }
0x1cc: {  	v25 =	vor.u32 $0x800, v18  }
0x1cd: {  	v24 =	vor.u32 $0x2800, v18;
	v19 =	vadd.f32 v20, v19;
	v22 =	vor.u32 v25, v21  }
0x1ce: {  	v23 =	vor.u32 v24, v21  }
0x1cf: {  	v27 =	vor.u32 $0x4800, v18;
	[tilespmem:v30+s19+$0x0] =	vst.idx.msk $0xffff, v19  }
0x1d0: {  	v28 =	vor.u32 v27, v21;
	v19 =	vld [tilespmem:$0xE810]  }
0x1d1: {  	v26 =	vor.u32 $0x6800, v18;
	v20 =	vld [tilespmem:$0xE890]  }
0x1d2: {  	v31 =	vor.u32 v26, v21;
	v30 =	vld.idx.msk [tilespmem:v22+s20+$0x0], $0xffff  }
0x1d3: {  	v32 =	vld.idx.msk [tilespmem:v23+s20+$0x0], $0xffff  }
0x1d4: {  	v23 =	vld [tilespmem:$0xE910]  }
0x1d5: {  	v29 =	vld.idx.msk [tilespmem:v28+s20+$0x0], $0xffff  }
0x1d6: {  	v21 =	vld [tilespmem:$0xE990]  }
0x1d7: {  	s28 =	simm.s32 $0x1;
	v28 =	vld.idx.msk [tilespmem:v31+s20+$0x0], $0xffff  }
0x1d8: {  	v33 =	vmov s28;
	v30 =	vmul.f32 v30, v19;
	v31 =	vmul.f32 v32, v20  }
0x1d9: {  	s8 =	simm.s32 $0x2;
	v32 =	vand.u32 $0x7F, v33  }
.LBB2_29:
0x1da: {  	p2 =	sne.s32 s8, $0x7F;
	v32 =	vbroadcast v32, $0x0;
	v30 =	vadd.f32 v31, v30;
	v29 =	vmul.f32 v29, v23;
	_ =	sdelay $0x1  }
0x1db: {  	v28 =	vmul.f32 v28, v21;
	v31 =	vor.u32 v25, v32;
	v29 =	vadd.f32 v29, v30  }
0x1dc: {  	v30 =	vor.u32 v24, v32  }
0x1dd: {  	v28 =	vadd.f32 v28, v29  }
0x1de: {  	v29 =	vor.u32 v27, v32  }
0x1df: {  	[tilespmem:v22+s19+$0x0] =	vst.idx.msk $0xffff, v28;
	v22 =	vmov v31  }
0x1e0: {  	v28 =	vor.u32 v26, v32;
	v31 =	vld.idx.msk [tilespmem:v31+s20+$0x0], $0xffff  }
0x1e1: {  	v32 =	vld.idx.msk [tilespmem:v30+s20+$0x0], $0xffff;
	_ =	sdelay $0x1  }
0x1e2: {  	v29 =	vld.idx.msk [tilespmem:v29+s20+$0x0], $0xffff  }
.Ltmp17:
0x1e3: {  	(pc) =	sbr.rel @p2 .LBB2_29-.Ltmp17, $3  }
0x1e4: {  	v28 =	vld.idx.msk [tilespmem:v28+s20+$0x0], $0xffff;
	_ =	sdelay $0x1  }
0x1e5: {  	v33 =	vmov s8;
	v30 =	vmul.f32 v31, v19;
	v31 =	vmul.f32 v32, v20  }
0x1e6: {  	s8 =	sadd.s32 $0x1, s8;
	v32 =	vand.u32 $0x7F, v33  }
0x1e7: {  	v32 =	vbroadcast v32, $0x0;
	v30 =	vadd.f32 v31, v30;
	v29 =	vmul.f32 v29, v23;
	_ =	sdelay $0x1  }
0x1e8: {  	v28 =	vmul.f32 v28, v21;
	v31 =	vor.u32 v25, v32;
	v25 =	vadd.f32 v29, v30  }
0x1e9: {  	v24 =	vor.u32 v24, v32  }
0x1ea: {  	v25 =	vadd.f32 v28, v25  }
0x1eb: {  	v27 =	vor.u32 v27, v32  }
0x1ec: {  	[tilespmem:v22+s19+$0x0] =	vst.idx.msk $0xffff, v25  }
0x1ed: {  	v25 =	vor.u32 v26, v32;
	v22 =	vld.idx.msk [tilespmem:v31+s20+$0x0], $0xffff  }
0x1ee: {  	v24 =	vld.idx.msk [tilespmem:v24+s20+$0x0], $0xffff;
	_ =	sdelay $0x1  }
0x1ef: {  	v26 =	vld.idx.msk [tilespmem:v27+s20+$0x0], $0xffff;
	_ =	sdelay $0x1  }
0x1f0: {  	v25 =	vld.idx.msk [tilespmem:v25+s20+$0x0], $0xffff  }
0x1f1: {  	v19 =	vmul.f32 v22, v19;
	v20 =	vmul.f32 v24, v20  }
0x1f2: {  	s8 =	simm.s32 $0x0  }
0x1f3: {  	v22 =	vmov s8;
	v19 =	vadd.f32 v20, v19;
	v20 =	vmul.f32 v26, v23  }
0x1f4: {  	v22 =	vand.u32 $0x7F, v22  }
0x1f5: {  	v19 =	vadd.f32 v20, v19;
	v20 =	vmul.f32 v25, v21;
	v21 =	vbroadcast v22, $0x0  }
0x1f6: {  	v25 =	vor.u32 $0x1000, v18  }
0x1f7: {  	v24 =	vor.u32 $0x3000, v18;
	v19 =	vadd.f32 v20, v19;
	v22 =	vor.u32 v25, v21  }
0x1f8: {  	v23 =	vor.u32 v24, v21  }
0x1f9: {  	v27 =	vor.u32 $0x5000, v18;
	[tilespmem:v31+s19+$0x0] =	vst.idx.msk $0xffff, v19  }
0x1fa: {  	v28 =	vor.u32 v27, v21;
	v19 =	vld [tilespmem:$0xE820]  }
0x1fb: {  	v26 =	vor.u32 $0x7000, v18;
	v20 =	vld [tilespmem:$0xE8A0]  }
0x1fc: {  	v31 =	vor.u32 v26, v21;
	v30 =	vld.idx.msk [tilespmem:v22+s20+$0x0], $0xffff  }
0x1fd: {  	v63 =	vld.idx.msk [tilespmem:v23+s20+$0x0], $0xffff  }
0x1fe: {  	v23 =	vld [tilespmem:$0xE920]  }
0x1ff: {  	v29 =	vld.idx.msk [tilespmem:v28+s20+$0x0], $0xffff  }
0x200: {  	v21 =	vld [tilespmem:$0xE9A0]  }
0x201: {  	s28 =	simm.s32 $0x1;
	v28 =	vld.idx.msk [tilespmem:v31+s20+$0x0], $0xffff  }
0x202: {  	v33 =	vmov s28;
	v30 =	vmul.f32 v30, v19;
	v31 =	vmul.f32 v63, v20  }
0x203: {  	v32 =	vand.u32 $0x7F, v33;
	s8 =	simm.s32 $0x2  }
.LBB2_31:
0x204: {  	p2 =	sne.s32 s8, $0x7F;
	v32 =	vbroadcast v32, $0x0;
	v30 =	vadd.f32 v31, v30;
	v29 =	vmul.f32 v29, v23;
	_ =	sdelay $0x1  }
0x205: {  	v28 =	vmul.f32 v28, v21;
	v31 =	vor.u32 v25, v32;
	v29 =	vadd.f32 v29, v30  }
0x206: {  	v30 =	vor.u32 v24, v32  }
0x207: {  	v28 =	vadd.f32 v28, v29  }
0x208: {  	v29 =	vor.u32 v27, v32  }
0x209: {  	[tilespmem:v22+s19+$0x0] =	vst.idx.msk $0xffff, v28;
	v22 =	vmov v31  }
0x20a: {  	v28 =	vor.u32 v26, v32;
	v31 =	vld.idx.msk [tilespmem:v31+s20+$0x0], $0xffff  }
0x20b: {  	v32 =	vld.idx.msk [tilespmem:v30+s20+$0x0], $0xffff;
	_ =	sdelay $0x1  }
0x20c: {  	v29 =	vld.idx.msk [tilespmem:v29+s20+$0x0], $0xffff  }
.Ltmp18:
0x20d: {  	(pc) =	sbr.rel @p2 .LBB2_31-.Ltmp18, $3  }
0x20e: {  	v28 =	vld.idx.msk [tilespmem:v28+s20+$0x0], $0xffff;
	_ =	sdelay $0x1  }
0x20f: {  	v33 =	vmov s8;
	v30 =	vmul.f32 v31, v19;
	v31 =	vmul.f32 v32, v20  }
0x210: {  	s8 =	sadd.s32 $0x1, s8;
	v32 =	vand.u32 $0x7F, v33  }
0x211: {  	v32 =	vbroadcast v32, $0x0;
	v30 =	vadd.f32 v31, v30;
	v29 =	vmul.f32 v29, v23;
	_ =	sdelay $0x1  }
0x212: {  	v28 =	vmul.f32 v28, v21;
	v25 =	vor.u32 v25, v32;
	v29 =	vadd.f32 v29, v30  }
0x213: {  	v24 =	vor.u32 v24, v32  }
0x214: {  	v28 =	vadd.f32 v28, v29  }
0x215: {  	v27 =	vor.u32 v27, v32  }
0x216: {  	[tilespmem:v22+s19+$0x0] =	vst.idx.msk $0xffff, v28  }
0x217: {  	v26 =	vor.u32 v26, v32;
	v22 =	vld.idx.msk [tilespmem:v25+s20+$0x0], $0xffff  }
0x218: {  	v24 =	vld.idx.msk [tilespmem:v24+s20+$0x0], $0xffff;
	_ =	sdelay $0x1  }
0x219: {  	v27 =	vld.idx.msk [tilespmem:v27+s20+$0x0], $0xffff;
	_ =	sdelay $0x1  }
0x21a: {  	v26 =	vld.idx.msk [tilespmem:v26+s20+$0x0], $0xffff  }
0x21b: {  	v19 =	vmul.f32 v22, v19;
	v20 =	vmul.f32 v24, v20  }
0x21c: {  	s8 =	simm.s32 $0x0  }
0x21d: {  	v22 =	vmov s8;
	v19 =	vadd.f32 v20, v19;
	v20 =	vmul.f32 v27, v23  }
0x21e: {  	v22 =	vand.u32 $0x7F, v22  }
0x21f: {  	v22 =	vbroadcast v22, $0x0;
	v19 =	vadd.f32 v20, v19;
	v20 =	vmul.f32 v26, v21  }
0x220: {  	v24 =	vor.u32 $0x1800, v18  }
0x221: {  	v23 =	vor.u32 $0x3800, v18;
	v21 =	vor.u32 v24, v22;
	v19 =	vadd.f32 v20, v19  }
0x222: {  	v27 =	vor.u32 v23, v22  }
0x223: {  	v26 =	vor.u32 $0x5800, v18;
	[tilespmem:v25+s19+$0x0] =	vst.idx.msk $0xffff, v19  }
0x224: {  	v28 =	vor.u32 v26, v22;
	v19 =	vld [tilespmem:$0xE830]  }
0x225: {  	v25 =	vor.u32 $0x7800, v18;
	v20 =	vld [tilespmem:$0xE8B0]  }
0x226: {  	v29 =	vld.idx.msk [tilespmem:v21+s20+$0x0], $0xffff;
	v30 =	vor.u32 v25, v22  }
0x227: {  	v31 =	vld.idx.msk [tilespmem:v27+s20+$0x0], $0xffff  }
0x228: {  	v22 =	vld [tilespmem:$0xE930]  }
0x229: {  	v28 =	vld.idx.msk [tilespmem:v28+s20+$0x0], $0xffff  }
0x22a: {  	v18 =	vld [tilespmem:$0xE9B0]  }
0x22b: {  	s28 =	simm.s32 $0x1;
	v27 =	vld.idx.msk [tilespmem:v30+s20+$0x0], $0xffff  }
0x22c: {  	v63 =	vmov s28;
	v29 =	vmul.f32 v29, v19;
	v30 =	vmul.f32 v31, v20  }
0x22d: {  	s8 =	simm.s32 $0x2;
	v31 =	vand.u32 $0x7F, v63  }
.LBB2_33:
0x22e: {  	p2 =	sne.s32 s8, $0x7F;
	v31 =	vbroadcast v31, $0x0;
	v29 =	vadd.f32 v30, v29;
	v28 =	vmul.f32 v28, v22;
	_ =	sdelay $0x1  }
0x22f: {  	v27 =	vmul.f32 v27, v18;
	v30 =	vor.u32 v24, v31;
	v28 =	vadd.f32 v28, v29  }
0x230: {  	v29 =	vor.u32 v23, v31  }
0x231: {  	v27 =	vadd.f32 v27, v28  }
0x232: {  	v28 =	vor.u32 v26, v31  }
0x233: {  	[tilespmem:v21+s19+$0x0] =	vst.idx.msk $0xffff, v27;
	v21 =	vmov v30  }
0x234: {  	v27 =	vor.u32 v25, v31;
	v30 =	vld.idx.msk [tilespmem:v30+s20+$0x0], $0xffff  }
0x235: {  	v31 =	vld.idx.msk [tilespmem:v29+s20+$0x0], $0xffff;
	_ =	sdelay $0x1  }
0x236: {  	v28 =	vld.idx.msk [tilespmem:v28+s20+$0x0], $0xffff  }
.Ltmp19:
0x237: {  	(pc) =	sbr.rel @p2 .LBB2_33-.Ltmp19, $3  }
0x238: {  	v27 =	vld.idx.msk [tilespmem:v27+s20+$0x0], $0xffff;
	_ =	sdelay $0x1  }
0x239: {  	v32 =	vmov s8;
	v29 =	vmul.f32 v30, v19;
	v30 =	vmul.f32 v31, v20  }
0x23a: {  	s8 =	sadd.s32 $0x1, s8;
	v31 =	vand.u32 $0x7F, v32  }
0x23b: {  	v31 =	vbroadcast v31, $0x0;
	v29 =	vadd.f32 v30, v29;
	v28 =	vmul.f32 v28, v22;
	_ =	sdelay $0x1  }
0x23c: {  	v27 =	vmul.f32 v27, v18;
	v24 =	vor.u32 v24, v31;
	v28 =	vadd.f32 v28, v29  }
0x23d: {  	v23 =	vor.u32 v23, v31  }
0x23e: {  	v27 =	vadd.f32 v27, v28  }
0x23f: {  	v26 =	vor.u32 v26, v31  }
0x240: {  	[tilespmem:v21+s19+$0x0] =	vst.idx.msk $0xffff, v27  }
0x241: {  	v25 =	vor.u32 v25, v31;
	v21 =	vld.idx.msk [tilespmem:v24+s20+$0x0], $0xffff  }
0x242: {  	v23 =	vld.idx.msk [tilespmem:v23+s20+$0x0], $0xffff;
	_ =	sdelay $0x1  }
0x243: {  	v26 =	vld.idx.msk [tilespmem:v26+s20+$0x0], $0xffff;
	_ =	sdelay $0x1  }
0x244: {  	v25 =	vld.idx.msk [tilespmem:v25+s20+$0x0], $0xffff  }
0x245: {  	v19 =	vmul.f32 v21, v19;
	v20 =	vmul.f32 v23, v20;
	_ =	sdelay $0x1  }
0x246: {  	v63 =	vmul.f32 v26, v22;
	v19 =	vadd.f32 v20, v19;
	_ =	sdelay $0x1  }
0x247: {  	v18 =	vmul.f32 v25, v18;
	v19 =	vadd.f32 v63, v19;
	_ =	sdelay $0x1  }
0x248: {  	v18 =	vadd.f32 v18, v19;
	_ =	sdelay $0x1  }
0x249: {  	s9 =	simm.s32 $0x3;
	[tilespmem:v24+s19+$0x0] =	vst.idx.msk $0xffff, v18  }
0x24a: {  	[hbm4b:s18+s6] =	stream.linear.scatter [tilespmem:s19], [sflag:$0x3], $0x2000, $0x38;
	[tilespmem:$0x18B20] =	vst v63  }
0x24b: {  	_ =	swait.ge [sflag:s9], $0x2000  }
0x24c: {  	s21 =	sadd.s32 $0x1, s21;
	s8 =	rddreg [dreg:$0xa]  }
0x24d: {  	p2 =	sne.s32 s21, s8  }
.Ltmp20:
0x24e: {  	_ = 	snop;
	(pc) =	sbr.rel @p2 .LBB2_1-.Ltmp20, $4  }
.Ltmp21:
0x24f: {  	_ = 	snop;
	(pc) =	sbr.rel @!p2 .LBB2_35-.Ltmp21, $4  }
0x250: {  	_ = 	snop  }
0x251: {  	[sflag:s9] =	ssyncset.done $0x0  }
0x252: {  	[sflag:s9] =	ssyncadd.s32 $0xFFFFE000  }
0x253: {  	_ = 	snop  }
.LBB2_8:
.Ltmp22:
0x254: {  	(pc) =	sbr.rel .LBB2_12-.Ltmp22, $2  }
0x255: {  	_ =	sdelay $0x2  }
0x256: {  	s28 =	simm.s32 $0x8100;
	s8 =	simm.s32 $0xA180  }
.LBB2_10:
.Ltmp23:
0x257: {  	(pc) =	sbr.rel .LBB2_12-.Ltmp23, $2  }
0x258: {  	_ =	sdelay $0x2  }
0x259: {  	s28 =	simm.s32 $0x8100;
	s8 =	simm.s32 $0xA180  }
.LBB2_35:
0x25a: {  	_ =	sfence.sel $0x180000  }
0x25b: {  	[bflag:$0x0] =	sbarrier.arrive $0xFFFF  }
0x25c: {  	_ =	strace $0x90000047  }
0x25d: {  	[bflag:$0x2] =	sbarrier.arrive $0xFFFF  }
0x25e: {  	s0 =	rddreg [dreg:$0x9]  }
0x25f: {  	s0 =	sadd.s32 @!p1 $0x100000, s0  }
0x260: {  	[sflag:s0] =	ssyncadd.tile.s32 @!p1 $0x1;
	_ =	shalt  }
.Lfunc_end2:
_tile_overlayer_lowered:
.L_overlay_start_2:
0x261: {  	(tag) =	ssettag $0x2  }
0x262: {  	s0 =	rddreg [dreg:$0x0];
	s2 =	stileid.u32  }
0x263: {  	s1 =	rddreg [dreg:$0x1];
	p0 =	sne.s32 s2, $0x0  }
0x264: {  	s3 =	rddreg [dreg:$0x2];
	[bflag:$0x3] =	sbarrier.arrive $0xFFFF;
	s2 =	simm.s32 @!p0 $0x1C03  }
0x265: {  	[timem:s3], [sflag:s2] =	dma.local @!p0 [hbm:s0], s1  }
0x266: {  	s0 =	simm.s32 @!p0 $0x3  }
0x267: {  	_ =	swait.ge @!p0 [sflag:s0], s1  }
0x268: {  	s1 =	ssub.s32 @!p0 $0x0, s1;
	[sflag:s0] =	ssyncset.done @!p0 $0x0  }
0x269: {  	[sflag:s0] =	ssyncadd.s32 @!p0 s1  }
0x26a: {  	[bflag:$0x3] =	sbarrier.arrive $0xFFFF  }
0x26b: {  	_ =	shalt  }

</sc_bundles>
